<compile_context>
chip_gen: v7x
topology: tpu7x:2x2x1
jax: 0.10.2.dev20260603
libtpu: 0.0.44.dev20260713+nightly
codegen_flags: <defaults>
</compile_context>

<pallas_src>
import jax
import jax.numpy as jnp
from jax import lax
from jax.experimental import pallas as pl
from jax.experimental.pallas import tpu as pltpu
from jax.experimental.pallas import tpu_sc as plsc

NC = 2
NS = 16
NW = NC * NS
L = 16

N = 10000
D = 128
NPAD = 10240
F = D // NW

C = 8000

NEG = float("-inf")


def _sc_body(xt_hbm, pk_hbm, mt_hbm, acc, xs, pk_c0, pk_c1, sem_x, sem_p):
    pk_c = (pk_c0, pk_c1)
    cid = lax.axis_index("c")
    sid = lax.axis_index("s")
    wid = sid * NC + cid

    E = pk_hbm.shape[0]
    n_chunks = E // C

    xcp = pltpu.async_copy(
        xt_hbm.at[pl.ds(wid * F * NPAD, F * NPAD)], xs, sem_x)

    def chunk_off(ci):
        f = ci + wid * (n_chunks // NW)
        return jnp.where(f >= n_chunks, f - n_chunks, f) * C

    b0 = chunk_off(0)
    pltpu.async_copy(pk_hbm.at[pl.ds(b0, C)], pk_c[0], sem_p)

    neg_vec = jnp.full((L,), NEG, jnp.float32)

    def init_body(i, _):
        acc[pl.ds(i * L, L)] = neg_vec
        return 0

    lax.fori_loop(0, (F * NPAD + L) // L, init_body, 0)
    xcp.wait()

    lane = lax.iota(jnp.int32, L)
    seg_idx = [jnp.maximum(lane - k, 0) for k in (1, 2, 4, 8)]
    idx_dn = jnp.minimum(lane + 1, L - 1)
    lt_last = lane < (L - 1)
    trash_vec = jnp.full((L,), N, jnp.int32)

    def sort_group(g, slot):
        pk = pk_c[slot][pl.ds(g * L, L)]
        pks, _ = plsc.sort_key_val(plsc.bitcast(pk, jnp.uint32), pk)
        pksi = plsc.bitcast(pks, jnp.int32)
        ks = lax.shift_right_logical(pksi, 14)
        ss = pksi & (16384 - 1)
        return ks, ss

    def process_group(ks, ss):
        segi = [jnp.where(ks.at[iu].get(mode="promise_in_bounds") == ks,
                          iu, lane)
                for iu in seg_idx]
        nxt = ks.at[idx_dn].get(mode="promise_in_bounds")
        not_last = (nxt == ks) & lt_last
        pos0 = jnp.where(not_last, trash_vec, ks)
        avs = [plsc.load_gather(acc.at[pl.ds(f * NPAD, NPAD)], [ks])
               for f in range(F)]
        mvs = []
        for f in range(F):
            xv = plsc.load_gather(xs.at[pl.ds(f * NPAD, NPAD)], [ss])
            for si in segi:
                xv = jnp.maximum(xv, xv.at[si].get(mode="promise_in_bounds"))
            mvs.append(jnp.maximum(xv, avs[f]))
        for f in range(F):
            plsc.store_scatter(acc.at[pl.ds(f * NPAD, NPAD)], [pos0], mvs[f])

    def process_chunk(ci, slot):
        @pl.when(ci + 1 < n_chunks)
        def _():
            nb = chunk_off(ci + 1)
            pltpu.async_copy(pk_hbm.at[pl.ds(nb, C)], pk_c[1 - slot], sem_p)

        cb = chunk_off(ci)
        pltpu.make_async_copy(pk_hbm.at[pl.ds(cb, C)], pk_c[slot],
                              sem_p).wait()

        def scan_body(i, _):
            g0 = i * 4
            kv0 = sort_group(g0, slot)
            kv1 = sort_group(g0 + 1, slot)
            process_group(*kv0)
            kv2 = sort_group(g0 + 2, slot)
            process_group(*kv1)
            kv3 = sort_group(g0 + 3, slot)
            process_group(*kv2)
            process_group(*kv3)
            return 0

        lax.fori_loop(0, C // L // 4, scan_body, 0)

    def chunk_pair(o, _):
        process_chunk(o * 2, 0)
        process_chunk(o * 2 + 1, 1)
        return 0

    lax.fori_loop(0, n_chunks // 2, chunk_pair, 0)

    pltpu.sync_copy(acc.at[pl.ds(0, F * NPAD)],
                    mt_hbm.at[pl.ds(wid * F * NPAD, F * NPAD)])


def _sc_segmax(xt_flat, packed):
    mesh = plsc.VectorSubcoreMesh(core_axis_name="c", subcore_axis_name="s")
    f = pl.kernel(
        _sc_body,
        out_type=jax.ShapeDtypeStruct((D * NPAD,), jnp.float32),
        mesh=mesh,
        scratch_types=[
            pltpu.VMEM((F * NPAD + L,), jnp.float32),
            pltpu.VMEM((F * NPAD,), jnp.float32),
            pltpu.VMEM((C,), jnp.int32),
            pltpu.VMEM((C,), jnp.int32),
            pltpu.SemaphoreType.DMA,
            pltpu.SemaphoreType.DMA,
        ],
        compiler_params=pltpu.CompilerParams(needs_layout_passes=False),
    )
    return f(xt_flat, packed)


BLK = 1024


def _tc_body(x_ref, xt_ref, mt_ref, w_ref, b_ref, o_ref):
    xb = x_ref[...]
    xtb = xt_ref[...]
    mtb = mt_ref[...]
    mdt = jnp.where(mtb > NEG, mtb - xtb, jnp.float32(0.0))
    w1 = w_ref[:, :D]
    w2 = w_ref[:, D:]
    o_ref[...] = (
        lax.dot_general(xb, w1, (((1,), (1,)), ((), ())),
                        preferred_element_type=jnp.float32)
        + lax.dot_general(mdt, w2, (((0,), (1,)), ((), ())),
                          preferred_element_type=jnp.float32)
        + b_ref[...]
    )


def _tc_matmul(xp, xtp, mt, W, b):
    grid = (NPAD // BLK,)
    return pl.pallas_call(
        _tc_body,
        grid=grid,
        in_specs=[
            pl.BlockSpec((BLK, D), lambda i: (i, 0)),
            pl.BlockSpec((D, BLK), lambda i: (0, i)),
            pl.BlockSpec((D, BLK), lambda i: (0, i)),
            pl.BlockSpec((D, 2 * D), lambda i: (0, 0)),
            pl.BlockSpec((1, D), lambda i: (0, 0)),
        ],
        out_specs=pl.BlockSpec((BLK, D), lambda i: (i, 0)),
        out_shape=jax.ShapeDtypeStruct((NPAD, D), jnp.float32),
    )(xp, xtp, mt, W, b)


def kernel(x, edge_index, W, b):
    src = edge_index[0]
    dst = edge_index[1]
    packed = dst * 16384 + src
    xtp = jnp.pad(x.T, ((0, 0), (0, NPAD - N)))
    mt_flat = _sc_segmax(xtp.reshape(-1), packed)
    mt = mt_flat.reshape(D, NPAD)
    xp = jnp.pad(x, ((0, NPAD - N), (0, 0)))
    out = _tc_matmul(xp, xtp, mt, W, b.reshape(1, D))
    return out[:N]

# --- scband reference (transcript-rebuilt; emitter-appended) ---
"""Pipeline reference for scband-hatgnn-15917148799304 (READ-ONLY COPY).

The authoritative reference and input builder live on the scoring server;
editing this copy changes nothing except your own understanding.
"""

import jax, jax.numpy as jnp
import numpy as np

N = 10000
E = 320000
D = 128

def setup_inputs(seed: int = 0) -> dict:
    key = jax.random.key(seed)
    k1, k2, k3, k4 = jax.random.split(key, 4)
    x = jax.random.normal(k1, (N, D), dtype=jnp.float32)
    edge_index = jax.random.randint(k2, (2, E), 0, N, dtype=jnp.int32)
    # Linear W_update: in_features = 2*D, out_features = D (torch stores W as (out, in))
    W = jax.random.normal(k3, (D, 2 * D), dtype=jnp.float32) * 0.02
    b = jax.random.normal(k4, (D,), dtype=jnp.float32) * 0.02
    return {"x": x, "edge_index": edge_index, "W": W, "b": b}

def reference(x, edge_index, W, b):
    # MaxRelativeGraphConv.forward, vectorized:
    # diff = x[src] - x[dst]; max_diff[i] = max over edges with dst==i (0 if no edges)
    src = edge_index[0]
    dst = edge_index[1]
    diff = x[src] - x[dst]                      # (E, D) gather
    seg_max = jax.ops.segment_max(diff, dst, num_segments=N)  # (N, D) scatter-max
    count = jax.ops.segment_sum(jnp.ones((diff.shape[0],), dtype=jnp.float32), dst, num_segments=N)
    max_diff = jnp.where(count[:, None] > 0, seg_max, jnp.zeros_like(seg_max))
    x_cat = jnp.concatenate([x, max_diff], axis=-1)  # (N, 2D)
    return x_cat @ W.T + b

if __name__ == "__main__":
    import jax
    _d = setup_inputs()
    print(jax.jit(kernel)(*tuple(_d.values())))

</pallas_src>

<mosaic_0001>
#map = affine_map<(d0, d1) -> (0)>
module attributes {stable_mosaic.version = 14 : i64} {
  func.func @_sc_body(%arg0: i32, %arg1: i32, %arg2: memref<1310720xf32, #tpu.memory_space<hbm>>, %arg3: memref<320000xi32, #tpu.memory_space<hbm>>, %arg4: memref<1310720xf32, #tpu.memory_space<hbm>>, %arg5: memref<40976xf32, #tpu.memory_space<vmem>>, %arg6: memref<40960xf32, #tpu.memory_space<vmem>>, %arg7: memref<8000xi32, #tpu.memory_space<vmem>>, %arg8: memref<8000xi32, #tpu.memory_space<vmem>>, %arg9: memref<!tpu.dma_semaphore, #tpu.memory_space<semaphore_mem>>, %arg10: memref<!tpu.dma_semaphore, #tpu.memory_space<semaphore_mem>>) attributes {dimension_semantics = [#tpu.dimension_semantics<core_parallel>, #tpu.dimension_semantics<subcore_parallel>], iteration_bounds = array<i64: 2, 16>, scalar_prefetch = 0 : i64, scratch_operands = 6 : i64, tpu.core_type = #tpu.core_type<sc_vector_subcore>, window_params = [{transform_indices = #map}, {transform_indices = #map}, {transform_indices = #map}]} {
    %mul3A = arith.constant 2 : i32
    %mul3A_0 = arith.muli %arg1, %mul3A : i32
    %add3A = arith.addi %mul3A_0, %arg0 : i32
    %mul3A_1 = arith.constant 4 : i32
    %mul3A_2 = arith.muli %add3A, %mul3A_1 : i32
    %mul3A_3 = arith.constant 10240 : i32
    %mul3A_4 = arith.muli %mul3A_2, %mul3A_3 : i32
    %dma_start3A = tpu.memref_slice %arg2[%mul3A_4] : memref<1310720xf32, #tpu.memory_space<hbm>> -> memref<40960xf32, #tpu.memory_space<hbm>>
    %dma_start3A_5 = tpu.memref_slice %arg2[%mul3A_4] : memref<1310720xf32, #tpu.memory_space<hbm>> -> memref<40960xf32, #tpu.memory_space<hbm>>
    tpu.enqueue_dma source(%dma_start3A_5 : memref<40960xf32, #tpu.memory_space<hbm>>) target(%arg6 : memref<40960xf32, #tpu.memory_space<vmem>>) target_semaphore(%arg9 : memref<!tpu.dma_semaphore, #tpu.memory_space<semaphore_mem>>)
    %mul3A_6 = arith.constant 1 : i32
    %mul3A_7 = arith.muli %add3A, %mul3A_6 : i32
    %add3A_8 = arith.constant 0 : i32
    %add3A_9 = arith.addi %add3A_8, %mul3A_7 : i32
    %ge3A = arith.constant 40 : i32
    %ge3A_10 = arith.cmpi sge, %add3A_9, %ge3A : i32
    %sub3A = arith.constant 40 : i32
    %sub3A_11 = arith.subi %add3A_9, %sub3A : i32
    %select_n3A = arith.select %ge3A_10, %sub3A_11, %add3A_9 : i32
    %mul3A_12 = arith.constant 8000 : i32
    %mul3A_13 = arith.muli %select_n3A, %mul3A_12 : i32
    %dma_start3A_14 = tpu.memref_slice %arg3[%mul3A_13] : memref<320000xi32, #tpu.memory_space<hbm>> -> memref<8000xi32, #tpu.memory_space<hbm>>
    %dma_start3A_15 = tpu.memref_slice %arg3[%mul3A_13] : memref<320000xi32, #tpu.memory_space<hbm>> -> memref<8000xi32, #tpu.memory_space<hbm>>
    tpu.enqueue_dma source(%dma_start3A_15 : memref<8000xi32, #tpu.memory_space<hbm>>) target(%arg7 : memref<8000xi32, #tpu.memory_space<vmem>>) target_semaphore(%arg10 : memref<!tpu.dma_semaphore, #tpu.memory_space<semaphore_mem>>)
    %broadcast_in_dim3A = arith.constant 0xFF800000 : f32
    %broadcast_in_dim3A_16 = vector.broadcast %broadcast_in_dim3A : f32 to vector<16xf32>
    %scan3A = arith.constant 0 : i32
    %scan3A_17 = arith.constant 0 : i32
    %scan3A_18 = arith.constant 2561 : i32
    %scan3A_19 = arith.addi %scan3A_17, %scan3A_18 : i32
    %scan3A_20 = arith.constant 1 : i32
    %scan3A_21 = scf.for %scan3A_67 = %scan3A_17 to %scan3A_19 step %scan3A_20 iter_args(%scan3A_68 = %scan3A) -> (i32)  : i32 {
      %mul3A_69 = arith.constant 16 : i32
      %mul3A_70 = arith.muli %scan3A_67, %mul3A_69 : i32
      %swap3A = arith.index_cast %mul3A_70 : i32 to index
      %swap3A_71 = tpu.vector_load %arg5[%swap3A] {strides = array<i32>} : memref<40976xf32, #tpu.memory_space<vmem>>, vector<16xf32>,
      tpu.vector_store %arg5[%swap3A], %broadcast_in_dim3A_16 {strides = array<i32>} : memref<40976xf32, #tpu.memory_space<vmem>>, vector<16xf32>,
      %scan3A_72 = arith.constant 0 : i32
      scf.yield %scan3A_72 : i32
    }
    %scan3A_22 = arith.constant 2561 : i32
    %dma_wait3A = tpu.memref_slice %arg2[%mul3A_4] : memref<1310720xf32, #tpu.memory_space<hbm>> -> memref<40960xf32, #tpu.memory_space<hbm>>
    %dma_wait3A_23 = tpu.memref_slice %arg2[%mul3A_4] : memref<1310720xf32, #tpu.memory_space<hbm>> -> memref<40960xf32, #tpu.memory_space<hbm>>
    tpu.wait_dma2 semaphore(%arg9 : memref<!tpu.dma_semaphore, #tpu.memory_space<semaphore_mem>>) src(%dma_wait3A_23 : memref<40960xf32, #tpu.memory_space<hbm>>) dst(%arg6 : memref<40960xf32, #tpu.memory_space<vmem>>)
    %iota3A = tpu.iota {dimensions = array<i32: 0>} : vector<16xi32>
    %sub3A_24 = arith.constant 1 : i32
    %sub3A_25 = vector.broadcast %sub3A_24 : i32 to vector<16xi32>
    %sub3A_26 = arith.subi %iota3A, %sub3A_25 : vector<16xi32>
    %max3A = arith.constant 0 : i32
    %max3A_27 = vector.broadcast %max3A : i32 to vector<16xi32>
    %max3A_28 = arith.maxsi %sub3A_26, %max3A_27 : vector<16xi32>
    %sub3A_29 = arith.constant 2 : i32
    %sub3A_30 = vector.broadcast %sub3A_29 : i32 to vector<16xi32>
    %sub3A_31 = arith.subi %iota3A, %sub3A_30 : vector<16xi32>
    %max3A_32 = arith.constant 0 : i32
    %max3A_33 = vector.broadcast %max3A_32 : i32 to vector<16xi32>
    %max3A_34 = arith.maxsi %sub3A_31, %max3A_33 : vector<16xi32>
    %sub3A_35 = arith.constant 4 : i32
    %sub3A_36 = vector.broadcast %sub3A_35 : i32 to vector<16xi32>
    %sub3A_37 = arith.subi %iota3A, %sub3A_36 : vector<16xi32>
    %max3A_38 = arith.constant 0 : i32
    %max3A_39 = vector.broadcast %max3A_38 : i32 to vector<16xi32>
    %max3A_40 = arith.maxsi %sub3A_37, %max3A_39 : vector<16xi32>
    %sub3A_41 = arith.constant 8 : i32
    %sub3A_42 = vector.broadcast %sub3A_41 : i32 to vector<16xi32>
    %sub3A_43 = arith.subi %iota3A, %sub3A_42 : vector<16xi32>
    %max3A_44 = arith.constant 0 : i32
    %max3A_45 = vector.broadcast %max3A_44 : i32 to vector<16xi32>
    %max3A_46 = arith.maxsi %sub3A_43, %max3A_45 : vector<16xi32>
    %add3A_47 = arith.constant 1 : i32
    %add3A_48 = vector.broadcast %add3A_47 : i32 to vector<16xi32>
    %add3A_49 = arith.addi %iota3A, %add3A_48 : vector<16xi32>
    %min3A = arith.constant 15 : i32
    %min3A_50 = vector.broadcast %min3A : i32 to vector<16xi32>
    %min3A_51 = arith.minsi %add3A_49, %min3A_50 : vector<16xi32>
    %lt3A = arith.constant 15 : i32
    %lt3A_52 = vector.broadcast %lt3A : i32 to vector<16xi32>
    %lt3A_53 = arith.cmpi slt, %iota3A, %lt3A_52 : vector<16xi32>
    %broadcast_in_dim3A_54 = arith.constant 10000 : i32
    %broadcast_in_dim3A_55 = vector.broadcast %broadcast_in_dim3A_54 : i32 to vector<16xi32>
    %scan3A_56 = arith.constant 0 : i32
    %scan3A_57 = arith.constant 0 : i32
    %scan3A_58 = arith.constant 20 : i32
    %scan3A_59 = arith.addi %scan3A_57, %scan3A_58 : i32
    %scan3A_60 = arith.constant 1 : i32
    %scan3A_61 = scf.for %scan3A_67 = %scan3A_57 to %scan3A_59 step %scan3A_60 iter_args(%scan3A_68 = %scan3A_56) -> (i32)  : i32 {
      %mul3A_69 = arith.constant 2 : i32
      %mul3A_70 = arith.muli %scan3A_67, %mul3A_69 : i32
      %add3A_71 = arith.constant 1 : i32
      %add3A_72 = arith.addi %mul3A_70, %add3A_71 : i32
      %lt3A_73 = arith.constant 40 : i32
      %lt3A_74 = arith.cmpi slt, %add3A_72, %lt3A_73 : i32
      %convert_element_type3A = arith.extui %lt3A_74 : i1 to i32
      %cond3A = arith.constant 0 : i32
      %cond3A_75 = arith.cmpi ne, %convert_element_type3A, %cond3A : i32
      scf.if %cond3A_75 {
        %add3A_126 = arith.constant 1 : i32
        %add3A_127 = arith.addi %mul3A_70, %add3A_126 : i32
        %mul3A_128 = arith.constant 1 : i32
        %mul3A_129 = arith.muli %add3A, %mul3A_128 : i32
        %add3A_130 = arith.addi %add3A_127, %mul3A_129 : i32
        %ge3A_131 = arith.constant 40 : i32
        %ge3A_132 = arith.cmpi sge, %add3A_130, %ge3A_131 : i32
        %sub3A_133 = arith.constant 40 : i32
        %sub3A_134 = arith.subi %add3A_130, %sub3A_133 : i32
        %select_n3A_135 = arith.select %ge3A_132, %sub3A_134, %add3A_130 : i32
        %mul3A_136 = arith.constant 8000 : i32
        %mul3A_137 = arith.muli %select_n3A_135, %mul3A_136 : i32
        %dma_start3A_138 = tpu.memref_slice %arg3[%mul3A_137] : memref<320000xi32, #tpu.memory_space<hbm>> -> memref<8000xi32, #tpu.memory_space<hbm>>
        %dma_start3A_139 = tpu.memref_slice %arg3[%mul3A_137] : memref<320000xi32, #tpu.memory_space<hbm>> -> memref<8000xi32, #tpu.memory_space<hbm>>
        tpu.enqueue_dma source(%dma_start3A_139 : memref<8000xi32, #tpu.memory_space<hbm>>) target(%arg8 : memref<8000xi32, #tpu.memory_space<vmem>>) target_semaphore(%arg10 : memref<!tpu.dma_semaphore, #tpu.memory_space<semaphore_mem>>)
      } else {
      }
      %mul3A_76 = arith.constant 1 : i32
      %mul3A_77 = arith.muli %add3A, %mul3A_76 : i32
      %add3A_78 = arith.addi %mul3A_70, %mul3A_77 : i32
      %ge3A_79 = arith.constant 40 : i32
      %ge3A_80 = arith.cmpi sge, %add3A_78, %ge3A_79 : i32
      %sub3A_81 = arith.constant 40 : i32
      %sub3A_82 = arith.subi %add3A_78, %sub3A_81 : i32
      %select_n3A_83 = arith.select %ge3A_80, %sub3A_82, %add3A_78 : i32
      %mul3A_84 = arith.constant 8000 : i32
      %mul3A_85 = arith.muli %select_n3A_83, %mul3A_84 : i32
      %dma_wait3A_86 = tpu.memref_slice %arg3[%mul3A_85] : memref<320000xi32, #tpu.memory_space<hbm>> -> memref<8000xi32, #tpu.memory_space<hbm>>
      %dma_wait3A_87 = tpu.memref_slice %arg3[%mul3A_85] : memref<320000xi32, #tpu.memory_space<hbm>> -> memref<8000xi32, #tpu.memory_space<hbm>>
      tpu.wait_dma2 semaphore(%arg10 : memref<!tpu.dma_semaphore, #tpu.memory_space<semaphore_mem>>) src(%dma_wait3A_87 : memref<8000xi32, #tpu.memory_space<hbm>>) dst(%arg7 : memref<8000xi32, #tpu.memory_space<vmem>>)
      %scan3A_88 = arith.constant 0 : i32
      %scan3A_89 = arith.constant 0 : i32
      %scan3A_90 = arith.constant 125 : i32
      %scan3A_91 = arith.addi %scan3A_89, %scan3A_90 : i32
      %scan3A_92 = arith.constant 1 : i32
      %scan3A_93 = scf.for %scan3A_126 = %scan3A_89 to %scan3A_91 step %scan3A_92 iter_args(%scan3A_127 = %scan3A_88) -> (i32)  : i32 {
        %mul3A_128 = arith.constant 4 : i32
        %mul3A_129 = arith.muli %scan3A_126, %mul3A_128 : i32
        %mul3A_130 = arith.constant 16 : i32
        %mul3A_131 = arith.muli %mul3A_129, %mul3A_130 : i32
        %get3A = arith.index_cast %mul3A_131 : i32 to index
        %get3A_132 = tpu.vector_load %arg7[%get3A] {strides = array<i32>} : memref<8000xi32, #tpu.memory_space<vmem>>, vector<16xi32>,
        %bitcast3A = vector.bitcast %get3A_132 : vector<16xi32> to vector<16xi32>
        %masked_sort3A = arith.constant dense<true> : vector<16xi1>
        %masked_sort3A_133, %masked_sort3A_134, %masked_sort3A_135 = tpu.sort %bitcast3A, %get3A_132 masked %masked_sort3A : (vector<16xi32>, vector<16xi32>, vector<16xi1>) -> (vector<16xi1>, vector<16xi32>, vector<16xi32>)
        %bitcast3A_136 = vector.bitcast %masked_sort3A_134 : vector<16xi32> to vector<16xi32>
        %shift_right_logical3A = arith.constant 14 : i32
        %shift_right_logical3A_137 = vector.broadcast %shift_right_logical3A : i32 to vector<16xi32>
        %shift_right_logical3A_138 = arith.shrui %bitcast3A_136, %shift_right_logical3A_137 : vector<16xi32>
        %and3A = arith.constant 16383 : i32
        %and3A_139 = vector.broadcast %and3A : i32 to vector<16xi32>
        %and3A_140 = arith.andi %bitcast3A_136, %and3A_139 : vector<16xi32>
        %add3A_141 = arith.constant 1 : i32
        %add3A_142 = arith.addi %mul3A_129, %add3A_141 : i32
        %mul3A_143 = arith.constant 16 : i32
        %mul3A_144 = arith.muli %add3A_142, %mul3A_143 : i32
        %get3A_145 = arith.index_cast %mul3A_144 : i32 to index
        %get3A_146 = tpu.vector_load %arg7[%get3A_145] {strides = array<i32>} : memref<8000xi32, #tpu.memory_space<vmem>>, vector<16xi32>,
        %bitcast3A_147 = vector.bitcast %get3A_146 : vector<16xi32> to vector<16xi32>
        %masked_sort3A_148 = arith.constant dense<true> : vector<16xi1>
        %masked_sort3A_149, %masked_sort3A_150, %masked_sort3A_151 = tpu.sort %bitcast3A_147, %get3A_146 masked %masked_sort3A_148 : (vector<16xi32>, vector<16xi32>, vector<16xi1>) -> (vector<16xi1>, vector<16xi32>, vector<16xi32>)
        %bitcast3A_152 = vector.bitcast %masked_sort3A_150 : vector<16xi32> to vector<16xi32>
        %shift_right_logical3A_153 = arith.constant 14 : i32
        %shift_right_logical3A_154 = vector.broadcast %shift_right_logical3A_153 : i32 to vector<16xi32>
        %shift_right_logical3A_155 = arith.shrui %bitcast3A_152, %shift_right_logical3A_154 : vector<16xi32>
        %and3A_156 = arith.constant 16383 : i32
        %and3A_157 = vector.broadcast %and3A_156 : i32 to vector<16xi32>
        %and3A_158 = arith.andi %bitcast3A_152, %and3A_157 : vector<16xi32>
        %lt3A_159 = arith.constant 0 : i32
        %lt3A_160 = vector.broadcast %lt3A_159 : i32 to vector<16xi32>
        %lt3A_161 = arith.cmpi slt, %max3A_28, %lt3A_160 : vector<16xi32>
        %add3A_162 = arith.constant 16 : i32
        %add3A_163 = vector.broadcast %add3A_162 : i32 to vector<16xi32>
        %add3A_164 = arith.addi %max3A_28, %add3A_163 : vector<16xi32>
        %select_n3A_165 = arith.select %lt3A_161, %add3A_164, %max3A_28 : vector<16xi1>, vector<16xi32>
        %broadcast_in_dim3A_166 = vector.shape_cast %select_n3A_165 : vector<16xi32> to vector<16x1xi32>
        %gather3A = vector.shape_cast %broadcast_in_dim3A_166 : vector<16x1xi32> to vector<16xi32>
        %gather3A_167 = tpu.dynamic_gather %shift_right_logical3A_138[%gather3A] in [0] : vector<16xi32>, vector<16xi32> -> vector<16xi32>
        %eq3A = arith.cmpi eq, %gather3A_167, %shift_right_logical3A_138 : vector<16xi32>
        %select_n3A_168 = arith.select %eq3A, %max3A_28, %iota3A : vector<16xi1>, vector<16xi32>
        %lt3A_169 = arith.constant 0 : i32
        %lt3A_170 = vector.broadcast %lt3A_169 : i32 to vector<16xi32>
        %lt3A_171 = arith.cmpi slt, %max3A_34, %lt3A_170 : vector<16xi32>
        %add3A_172 = arith.constant 16 : i32
        %add3A_173 = vector.broadcast %add3A_172 : i32 to vector<16xi32>
        %add3A_174 = arith.addi %max3A_34, %add3A_173 : vector<16xi32>
        %select_n3A_175 = arith.select %lt3A_171, %add3A_174, %max3A_34 : vector<16xi1>, vector<16xi32>
        %broadcast_in_dim3A_176 = vector.shape_cast %select_n3A_175 : vector<16xi32> to vector<16x1xi32>
        %gather3A_177 = vector.shape_cast %broadcast_in_dim3A_176 : vector<16x1xi32> to vector<16xi32>
        %gather3A_178 = tpu.dynamic_gather %shift_right_logical3A_138[%gather3A_177] in [0] : vector<16xi32>, vector<16xi32> -> vector<16xi32>
        %eq3A_179 = arith.cmpi eq, %gather3A_178, %shift_right_logical3A_138 : vector<16xi32>
        %select_n3A_180 = arith.select %eq3A_179, %max3A_34, %iota3A : vector<16xi1>, vector<16xi32>
        %lt3A_181 = arith.constant 0 : i32
        %lt3A_182 = vector.broadcast %lt3A_181 : i32 to vector<16xi32>
        %lt3A_183 = arith.cmpi slt, %max3A_40, %lt3A_182 : vector<16xi32>
        %add3A_184 = arith.constant 16 : i32
        %add3A_185 = vector.broadcast %add3A_184 : i32 to vector<16xi32>
        %add3A_186 = arith.addi %max3A_40, %add3A_185 : vector<16xi32>
        %select_n3A_187 = arith.select %lt3A_183, %add3A_186, %max3A_40 : vector<16xi1>, vector<16xi32>
        %broadcast_in_dim3A_188 = vector.shape_cast %select_n3A_187 : vector<16xi32> to vector<16x1xi32>
        %gather3A_189 = vector.shape_cast %broadcast_in_dim3A_188 : vector<16x1xi32> to vector<16xi32>
        %gather3A_190 = tpu.dynamic_gather %shift_right_logical3A_138[%gather3A_189] in [0] : vector<16xi32>, vector<16xi32> -> vector<16xi32>
        %eq3A_191 = arith.cmpi eq, %gather3A_190, %shift_right_logical3A_138 : vector<16xi32>
        %select_n3A_192 = arith.select %eq3A_191, %max3A_40, %iota3A : vector<16xi1>, vector<16xi32>
        %lt3A_193 = arith.constant 0 : i32
        %lt3A_194 = vector.broadcast %lt3A_193 : i32 to vector<16xi32>
        %lt3A_195 = arith.cmpi slt, %max3A_46, %lt3A_194 : vector<16xi32>
        %add3A_196 = arith.constant 16 : i32
        %add3A_197 = vector.broadcast %add3A_196 : i32 to vector<16xi32>
        %add3A_198 = arith.addi %max3A_46, %add3A_197 : vector<16xi32>
        %select_n3A_199 = arith.select %lt3A_195, %add3A_198, %max3A_46 : vector<16xi1>, vector<16xi32>
        %broadcast_in_dim3A_200 = vector.shape_cast %select_n3A_199 : vector<16xi32> to vector<16x1xi32>
        %gather3A_201 = vector.shape_cast %broadcast_in_dim3A_200 : vector<16x1xi32> to vector<16xi32>
        %gather3A_202 = tpu.dynamic_gather %shift_right_logical3A_138[%gather3A_201] in [0] : vector<16xi32>, vector<16xi32> -> vector<16xi32>
        %eq3A_203 = arith.cmpi eq, %gather3A_202, %shift_right_logical3A_138 : vector<16xi32>
        %select_n3A_204 = arith.select %eq3A_203, %max3A_46, %iota3A : vector<16xi1>, vector<16xi32>
        %lt3A_205 = arith.constant 0 : i32
        %lt3A_206 = vector.broadcast %lt3A_205 : i32 to vector<16xi32>
        %lt3A_207 = arith.cmpi slt, %min3A_51, %lt3A_206 : vector<16xi32>
        %add3A_208 = arith.constant 16 : i32
        %add3A_209 = vector.broadcast %add3A_208 : i32 to vector<16xi32>
        %add3A_210 = arith.addi %min3A_51, %add3A_209 : vector<16xi32>
        %select_n3A_211 = arith.select %lt3A_207, %add3A_210, %min3A_51 : vector<16xi1>, vector<16xi32>
        %broadcast_in_dim3A_212 = vector.shape_cast %select_n3A_211 : vector<16xi32> to vector<16x1xi32>
        %gather3A_213 = vector.shape_cast %broadcast_in_dim3A_212 : vector<16x1xi32> to vector<16xi32>
        %gather3A_214 = tpu.dynamic_gather %shift_right_logical3A_138[%gather3A_213] in [0] : vector<16xi32>, vector<16xi32> -> vector<16xi32>
        %eq3A_215 = arith.cmpi eq, %gather3A_214, %shift_right_logical3A_138 : vector<16xi32>
        %and3A_216 = arith.andi %eq3A_215, %lt3A_53 : vector<16xi1>
        %select_n3A_217 = arith.select %and3A_216, %broadcast_in_dim3A_55, %shift_right_logical3A_138 : vector<16xi1>, vector<16xi32>
        %gather3A_218 = arith.constant 0 : i32
        %gather3A_219 = tpu.memref_slice %arg5[%gather3A_218] : memref<40976xf32, #tpu.memory_space<vmem>> -> memref<10240xf32, #tpu.memory_space<vmem>>
        %gather3A_220 = tpu.vector_load_idx %gather3A_219[%shift_right_logical3A_138] : memref<10240xf32, #tpu.memory_space<vmem>>[vector<16xi32>], vector<16xf32>,
        %gather3A_221 = arith.constant 10240 : i32
        %gather3A_222 = tpu.memref_slice %arg5[%gather3A_221] : memref<40976xf32, #tpu.memory_space<vmem>> -> memref<10240xf32, #tpu.memory_space<vmem>>
        %gather3A_223 = tpu.vector_load_idx %gather3A_222[%shift_right_logical3A_138] : memref<10240xf32, #tpu.memory_space<vmem>>[vector<16xi32>], vector<16xf32>,
        %gather3A_224 = arith.constant 20480 : i32
        %gather3A_225 = tpu.memref_slice %arg5[%gather3A_224] : memref<40976xf32, #tpu.memory_space<vmem>> -> memref<10240xf32, #tpu.memory_space<vmem>>
        %gather3A_226 = tpu.vector_load_idx %gather3A_225[%shift_right_logical3A_138] : memref<10240xf32, #tpu.memory_space<vmem>>[vector<16xi32>], vector<16xf32>,
        %gather3A_227 = arith.constant 30720 : i32
        %gather3A_228 = tpu.memref_slice %arg5[%gather3A_227] : memref<40976xf32, #tpu.memory_space<vmem>> -> memref<10240xf32, #tpu.memory_space<vmem>>
        %gather3A_229 = tpu.vector_load_idx %gather3A_228[%shift_right_logical3A_138] : memref<10240xf32, #tpu.memory_space<vmem>>[vector<16xi32>], vector<16xf32>,
        %gather3A_230 = arith.constant 0 : i32
        %gather3A_231 = tpu.memref_slice %arg6[%gather3A_230] : memref<40960xf32, #tpu.memory_space<vmem>> -> memref<10240xf32, #tpu.memory_space<vmem>>
        %gather3A_232 = tpu.vector_load_idx %gather3A_231[%and3A_140] : memref<10240xf32, #tpu.memory_space<vmem>>[vector<16xi32>], vector<16xf32>,
        %lt3A_233 = arith.constant 0 : i32
        %lt3A_234 = vector.broadcast %lt3A_233 : i32 to vector<16xi32>
        %lt3A_235 = arith.cmpi slt, %select_n3A_168, %lt3A_234 : vector<16xi32>
        %add3A_236 = arith.constant 16 : i32
        %add3A_237 = vector.broadcast %add3A_236 : i32 to vector<16xi32>
        %add3A_238 = arith.addi %select_n3A_168, %add3A_237 : vector<16xi32>
        %select_n3A_239 = arith.select %lt3A_235, %add3A_238, %select_n3A_168 : vector<16xi1>, vector<16xi32>
        %broadcast_in_dim3A_240 = vector.shape_cast %select_n3A_239 : vector<16xi32> to vector<16x1xi32>
        %gather3A_241 = vector.shape_cast %broadcast_in_dim3A_240 : vector<16x1xi32> to vector<16xi32>
        %gather3A_242 = tpu.dynamic_gather %gather3A_232[%gather3A_241] in [0] : vector<16xf32>, vector<16xi32> -> vector<16xf32>
        %max3A_243 = arith.maximumf %gather3A_232, %gather3A_242 : vector<16xf32>
        %lt3A_244 = arith.constant 0 : i32
        %lt3A_245 = vector.broadcast %lt3A_244 : i32 to vector<16xi32>
        %lt3A_246 = arith.cmpi slt, %select_n3A_180, %lt3A_245 : vector<16xi32>
        %add3A_247 = arith.constant 16 : i32
        %add3A_248 = vector.broadcast %add3A_247 : i32 to vector<16xi32>
        %add3A_249 = arith.addi %select_n3A_180, %add3A_248 : vector<16xi32>
        %select_n3A_250 = arith.select %lt3A_246, %add3A_249, %select_n3A_180 : vector<16xi1>, vector<16xi32>
        %broadcast_in_dim3A_251 = vector.shape_cast %select_n3A_250 : vector<16xi32> to vector<16x1xi32>
        %gather3A_252 = vector.shape_cast %broadcast_in_dim3A_251 : vector<16x1xi32> to vector<16xi32>
        %gather3A_253 = tpu.dynamic_gather %max3A_243[%gather3A_252] in [0] : vector<16xf32>, vector<16xi32> -> vector<16xf32>
        %max3A_254 = arith.maximumf %max3A_243, %gather3A_253 : vector<16xf32>
        %lt3A_255 = arith.constant 0 : i32
        %lt3A_256 = vector.broadcast %lt3A_255 : i32 to vector<16xi32>
        %lt3A_257 = arith.cmpi slt, %select_n3A_192, %lt3A_256 : vector<16xi32>
        %add3A_258 = arith.constant 16 : i32
        %add3A_259 = vector.broadcast %add3A_258 : i32 to vector<16xi32>
        %add3A_260 = arith.addi %select_n3A_192, %add3A_259 : vector<16xi32>
        %select_n3A_261 = arith.select %lt3A_257, %add3A_260, %select_n3A_192 : vector<16xi1>, vector<16xi32>
        %broadcast_in_dim3A_262 = vector.shape_cast %select_n3A_261 : vector<16xi32> to vector<16x1xi32>
        %gather3A_263 = vector.shape_cast %broadcast_in_dim3A_262 : vector<16x1xi32> to vector<16xi32>
        %gather3A_264 = tpu.dynamic_gather %max3A_254[%gather3A_263] in [0] : vector<16xf32>, vector<16xi32> -> vector<16xf32>
        %max3A_265 = arith.maximumf %max3A_254, %gather3A_264 : vector<16xf32>
        %lt3A_266 = arith.constant 0 : i32
        %lt3A_267 = vector.broadcast %lt3A_266 : i32 to vector<16xi32>
        %lt3A_268 = arith.cmpi slt, %select_n3A_204, %lt3A_267 : vector<16xi32>
        %add3A_269 = arith.constant 16 : i32
        %add3A_270 = vector.broadcast %add3A_269 : i32 to vector<16xi32>
        %add3A_271 = arith.addi %select_n3A_204, %add3A_270 : vector<16xi32>
        %select_n3A_272 = arith.select %lt3A_268, %add3A_271, %select_n3A_204 : vector<16xi1>, vector<16xi32>
        %broadcast_in_dim3A_273 = vector.shape_cast %select_n3A_272 : vector<16xi32> to vector<16x1xi32>
        %gather3A_274 = vector.shape_cast %broadcast_in_dim3A_273 : vector<16x1xi32> to vector<16xi32>
        %gather3A_275 = tpu.dynamic_gather %max3A_265[%gather3A_274] in [0] : vector<16xf32>, vector<16xi32> -> vector<16xf32>
        %max3A_276 = arith.maximumf %max3A_265, %gather3A_275 : vector<16xf32>
        %max3A_277 = arith.maximumf %max3A_276, %gather3A_220 : vector<16xf32>
        %gather3A_278 = arith.constant 10240 : i32
        %gather3A_279 = tpu.memref_slice %arg6[%gather3A_278] : memref<40960xf32, #tpu.memory_space<vmem>> -> memref<10240xf32, #tpu.memory_space<vmem>>
        %gather3A_280 = tpu.vector_load_idx %gather3A_279[%and3A_140] : memref<10240xf32, #tpu.memory_space<vmem>>[vector<16xi32>], vector<16xf32>,
        %lt3A_281 = arith.constant 0 : i32
        %lt3A_282 = vector.broadcast %lt3A_281 : i32 to vector<16xi32>
        %lt3A_283 = arith.cmpi slt, %select_n3A_168, %lt3A_282 : vector<16xi32>
        %add3A_284 = arith.constant 16 : i32
        %add3A_285 = vector.broadcast %add3A_284 : i32 to vector<16xi32>
        %add3A_286 = arith.addi %select_n3A_168, %add3A_285 : vector<16xi32>
        %select_n3A_287 = arith.select %lt3A_283, %add3A_286, %select_n3A_168 : vector<16xi1>, vector<16xi32>
        %broadcast_in_dim3A_288 = vector.shape_cast %select_n3A_287 : vector<16xi32> to vector<16x1xi32>
        %gather3A_289 = vector.shape_cast %broadcast_in_dim3A_288 : vector<16x1xi32> to vector<16xi32>
        %gather3A_290 = tpu.dynamic_gather %gather3A_280[%gather3A_289] in [0] : vector<16xf32>, vector<16xi32> -> vector<16xf32>
        %max3A_291 = arith.maximumf %gather3A_280, %gather3A_290 : vector<16xf32>
        %lt3A_292 = arith.constant 0 : i32
        %lt3A_293 = vector.broadcast %lt3A_292 : i32 to vector<16xi32>
        %lt3A_294 = arith.cmpi slt, %select_n3A_180, %lt3A_293 : vector<16xi32>
        %add3A_295 = arith.constant 16 : i32
        %add3A_296 = vector.broadcast %add3A_295 : i32 to vector<16xi32>
        %add3A_297 = arith.addi %select_n3A_180, %add3A_296 : vector<16xi32>
        %select_n3A_298 = arith.select %lt3A_294, %add3A_297, %select_n3A_180 : vector<16xi1>, vector<16xi32>
        %broadcast_in_dim3A_299 = vector.shape_cast %select_n3A_298 : vector<16xi32> to vector<16x1xi32>
        %gather3A_300 = vector.shape_cast %broadcast_in_dim3A_299 : vector<16x1xi32> to vector<16xi32>
        %gather3A_301 = tpu.dynamic_gather %max3A_291[%gather3A_300] in [0] : vector<16xf32>, vector<16xi32> -> vector<16xf32>
        %max3A_302 = arith.maximumf %max3A_291, %gather3A_301 : vector<16xf32>
        %lt3A_303 = arith.constant 0 : i32
        %lt3A_304 = vector.broadcast %lt3A_303 : i32 to vector<16xi32>
        %lt3A_305 = arith.cmpi slt, %select_n3A_192, %lt3A_304 : vector<16xi32>
        %add3A_306 = arith.constant 16 : i32
        %add3A_307 = vector.broadcast %add3A_306 : i32 to vector<16xi32>
        %add3A_308 = arith.addi %select_n3A_192, %add3A_307 : vector<16xi32>
        %select_n3A_309 = arith.select %lt3A_305, %add3A_308, %select_n3A_192 : vector<16xi1>, vector<16xi32>
        %broadcast_in_dim3A_310 = vector.shape_cast %select_n3A_309 : vector<16xi32> to vector<16x1xi32>
        %gather3A_311 = vector.shape_cast %broadcast_in_dim3A_310 : vector<16x1xi32> to vector<16xi32>
        %gather3A_312 = tpu.dynamic_gather %max3A_302[%gather3A_311] in [0] : vector<16xf32>, vector<16xi32> -> vector<16xf32>
        %max3A_313 = arith.maximumf %max3A_302, %gather3A_312 : vector<16xf32>
        %lt3A_314 = arith.constant 0 : i32
        %lt3A_315 = vector.broadcast %lt3A_314 : i32 to vector<16xi32>
        %lt3A_316 = arith.cmpi slt, %select_n3A_204, %lt3A_315 : vector<16xi32>
        %add3A_317 = arith.constant 16 : i32
        %add3A_318 = vector.broadcast %add3A_317 : i32 to vector<16xi32>
        %add3A_319 = arith.addi %select_n3A_204, %add3A_318 : vector<16xi32>
        %select_n3A_320 = arith.select %lt3A_316, %add3A_319, %select_n3A_204 : vector<16xi1>, vector<16xi32>
        %broadcast_in_dim3A_321 = vector.shape_cast %select_n3A_320 : vector<16xi32> to vector<16x1xi32>
        %gather3A_322 = vector.shape_cast %broadcast_in_dim3A_321 : vector<16x1xi32> to vector<16xi32>
        %gather3A_323 = tpu.dynamic_gather %max3A_313[%gather3A_322] in [0] : vector<16xf32>, vector<16xi32> -> vector<16xf32>
        %max3A_324 = arith.maximumf %max3A_313, %gather3A_323 : vector<16xf32>
        %max3A_325 = arith.maximumf %max3A_324, %gather3A_223 : vector<16xf32>
        %gather3A_326 = arith.constant 20480 : i32
        %gather3A_327 = tpu.memref_slice %arg6[%gather3A_326] : memref<40960xf32, #tpu.memory_space<vmem>> -> memref<10240xf32, #tpu.memory_space<vmem>>
        %gather3A_328 = tpu.vector_load_idx %gather3A_327[%and3A_140] : memref<10240xf32, #tpu.memory_space<vmem>>[vector<16xi32>], vector<16xf32>,
        %lt3A_329 = arith.constant 0 : i32
        %lt3A_330 = vector.broadcast %lt3A_329 : i32 to vector<16xi32>
        %lt3A_331 = arith.cmpi slt, %select_n3A_168, %lt3A_330 : vector<16xi32>
        %add3A_332 = arith.constant 16 : i32
        %add3A_333 = vector.broadcast %add3A_332 : i32 to vector<16xi32>
        %add3A_334 = arith.addi %select_n3A_168, %add3A_333 : vector<16xi32>
        %select_n3A_335 = arith.select %lt3A_331, %add3A_334, %select_n3A_168 : vector<16xi1>, vector<16xi32>
        %broadcast_in_dim3A_336 = vector.shape_cast %select_n3A_335 : vector<16xi32> to vector<16x1xi32>
        %gather3A_337 = vector.shape_cast %broadcast_in_dim3A_336 : vector<16x1xi32> to vector<16xi32>
        %gather3A_338 = tpu.dynamic_gather %gather3A_328[%gather3A_337] in [0] : vector<16xf32>, vector<16xi32> -> vector<16xf32>
        %max3A_339 = arith.maximumf %gather3A_328, %gather3A_338 : vector<16xf32>
        %lt3A_340 = arith.constant 0 : i32
        %lt3A_341 = vector.broadcast %lt3A_340 : i32 to vector<16xi32>
        %lt3A_342 = arith.cmpi slt, %select_n3A_180, %lt3A_341 : vector<16xi32>
        %add3A_343 = arith.constant 16 : i32
        %add3A_344 = vector.broadcast %add3A_343 : i32 to vector<16xi32>
        %add3A_345 = arith.addi %select_n3A_180, %add3A_344 : vector<16xi32>
        %select_n3A_346 = arith.select %lt3A_342, %add3A_345, %select_n3A_180 : vector<16xi1>, vector<16xi32>
        %broadcast_in_dim3A_347 = vector.shape_cast %select_n3A_346 : vector<16xi32> to vector<16x1xi32>
        %gather3A_348 = vector.shape_cast %broadcast_in_dim3A_347 : vector<16x1xi32> to vector<16xi32>
        %gather3A_349 = tpu.dynamic_gather %max3A_339[%gather3A_348] in [0] : vector<16xf32>, vector<16xi32> -> vector<16xf32>
        %max3A_350 = arith.maximumf %max3A_339, %gather3A_349 : vector<16xf32>
        %lt3A_351 = arith.constant 0 : i32
        %lt3A_352 = vector.broadcast %lt3A_351 : i32 to vector<16xi32>
        %lt3A_353 = arith.cmpi slt, %select_n3A_192, %lt3A_352 : vector<16xi32>
        %add3A_354 = arith.constant 16 : i32
        %add3A_355 = vector.broadcast %add3A_354 : i32 to vector<16xi32>
        %add3A_356 = arith.addi %select_n3A_192, %add3A_355 : vector<16xi32>
        %select_n3A_357 = arith.select %lt3A_353, %add3A_356, %select_n3A_192 : vector<16xi1>, vector<16xi32>
        %broadcast_in_dim3A_358 = vector.shape_cast %select_n3A_357 : vector<16xi32> to vector<16x1xi32>
        %gather3A_359 = vector.shape_cast %broadcast_in_dim3A_358 : vector<16x1xi32> to vector<16xi32>
        %gather3A_360 = tpu.dynamic_gather %max3A_350[%gather3A_359] in [0] : vector<16xf32>, vector<16xi32> -> vector<16xf32>
        %max3A_361 = arith.maximumf %max3A_350, %gather3A_360 : vector<16xf32>
        %lt3A_362 = arith.constant 0 : i32
        %lt3A_363 = vector.broadcast %lt3A_362 : i32 to vector<16xi32>
        %lt3A_364 = arith.cmpi slt, %select_n3A_204, %lt3A_363 : vector<16xi32>
        %add3A_365 = arith.constant 16 : i32
        %add3A_366 = vector.broadcast %add3A_365 : i32 to vector<16xi32>
        %add3A_367 = arith.addi %select_n3A_204, %add3A_366 : vector<16xi32>
        %select_n3A_368 = arith.select %lt3A_364, %add3A_367, %select_n3A_204 : vector<16xi1>, vector<16xi32>
        %broadcast_in_dim3A_369 = vector.shape_cast %select_n3A_368 : vector<16xi32> to vector<16x1xi32>
        %gather3A_370 = vector.shape_cast %broadcast_in_dim3A_369 : vector<16x1xi32> to vector<16xi32>
        %gather3A_371 = tpu.dynamic_gather %max3A_361[%gather3A_370] in [0] : vector<16xf32>, vector<16xi32> -> vector<16xf32>
        %max3A_372 = arith.maximumf %max3A_361, %gather3A_371 : vector<16xf32>
        %max3A_373 = arith.maximumf %max3A_372, %gather3A_226 : vector<16xf32>
        %gather3A_374 = arith.constant 30720 : i32
        %gather3A_375 = tpu.memref_slice %arg6[%gather3A_374] : memref<40960xf32, #tpu.memory_space<vmem>> -> memref<10240xf32, #tpu.memory_space<vmem>>
        %gather3A_376 = tpu.vector_load_idx %gather3A_375[%and3A_140] : memref<10240xf32, #tpu.memory_space<vmem>>[vector<16xi32>], vector<16xf32>,
        %lt3A_377 = arith.constant 0 : i32
        %lt3A_378 = vector.broadcast %lt3A_377 : i32 to vector<16xi32>
        %lt3A_379 = arith.cmpi slt, %select_n3A_168, %lt3A_378 : vector<16xi32>
        %add3A_380 = arith.constant 16 : i32
        %add3A_381 = vector.broadcast %add3A_380 : i32 to vector<16xi32>
        %add3A_382 = arith.addi %select_n3A_168, %add3A_381 : vector<16xi32>
        %select_n3A_383 = arith.select %lt3A_379, %add3A_382, %select_n3A_168 : vector<16xi1>, vector<16xi32>
        %broadcast_in_dim3A_384 = vector.shape_cast %select_n3A_383 : vector<16xi32> to vector<16x1xi32>
        %gather3A_385 = vector.shape_cast %broadcast_in_dim3A_384 : vector<16x1xi32> to vector<16xi32>
        %gather3A_386 = tpu.dynamic_gather %gather3A_376[%gather3A_385] in [0] : vector<16xf32>, vector<16xi32> -> vector<16xf32>
        %max3A_387 = arith.maximumf %gather3A_376, %gather3A_386 : vector<16xf32>
        %lt3A_388 = arith.constant 0 : i32
        %lt3A_389 = vector.broadcast %lt3A_388 : i32 to vector<16xi32>
        %lt3A_390 = arith.cmpi slt, %select_n3A_180, %lt3A_389 : vector<16xi32>
        %add3A_391 = arith.constant 16 : i32
        %add3A_392 = vector.broadcast %add3A_391 : i32 to vector<16xi32>
        %add3A_393 = arith.addi %select_n3A_180, %add3A_392 : vector<16xi32>
        %select_n3A_394 = arith.select %lt3A_390, %add3A_393, %select_n3A_180 : vector<16xi1>, vector<16xi32>
        %broadcast_in_dim3A_395 = vector.shape_cast %select_n3A_394 : vector<16xi32> to vector<16x1xi32>
        %gather3A_396 = vector.shape_cast %broadcast_in_dim3A_395 : vector<16x1xi32> to vector<16xi32>
        %gather3A_397 = tpu.dynamic_gather %max3A_387[%gather3A_396] in [0] : vector<16xf32>, vector<16xi32> -> vector<16xf32>
        %max3A_398 = arith.maximumf %max3A_387, %gather3A_397 : vector<16xf32>
        %lt3A_399 = arith.constant 0 : i32
        %lt3A_400 = vector.broadcast %lt3A_399 : i32 to vector<16xi32>
        %lt3A_401 = arith.cmpi slt, %select_n3A_192, %lt3A_400 : vector<16xi32>
        %add3A_402 = arith.constant 16 : i32
        %add3A_403 = vector.broadcast %add3A_402 : i32 to vector<16xi32>
        %add3A_404 = arith.addi %select_n3A_192, %add3A_403 : vector<16xi32>
        %select_n3A_405 = arith.select %lt3A_401, %add3A_404, %select_n3A_192 : vector<16xi1>, vector<16xi32>
        %broadcast_in_dim3A_406 = vector.shape_cast %select_n3A_405 : vector<16xi32> to vector<16x1xi32>
        %gather3A_407 = vector.shape_cast %broadcast_in_dim3A_406 : vector<16x1xi32> to vector<16xi32>
        %gather3A_408 = tpu.dynamic_gather %max3A_398[%gather3A_407] in [0] : vector<16xf32>, vector<16xi32> -> vector<16xf32>
        %max3A_409 = arith.maximumf %max3A_398, %gather3A_408 : vector<16xf32>
        %lt3A_410 = arith.constant 0 : i32
        %lt3A_411 = vector.broadcast %lt3A_410 : i32 to vector<16xi32>
        %lt3A_412 = arith.cmpi slt, %select_n3A_204, %lt3A_411 : vector<16xi32>
        %add3A_413 = arith.constant 16 : i32
        %add3A_414 = vector.broadcast %add3A_413 : i32 to vector<16xi32>
        %add3A_415 = arith.addi %select_n3A_204, %add3A_414 : vector<16xi32>
        %select_n3A_416 = arith.select %lt3A_412, %add3A_415, %select_n3A_204 : vector<16xi1>, vector<16xi32>
        %broadcast_in_dim3A_417 = vector.shape_cast %select_n3A_416 : vector<16xi32> to vector<16x1xi32>
        %gather3A_418 = vector.shape_cast %broadcast_in_dim3A_417 : vector<16x1xi32> to vector<16xi32>
        %gather3A_419 = tpu.dynamic_gather %max3A_409[%gather3A_418] in [0] : vector<16xf32>, vector<16xi32> -> vector<16xf32>
        %max3A_420 = arith.maximumf %max3A_409, %gather3A_419 : vector<16xf32>
        %max3A_421 = arith.maximumf %max3A_420, %gather3A_229 : vector<16xf32>
        %scatter3A = arith.constant 0 : i32
        %scatter3A_422 = tpu.memref_slice %arg5[%scatter3A] : memref<40976xf32, #tpu.memory_space<vmem>> -> memref<10240xf32, #tpu.memory_space<vmem>>
        tpu.vector_store_idx %scatter3A_422[%select_n3A_217], %max3A_277 : memref<10240xf32, #tpu.memory_space<vmem>>[vector<16xi32>], vector<16xf32>,
        %scatter3A_423 = arith.constant 10240 : i32
        %scatter3A_424 = tpu.memref_slice %arg5[%scatter3A_423] : memref<40976xf32, #tpu.memory_space<vmem>> -> memref<10240xf32, #tpu.memory_space<vmem>>
        tpu.vector_store_idx %scatter3A_424[%select_n3A_217], %max3A_325 : memref<10240xf32, #tpu.memory_space<vmem>>[vector<16xi32>], vector<16xf32>,
        %scatter3A_425 = arith.constant 20480 : i32
        %scatter3A_426 = tpu.memref_slice %arg5[%scatter3A_425] : memref<40976xf32, #tpu.memory_space<vmem>> -> memref<10240xf32, #tpu.memory_space<vmem>>
        tpu.vector_store_idx %scatter3A_426[%select_n3A_217], %max3A_373 : memref<10240xf32, #tpu.memory_space<vmem>>[vector<16xi32>], vector<16xf32>,
        %scatter3A_427 = arith.constant 30720 : i32
        %scatter3A_428 = tpu.memref_slice %arg5[%scatter3A_427] : memref<40976xf32, #tpu.memory_space<vmem>> -> memref<10240xf32, #tpu.memory_space<vmem>>
        tpu.vector_store_idx %scatter3A_428[%select_n3A_217], %max3A_421 : memref<10240xf32, #tpu.memory_space<vmem>>[vector<16xi32>], vector<16xf32>,
        %add3A_429 = arith.constant 2 : i32
        %add3A_430 = arith.addi %mul3A_129, %add3A_429 : i32
        %mul3A_431 = arith.constant 16 : i32
        %mul3A_432 = arith.muli %add3A_430, %mul3A_431 : i32
        %get3A_433 = arith.index_cast %mul3A_432 : i32 to index
        %get3A_434 = tpu.vector_load %arg7[%get3A_433] {strides = array<i32>} : memref<8000xi32, #tpu.memory_space<vmem>>, vector<16xi32>,
        %bitcast3A_435 = vector.bitcast %get3A_434 : vector<16xi32> to vector<16xi32>
        %masked_sort3A_436 = arith.constant dense<true> : vector<16xi1>
        %masked_sort3A_437, %masked_sort3A_438, %masked_sort3A_439 = tpu.sort %bitcast3A_435, %get3A_434 masked %masked_sort3A_436 : (vector<16xi32>, vector<16xi32>, vector<16xi1>) -> (vector<16xi1>, vector<16xi32>, vector<16xi32>)
        %bitcast3A_440 = vector.bitcast %masked_sort3A_438 : vector<16xi32> to vector<16xi32>
        %shift_right_logical3A_441 = arith.constant 14 : i32
        %shift_right_logical3A_442 = vector.broadcast %shift_right_logical3A_441 : i32 to vector<16xi32>
        %shift_right_logical3A_443 = arith.shrui %bitcast3A_440, %shift_right_logical3A_442 : vector<16xi32>
        %and3A_444 = arith.constant 16383 : i32
        %and3A_445 = vector.broadcast %and3A_444 : i32 to vector<16xi32>
        %and3A_446 = arith.andi %bitcast3A_440, %and3A_445 : vector<16xi32>
        %lt3A_447 = arith.constant 0 : i32
        %lt3A_448 = vector.broadcast %lt3A_447 : i32 to vector<16xi32>
        %lt3A_449 = arith.cmpi slt, %max3A_28, %lt3A_448 : vector<16xi32>
        %add3A_450 = arith.constant 16 : i32
        %add3A_451 = vector.broadcast %add3A_450 : i32 to vector<16xi32>
        %add3A_452 = arith.addi %max3A_28, %add3A_451 : vector<16xi32>
        %select_n3A_453 = arith.select %lt3A_449, %add3A_452, %max3A_28 : vector<16xi1>, vector<16xi32>
        %broadcast_in_dim3A_454 = vector.shape_cast %select_n3A_453 : vector<16xi32> to vector<16x1xi32>
        %gather3A_455 = vector.shape_cast %broadcast_in_dim3A_454 : vector<16x1xi32> to vector<16xi32>
        %gather3A_456 = tpu.dynamic_gather %shift_right_logical3A_155[%gather3A_455] in [0] : vector<16xi32>, vector<16xi32> -> vector<16xi32>
        %eq3A_457 = arith.cmpi eq, %gather3A_456, %shift_right_logical3A_155 : vector<16xi32>
        %select_n3A_458 = arith.select %eq3A_457, %max3A_28, %iota3A : vector<16xi1>, vector<16xi32>
        %lt3A_459 = arith.constant 0 : i32
        %lt3A_460 = vector.broadcast %lt3A_459 : i32 to vector<16xi32>
        %lt3A_461 = arith.cmpi slt, %max3A_34, %lt3A_460 : vector<16xi32>
        %add3A_462 = arith.constant 16 : i32
        %add3A_463 = vector.broadcast %add3A_462 : i32 to vector<16xi32>
        %add3A_464 = arith.addi %max3A_34, %add3A_463 : vector<16xi32>
        %select_n3A_465 = arith.select %lt3A_461, %add3A_464, %max3A_34 : vector<16xi1>, vector<16xi32>
        %broadcast_in_dim3A_466 = vector.shape_cast %select_n3A_465 : vector<16xi32> to vector<16x1xi32>
        %gather3A_467 = vector.shape_cast %broadcast_in_dim3A_466 : vector<16x1xi32> to vector<16xi32>
        %gather3A_468 = tpu.dynamic_gather %shift_right_logical3A_155[%gather3A_467] in [0] : vector<16xi32>, vector<16xi32> -> vector<16xi32>
        %eq3A_469 = arith.cmpi eq, %gather3A_468, %shift_right_logical3A_155 : vector<16xi32>
        %select_n3A_470 = arith.select %eq3A_469, %max3A_34, %iota3A : vector<16xi1>, vector<16xi32>
        %lt3A_471 = arith.constant 0 : i32
        %lt3A_472 = vector.broadcast %lt3A_471 : i32 to vector<16xi32>
        %lt3A_473 = arith.cmpi slt, %max3A_40, %lt3A_472 : vector<16xi32>
        %add3A_474 = arith.constant 16 : i32
        %add3A_475 = vector.broadcast %add3A_474 : i32 to vector<16xi32>
        %add3A_476 = arith.addi %max3A_40, %add3A_475 : vector<16xi32>
        %select_n3A_477 = arith.select %lt3A_473, %add3A_476, %max3A_40 : vector<16xi1>, vector<16xi32>
        %broadcast_in_dim3A_478 = vector.shape_cast %select_n3A_477 : vector<16xi32> to vector<16x1xi32>
        %gather3A_479 = vector.shape_cast %broadcast_in_dim3A_478 : vector<16x1xi32> to vector<16xi32>
        %gather3A_480 = tpu.dynamic_gather %shift_right_logical3A_155[%gather3A_479] in [0] : vector<16xi32>, vector<16xi32> -> vector<16xi32>
        %eq3A_481 = arith.cmpi eq, %gather3A_480, %shift_right_logical3A_155 : vector<16xi32>
        %select_n3A_482 = arith.select %eq3A_481, %max3A_40, %iota3A : vector<16xi1>, vector<16xi32>
        %lt3A_483 = arith.constant 0 : i32
        %lt3A_484 = vector.broadcast %lt3A_483 : i32 to vector<16xi32>
        %lt3A_485 = arith.cmpi slt, %max3A_46, %lt3A_484 : vector<16xi32>
        %add3A_486 = arith.constant 16 : i32
        %add3A_487 = vector.broadcast %add3A_486 : i32 to vector<16xi32>
        %add3A_488 = arith.addi %max3A_46, %add3A_487 : vector<16xi32>
        %select_n3A_489 = arith.select %lt3A_485, %add3A_488, %max3A_46 : vector<16xi1>, vector<16xi32>
        %broadcast_in_dim3A_490 = vector.shape_cast %select_n3A_489 : vector<16xi32> to vector<16x1xi32>
        %gather3A_491 = vector.shape_cast %broadcast_in_dim3A_490 : vector<16x1xi32> to vector<16xi32>
        %gather3A_492 = tpu.dynamic_gather %shift_right_logical3A_155[%gather3A_491] in [0] : vector<16xi32>, vector<16xi32> -> vector<16xi32>
        %eq3A_493 = arith.cmpi eq, %gather3A_492, %shift_right_logical3A_155 : vector<16xi32>
        %select_n3A_494 = arith.select %eq3A_493, %max3A_46, %iota3A : vector<16xi1>, vector<16xi32>
        %lt3A_495 = arith.constant 0 : i32
        %lt3A_496 = vector.broadcast %lt3A_495 : i32 to vector<16xi32>
        %lt3A_497 = arith.cmpi slt, %min3A_51, %lt3A_496 : vector<16xi32>
        %add3A_498 = arith.constant 16 : i32
        %add3A_499 = vector.broadcast %add3A_498 : i32 to vector<16xi32>
        %add3A_500 = arith.addi %min3A_51, %add3A_499 : vector<16xi32>
        %select_n3A_501 = arith.select %lt3A_497, %add3A_500, %min3A_51 : vector<16xi1>, vector<16xi32>
        %broadcast_in_dim3A_502 = vector.shape_cast %select_n3A_501 : vector<16xi32> to vector<16x1xi32>
        %gather3A_503 = vector.shape_cast %broadcast_in_dim3A_502 : vector<16x1xi32> to vector<16xi32>
        %gather3A_504 = tpu.dynamic_gather %shift_right_logical3A_155[%gather3A_503] in [0] : vector<16xi32>, vector<16xi32> -> vector<16xi32>
        %eq3A_505 = arith.cmpi eq, %gather3A_504, %shift_right_logical3A_155 : vector<16xi32>
        %and3A_506 = arith.andi %eq3A_505, %lt3A_53 : vector<16xi1>
        %select_n3A_507 = arith.select %and3A_506, %broadcast_in_dim3A_55, %shift_right_logical3A_155 : vector<16xi1>, vector<16xi32>
        %gather3A_508 = arith.constant 0 : i32
        %gather3A_509 = tpu.memref_slice %arg5[%gather3A_508] : memref<40976xf32, #tpu.memory_space<vmem>> -> memref<10240xf32, #tpu.memory_space<vmem>>
        %gather3A_510 = tpu.vector_load_idx %gather3A_509[%shift_right_logical3A_155] : memref<10240xf32, #tpu.memory_space<vmem>>[vector<16xi32>], vector<16xf32>,
        %gather3A_511 = arith.constant 10240 : i32
        %gather3A_512 = tpu.memref_slice %arg5[%gather3A_511] : memref<40976xf32, #tpu.memory_space<vmem>> -> memref<10240xf32, #tpu.memory_space<vmem>>
        %gather3A_513 = tpu.vector_load_idx %gather3A_512[%shift_right_logical3A_155] : memref<10240xf32, #tpu.memory_space<vmem>>[vector<16xi32>], vector<16xf32>,
        %gather3A_514 = arith.constant 20480 : i32
        %gather3A_515 = tpu.memref_slice %arg5[%gather3A_514] : memref<40976xf32, #tpu.memory_space<vmem>> -> memref<10240xf32, #tpu.memory_space<vmem>>
        %gather3A_516 = tpu.vector_load_idx %gather3A_515[%shift_right_logical3A_155] : memref<10240xf32, #tpu.memory_space<vmem>>[vector<16xi32>], vector<16xf32>,
        %gather3A_517 = arith.constant 30720 : i32
        %gather3A_518 = tpu.memref_slice %arg5[%gather3A_517] : memref<40976xf32, #tpu.memory_space<vmem>> -> memref<10240xf32, #tpu.memory_space<vmem>>
        %gather3A_519 = tpu.vector_load_idx %gather3A_518[%shift_right_logical3A_155] : memref<10240xf32, #tpu.memory_space<vmem>>[vector<16xi32>], vector<16xf32>,
        %gather3A_520 = arith.constant 0 : i32
        %gather3A_521 = tpu.memref_slice %arg6[%gather3A_520] : memref<40960xf32, #tpu.memory_space<vmem>> -> memref<10240xf32, #tpu.memory_space<vmem>>
        %gather3A_522 = tpu.vector_load_idx %gather3A_521[%and3A_158] : memref<10240xf32, #tpu.memory_space<vmem>>[vector<16xi32>], vector<16xf32>,
        %lt3A_523 = arith.constant 0 : i32
        %lt3A_524 = vector.broadcast %lt3A_523 : i32 to vector<16xi32>
        %lt3A_525 = arith.cmpi slt, %select_n3A_458, %lt3A_524 : vector<16xi32>
        %add3A_526 = arith.constant 16 : i32
        %add3A_527 = vector.broadcast %add3A_526 : i32 to vector<16xi32>
        %add3A_528 = arith.addi %select_n3A_458, %add3A_527 : vector<16xi32>
        %select_n3A_529 = arith.select %lt3A_525, %add3A_528, %select_n3A_458 : vector<16xi1>, vector<16xi32>
        %broadcast_in_dim3A_530 = vector.shape_cast %select_n3A_529 : vector<16xi32> to vector<16x1xi32>
        %gather3A_531 = vector.shape_cast %broadcast_in_dim3A_530 : vector<16x1xi32> to vector<16xi32>
        %gather3A_532 = tpu.dynamic_gather %gather3A_522[%gather3A_531] in [0] : vector<16xf32>, vector<16xi32> -> vector<16xf32>
        %max3A_533 = arith.maximumf %gather3A_522, %gather3A_532 : vector<16xf32>
        %lt3A_534 = arith.constant 0 : i32
        %lt3A_535 = vector.broadcast %lt3A_534 : i32 to vector<16xi32>
        %lt3A_536 = arith.cmpi slt, %select_n3A_470, %lt3A_535 : vector<16xi32>
        %add3A_537 = arith.constant 16 : i32
        %add3A_538 = vector.broadcast %add3A_537 : i32 to vector<16xi32>
        %add3A_539 = arith.addi %select_n3A_470, %add3A_538 : vector<16xi32>
        %select_n3A_540 = arith.select %lt3A_536, %add3A_539, %select_n3A_470 : vector<16xi1>, vector<16xi32>
        %broadcast_in_dim3A_541 = vector.shape_cast %select_n3A_540 : vector<16xi32> to vector<16x1xi32>
        %gather3A_542 = vector.shape_cast %broadcast_in_dim3A_541 : vector<16x1xi32> to vector<16xi32>
        %gather3A_543 = tpu.dynamic_gather %max3A_533[%gather3A_542] in [0] : vector<16xf32>, vector<16xi32> -> vector<16xf32>
        %max3A_544 = arith.maximumf %max3A_533, %gather3A_543 : vector<16xf32>
        %lt3A_545 = arith.constant 0 : i32
        %lt3A_546 = vector.broadcast %lt3A_545 : i32 to vector<16xi32>
        %lt3A_547 = arith.cmpi slt, %select_n3A_482, %lt3A_546 : vector<16xi32>
        %add3A_548 = arith.constant 16 : i32
        %add3A_549 = vector.broadcast %add3A_548 : i32 to vector<16xi32>
        %add3A_550 = arith.addi %select_n3A_482, %add3A_549 : vector<16xi32>
        %select_n3A_551 = arith.select %lt3A_547, %add3A_550, %select_n3A_482 : vector<16xi1>, vector<16xi32>
        %broadcast_in_dim3A_552 = vector.shape_cast %select_n3A_551 : vector<16xi32> to vector<16x1xi32>
        %gather3A_553 = vector.shape_cast %broadcast_in_dim3A_552 : vector<16x1xi32> to vector<16xi32>
        %gather3A_554 = tpu.dynamic_gather %max3A_544[%gather3A_553] in [0] : vector<16xf32>, vector<16xi32> -> vector<16xf32>
        %max3A_555 = arith.maximumf %max3A_544, %gather3A_554 : vector<16xf32>
        %lt3A_556 = arith.constant 0 : i32
        %lt3A_557 = vector.broadcast %lt3A_556 : i32 to vector<16xi32>
        %lt3A_558 = arith.cmpi slt, %select_n3A_494, %lt3A_557 : vector<16xi32>
        %add3A_559 = arith.constant 16 : i32
        %add3A_560 = vector.broadcast %add3A_559 : i32 to vector<16xi32>
        %add3A_561 = arith.addi %select_n3A_494, %add3A_560 : vector<16xi32>
        %select_n3A_562 = arith.select %lt3A_558, %add3A_561, %select_n3A_494 : vector<16xi1>, vector<16xi32>
        %broadcast_in_dim3A_563 = vector.shape_cast %select_n3A_562 : vector<16xi32> to vector<16x1xi32>
        %gather3A_564 = vector.shape_cast %broadcast_in_dim3A_563 : vector<16x1xi32> to vector<16xi32>
        %gather3A_565 = tpu.dynamic_gather %max3A_555[%gather3A_564] in [0] : vector<16xf32>, vector<16xi32> -> vector<16xf32>
        %max3A_566 = arith.maximumf %max3A_555, %gather3A_565 : vector<16xf32>
        %max3A_567 = arith.maximumf %max3A_566, %gather3A_510 : vector<16xf32>
        %gather3A_568 = arith.constant 10240 : i32
        %gather3A_569 = tpu.memref_slice %arg6[%gather3A_568] : memref<40960xf32, #tpu.memory_space<vmem>> -> memref<10240xf32, #tpu.memory_space<vmem>>
        %gather3A_570 = tpu.vector_load_idx %gather3A_569[%and3A_158] : memref<10240xf32, #tpu.memory_space<vmem>>[vector<16xi32>], vector<16xf32>,
        %lt3A_571 = arith.constant 0 : i32
        %lt3A_572 = vector.broadcast %lt3A_571 : i32 to vector<16xi32>
        %lt3A_573 = arith.cmpi slt, %select_n3A_458, %lt3A_572 : vector<16xi32>
        %add3A_574 = arith.constant 16 : i32
        %add3A_575 = vector.broadcast %add3A_574 : i32 to vector<16xi32>
        %add3A_576 = arith.addi %select_n3A_458, %add3A_575 : vector<16xi32>
        %select_n3A_577 = arith.select %lt3A_573, %add3A_576, %select_n3A_458 : vector<16xi1>, vector<16xi32>
        %broadcast_in_dim3A_578 = vector.shape_cast %select_n3A_577 : vector<16xi32> to vector<16x1xi32>
        %gather3A_579 = vector.shape_cast %broadcast_in_dim3A_578 : vector<16x1xi32> to vector<16xi32>
        %gather3A_580 = tpu.dynamic_gather %gather3A_570[%gather3A_579] in [0] : vector<16xf32>, vector<16xi32> -> vector<16xf32>
        %max3A_581 = arith.maximumf %gather3A_570, %gather3A_580 : vector<16xf32>
        %lt3A_582 = arith.constant 0 : i32
        %lt3A_583 = vector.broadcast %lt3A_582 : i32 to vector<16xi32>
        %lt3A_584 = arith.cmpi slt, %select_n3A_470, %lt3A_583 : vector<16xi32>
        %add3A_585 = arith.constant 16 : i32
        %add3A_586 = vector.broadcast %add3A_585 : i32 to vector<16xi32>
        %add3A_587 = arith.addi %select_n3A_470, %add3A_586 : vector<16xi32>
        %select_n3A_588 = arith.select %lt3A_584, %add3A_587, %select_n3A_470 : vector<16xi1>, vector<16xi32>
        %broadcast_in_dim3A_589 = vector.shape_cast %select_n3A_588 : vector<16xi32> to vector<16x1xi32>
        %gather3A_590 = vector.shape_cast %broadcast_in_dim3A_589 : vector<16x1xi32> to vector<16xi32>
        %gather3A_591 = tpu.dynamic_gather %max3A_581[%gather3A_590] in [0] : vector<16xf32>, vector<16xi32> -> vector<16xf32>
        %max3A_592 = arith.maximumf %max3A_581, %gather3A_591 : vector<16xf32>
        %lt3A_593 = arith.constant 0 : i32
        %lt3A_594 = vector.broadcast %lt3A_593 : i32 to vector<16xi32>
        %lt3A_595 = arith.cmpi slt, %select_n3A_482, %lt3A_594 : vector<16xi32>
        %add3A_596 = arith.constant 16 : i32
        %add3A_597 = vector.broadcast %add3A_596 : i32 to vector<16xi32>
        %add3A_598 = arith.addi %select_n3A_482, %add3A_597 : vector<16xi32>
        %select_n3A_599 = arith.select %lt3A_595, %add3A_598, %select_n3A_482 : vector<16xi1>, vector<16xi32>
        %broadcast_in_dim3A_600 = vector.shape_cast %select_n3A_599 : vector<16xi32> to vector<16x1xi32>
        %gather3A_601 = vector.shape_cast %broadcast_in_dim3A_600 : vector<16x1xi32> to vector<16xi32>
        %gather3A_602 = tpu.dynamic_gather %max3A_592[%gather3A_601] in [0] : vector<16xf32>, vector<16xi32> -> vector<16xf32>
        %max3A_603 = arith.maximumf %max3A_592, %gather3A_602 : vector<16xf32>
        %lt3A_604 = arith.constant 0 : i32
        %lt3A_605 = vector.broadcast %lt3A_604 : i32 to vector<16xi32>
        %lt3A_606 = arith.cmpi slt, %select_n3A_494, %lt3A_605 : vector<16xi32>
        %add3A_607 = arith.constant 16 : i32
        %add3A_608 = vector.broadcast %add3A_607 : i32 to vector<16xi32>
        %add3A_609 = arith.addi %select_n3A_494, %add3A_608 : vector<16xi32>
        %select_n3A_610 = arith.select %lt3A_606, %add3A_609, %select_n3A_494 : vector<16xi1>, vector<16xi32>
        %broadcast_in_dim3A_611 = vector.shape_cast %select_n3A_610 : vector<16xi32> to vector<16x1xi32>
        %gather3A_612 = vector.shape_cast %broadcast_in_dim3A_611 : vector<16x1xi32> to vector<16xi32>
        %gather3A_613 = tpu.dynamic_gather %max3A_603[%gather3A_612] in [0] : vector<16xf32>, vector<16xi32> -> vector<16xf32>
        %max3A_614 = arith.maximumf %max3A_603, %gather3A_613 : vector<16xf32>
        %max3A_615 = arith.maximumf %max3A_614, %gather3A_513 : vector<16xf32>
        %gather3A_616 = arith.constant 20480 : i32
        %gather3A_617 = tpu.memref_slice %arg6[%gather3A_616] : memref<40960xf32, #tpu.memory_space<vmem>> -> memref<10240xf32, #tpu.memory_space<vmem>>
        %gather3A_618 = tpu.vector_load_idx %gather3A_617[%and3A_158] : memref<10240xf32, #tpu.memory_space<vmem>>[vector<16xi32>], vector<16xf32>,
        %lt3A_619 = arith.constant 0 : i32
        %lt3A_620 = vector.broadcast %lt3A_619 : i32 to vector<16xi32>
        %lt3A_621 = arith.cmpi slt, %select_n3A_458, %lt3A_620 : vector<16xi32>
        %add3A_622 = arith.constant 16 : i32
        %add3A_623 = vector.broadcast %add3A_622 : i32 to vector<16xi32>
        %add3A_624 = arith.addi %select_n3A_458, %add3A_623 : vector<16xi32>
        %select_n3A_625 = arith.select %lt3A_621, %add3A_624, %select_n3A_458 : vector<16xi1>, vector<16xi32>
        %broadcast_in_dim3A_626 = vector.shape_cast %select_n3A_625 : vector<16xi32> to vector<16x1xi32>
        %gather3A_627 = vector.shape_cast %broadcast_in_dim3A_626 : vector<16x1xi32> to vector<16xi32>
        %gather3A_628 = tpu.dynamic_gather %gather3A_618[%gather3A_627] in [0] : vector<16xf32>, vector<16xi32> -> vector<16xf32>
        %max3A_629 = arith.maximumf %gather3A_618, %gather3A_628 : vector<16xf32>
        %lt3A_630 = arith.constant 0 : i32
        %lt3A_631 = vector.broadcast %lt3A_630 : i32 to vector<16xi32>
        %lt3A_632 = arith.cmpi slt, %select_n3A_470, %lt3A_631 : vector<16xi32>
        %add3A_633 = arith.constant 16 : i32
        %add3A_634 = vector.broadcast %add3A_633 : i32 to vector<16xi32>
        %add3A_635 = arith.addi %select_n3A_470, %add3A_634 : vector<16xi32>
        %select_n3A_636 = arith.select %lt3A_632, %add3A_635, %select_n3A_470 : vector<16xi1>, vector<16xi32>
        %broadcast_in_dim3A_637 = vector.shape_cast %select_n3A_636 : vector<16xi32> to vector<16x1xi32>
        %gather3A_638 = vector.shape_cast %broadcast_in_dim3A_637 : vector<16x1xi32> to vector<16xi32>
        %gather3A_639 = tpu.dynamic_gather %max3A_629[%gather3A_638] in [0] : vector<16xf32>, vector<16xi32> -> vector<16xf32>
        %max3A_640 = arith.maximumf %max3A_629, %gather3A_639 : vector<16xf32>
        %lt3A_641 = arith.constant 0 : i32
        %lt3A_642 = vector.broadcast %lt3A_641 : i32 to vector<16xi32>
        %lt3A_643 = arith.cmpi slt, %select_n3A_482, %lt3A_642 : vector<16xi32>
        %add3A_644 = arith.constant 16 : i32
        %add3A_645 = vector.broadcast %add3A_644 : i32 to vector<16xi32>
        %add3A_646 = arith.addi %select_n3A_482, %add3A_645 : vector<16xi32>
        %select_n3A_647 = arith.select %lt3A_643, %add3A_646, %select_n3A_482 : vector<16xi1>, vector<16xi32>
        %broadcast_in_dim3A_648 = vector.shape_cast %select_n3A_647 : vector<16xi32> to vector<16x1xi32>
        %gather3A_649 = vector.shape_cast %broadcast_in_dim3A_648 : vector<16x1xi32> to vector<16xi32>
        %gather3A_650 = tpu.dynamic_gather %max3A_640[%gather3A_649] in [0] : vector<16xf32>, vector<16xi32> -> vector<16xf32>
        %max3A_651 = arith.maximumf %max3A_640, %gather3A_650 : vector<16xf32>
        %lt3A_652 = arith.constant 0 : i32
        %lt3A_653 = vector.broadcast %lt3A_652 : i32 to vector<16xi32>
        %lt3A_654 = arith.cmpi slt, %select_n3A_494, %lt3A_653 : vector<16xi32>
        %add3A_655 = arith.constant 16 : i32
        %add3A_656 = vector.broadcast %add3A_655 : i32 to vector<16xi32>
        %add3A_657 = arith.addi %select_n3A_494, %add3A_656 : vector<16xi32>
        %select_n3A_658 = arith.select %lt3A_654, %add3A_657, %select_n3A_494 : vector<16xi1>, vector<16xi32>
        %broadcast_in_dim3A_659 = vector.shape_cast %select_n3A_658 : vector<16xi32> to vector<16x1xi32>
        %gather3A_660 = vector.shape_cast %broadcast_in_dim3A_659 : vector<16x1xi32> to vector<16xi32>
        %gather3A_661 = tpu.dynamic_gather %max3A_651[%gather3A_660] in [0] : vector<16xf32>, vector<16xi32> -> vector<16xf32>
        %max3A_662 = arith.maximumf %max3A_651, %gather3A_661 : vector<16xf32>
        %max3A_663 = arith.maximumf %max3A_662, %gather3A_516 : vector<16xf32>
        %gather3A_664 = arith.constant 30720 : i32
        %gather3A_665 = tpu.memref_slice %arg6[%gather3A_664] : memref<40960xf32, #tpu.memory_space<vmem>> -> memref<10240xf32, #tpu.memory_space<vmem>>
        %gather3A_666 = tpu.vector_load_idx %gather3A_665[%and3A_158] : memref<10240xf32, #tpu.memory_space<vmem>>[vector<16xi32>], vector<16xf32>,
        %lt3A_667 = arith.constant 0 : i32
        %lt3A_668 = vector.broadcast %lt3A_667 : i32 to vector<16xi32>
        %lt3A_669 = arith.cmpi slt, %select_n3A_458, %lt3A_668 : vector<16xi32>
        %add3A_670 = arith.constant 16 : i32
        %add3A_671 = vector.broadcast %add3A_670 : i32 to vector<16xi32>
        %add3A_672 = arith.addi %select_n3A_458, %add3A_671 : vector<16xi32>
        %select_n3A_673 = arith.select %lt3A_669, %add3A_672, %select_n3A_458 : vector<16xi1>, vector<16xi32>
        %broadcast_in_dim3A_674 = vector.shape_cast %select_n3A_673 : vector<16xi32> to vector<16x1xi32>
        %gather3A_675 = vector.shape_cast %broadcast_in_dim3A_674 : vector<16x1xi32> to vector<16xi32>
        %gather3A_676 = tpu.dynamic_gather %gather3A_666[%gather3A_675] in [0] : vector<16xf32>, vector<16xi32> -> vector<16xf32>
        %max3A_677 = arith.maximumf %gather3A_666, %gather3A_676 : vector<16xf32>
        %lt3A_678 = arith.constant 0 : i32
        %lt3A_679 = vector.broadcast %lt3A_678 : i32 to vector<16xi32>
        %lt3A_680 = arith.cmpi slt, %select_n3A_470, %lt3A_679 : vector<16xi32>
        %add3A_681 = arith.constant 16 : i32
        %add3A_682 = vector.broadcast %add3A_681 : i32 to vector<16xi32>
        %add3A_683 = arith.addi %select_n3A_470, %add3A_682 : vector<16xi32>
        %select_n3A_684 = arith.select %lt3A_680, %add3A_683, %select_n3A_470 : vector<16xi1>, vector<16xi32>
        %broadcast_in_dim3A_685 = vector.shape_cast %select_n3A_684 : vector<16xi32> to vector<16x1xi32>
        %gather3A_686 = vector.shape_cast %broadcast_in_dim3A_685 : vector<16x1xi32> to vector<16xi32>
        %gather3A_687 = tpu.dynamic_gather %max3A_677[%gather3A_686] in [0] : vector<16xf32>, vector<16xi32> -> vector<16xf32>
        %max3A_688 = arith.maximumf %max3A_677, %gather3A_687 : vector<16xf32>
        %lt3A_689 = arith.constant 0 : i32
        %lt3A_690 = vector.broadcast %lt3A_689 : i32 to vector<16xi32>
        %lt3A_691 = arith.cmpi slt, %select_n3A_482, %lt3A_690 : vector<16xi32>
        %add3A_692 = arith.constant 16 : i32
        %add3A_693 = vector.broadcast %add3A_692 : i32 to vector<16xi32>
        %add3A_694 = arith.addi %select_n3A_482, %add3A_693 : vector<16xi32>
        %select_n3A_695 = arith.select %lt3A_691, %add3A_694, %select_n3A_482 : vector<16xi1>, vector<16xi32>
        %broadcast_in_dim3A_696 = vector.shape_cast %select_n3A_695 : vector<16xi32> to vector<16x1xi32>
        %gather3A_697 = vector.shape_cast %broadcast_in_dim3A_696 : vector<16x1xi32> to vector<16xi32>
        %gather3A_698 = tpu.dynamic_gather %max3A_688[%gather3A_697] in [0] : vector<16xf32>, vector<16xi32> -> vector<16xf32>
        %max3A_699 = arith.maximumf %max3A_688, %gather3A_698 : vector<16xf32>
        %lt3A_700 = arith.constant 0 : i32
        %lt3A_701 = vector.broadcast %lt3A_700 : i32 to vector<16xi32>
        %lt3A_702 = arith.cmpi slt, %select_n3A_494, %lt3A_701 : vector<16xi32>
        %add3A_703 = arith.constant 16 : i32
        %add3A_704 = vector.broadcast %add3A_703 : i32 to vector<16xi32>
        %add3A_705 = arith.addi %select_n3A_494, %add3A_704 : vector<16xi32>
        %select_n3A_706 = arith.select %lt3A_702, %add3A_705, %select_n3A_494 : vector<16xi1>, vector<16xi32>
        %broadcast_in_dim3A_707 = vector.shape_cast %select_n3A_706 : vector<16xi32> to vector<16x1xi32>
        %gather3A_708 = vector.shape_cast %broadcast_in_dim3A_707 : vector<16x1xi32> to vector<16xi32>
        %gather3A_709 = tpu.dynamic_gather %max3A_699[%gather3A_708] in [0] : vector<16xf32>, vector<16xi32> -> vector<16xf32>
        %max3A_710 = arith.maximumf %max3A_699, %gather3A_709 : vector<16xf32>
        %max3A_711 = arith.maximumf %max3A_710, %gather3A_519 : vector<16xf32>
        %scatter3A_712 = arith.constant 0 : i32
        %scatter3A_713 = tpu.memref_slice %arg5[%scatter3A_712] : memref<40976xf32, #tpu.memory_space<vmem>> -> memref<10240xf32, #tpu.memory_space<vmem>>
        tpu.vector_store_idx %scatter3A_713[%select_n3A_507], %max3A_567 : memref<10240xf32, #tpu.memory_space<vmem>>[vector<16xi32>], vector<16xf32>,
        %scatter3A_714 = arith.constant 10240 : i32
        %scatter3A_715 = tpu.memref_slice %arg5[%scatter3A_714] : memref<40976xf32, #tpu.memory_space<vmem>> -> memref<10240xf32, #tpu.memory_space<vmem>>
        tpu.vector_store_idx %scatter3A_715[%select_n3A_507], %max3A_615 : memref<10240xf32, #tpu.memory_space<vmem>>[vector<16xi32>], vector<16xf32>,
        %scatter3A_716 = arith.constant 20480 : i32
        %scatter3A_717 = tpu.memref_slice %arg5[%scatter3A_716] : memref<40976xf32, #tpu.memory_space<vmem>> -> memref<10240xf32, #tpu.memory_space<vmem>>
        tpu.vector_store_idx %scatter3A_717[%select_n3A_507], %max3A_663 : memref<10240xf32, #tpu.memory_space<vmem>>[vector<16xi32>], vector<16xf32>,
        %scatter3A_718 = arith.constant 30720 : i32
        %scatter3A_719 = tpu.memref_slice %arg5[%scatter3A_718] : memref<40976xf32, #tpu.memory_space<vmem>> -> memref<10240xf32, #tpu.memory_space<vmem>>
        tpu.vector_store_idx %scatter3A_719[%select_n3A_507], %max3A_711 : memref<10240xf32, #tpu.memory_space<vmem>>[vector<16xi32>], vector<16xf32>,
        %add3A_720 = arith.constant 3 : i32
        %add3A_721 = arith.addi %mul3A_129, %add3A_720 : i32
        %mul3A_722 = arith.constant 16 : i32
        %mul3A_723 = arith.muli %add3A_721, %mul3A_722 : i32
        %get3A_724 = arith.index_cast %mul3A_723 : i32 to index
        %get3A_725 = tpu.vector_load %arg7[%get3A_724] {strides = array<i32>} : memref<8000xi32, #tpu.memory_space<vmem>>, vector<16xi32>,
        %bitcast3A_726 = vector.bitcast %get3A_725 : vector<16xi32> to vector<16xi32>
        %masked_sort3A_727 = arith.constant dense<true> : vector<16xi1>
        %masked_sort3A_728, %masked_sort3A_729, %masked_sort3A_730 = tpu.sort %bitcast3A_726, %get3A_725 masked %masked_sort3A_727 : (vector<16xi32>, vector<16xi32>, vector<16xi1>) -> (vector<16xi1>, vector<16xi32>, vector<16xi32>)
        %bitcast3A_731 = vector.bitcast %masked_sort3A_729 : vector<16xi32> to vector<16xi32>
        %shift_right_logical3A_732 = arith.constant 14 : i32
        %shift_right_logical3A_733 = vector.broadcast %shift_right_logical3A_732 : i32 to vector<16xi32>
        %shift_right_logical3A_734 = arith.shrui %bitcast3A_731, %shift_right_logical3A_733 : vector<16xi32>
        %and3A_735 = arith.constant 16383 : i32
        %and3A_736 = vector.broadcast %and3A_735 : i32 to vector<16xi32>
        %and3A_737 = arith.andi %bitcast3A_731, %and3A_736 : vector<16xi32>
        %lt3A_738 = arith.constant 0 : i32
        %lt3A_739 = vector.broadcast %lt3A_738 : i32 to vector<16xi32>
        %lt3A_740 = arith.cmpi slt, %max3A_28, %lt3A_739 : vector<16xi32>
        %add3A_741 = arith.constant 16 : i32
        %add3A_742 = vector.broadcast %add3A_741 : i32 to vector<16xi32>
        %add3A_743 = arith.addi %max3A_28, %add3A_742 : vector<16xi32>
        %select_n3A_744 = arith.select %lt3A_740, %add3A_743, %max3A_28 : vector<16xi1>, vector<16xi32>
        %broadcast_in_dim3A_745 = vector.shape_cast %select_n3A_744 : vector<16xi32> to vector<16x1xi32>
        %gather3A_746 = vector.shape_cast %broadcast_in_dim3A_745 : vector<16x1xi32> to vector<16xi32>
        %gather3A_747 = tpu.dynamic_gather %shift_right_logical3A_443[%gather3A_746] in [0] : vector<16xi32>, vector<16xi32> -> vector<16xi32>
        %eq3A_748 = arith.cmpi eq, %gather3A_747, %shift_right_logical3A_443 : vector<16xi32>
        %select_n3A_749 = arith.select %eq3A_748, %max3A_28, %iota3A : vector<16xi1>, vector<16xi32>
        %lt3A_750 = arith.constant 0 : i32
        %lt3A_751 = vector.broadcast %lt3A_750 : i32 to vector<16xi32>
        %lt3A_752 = arith.cmpi slt, %max3A_34, %lt3A_751 : vector<16xi32>
        %add3A_753 = arith.constant 16 : i32
        %add3A_754 = vector.broadcast %add3A_753 : i32 to vector<16xi32>
        %add3A_755 = arith.addi %max3A_34, %add3A_754 : vector<16xi32>
        %select_n3A_756 = arith.select %lt3A_752, %add3A_755, %max3A_34 : vector<16xi1>, vector<16xi32>
        %broadcast_in_dim3A_757 = vector.shape_cast %select_n3A_756 : vector<16xi32> to vector<16x1xi32>
        %gather3A_758 = vector.shape_cast %broadcast_in_dim3A_757 : vector<16x1xi32> to vector<16xi32>
        %gather3A_759 = tpu.dynamic_gather %shift_right_logical3A_443[%gather3A_758] in [0] : vector<16xi32>, vector<16xi32> -> vector<16xi32>
        %eq3A_760 = arith.cmpi eq, %gather3A_759, %shift_right_logical3A_443 : vector<16xi32>
        %select_n3A_761 = arith.select %eq3A_760, %max3A_34, %iota3A : vector<16xi1>, vector<16xi32>
        %lt3A_762 = arith.constant 0 : i32
        %lt3A_763 = vector.broadcast %lt3A_762 : i32 to vector<16xi32>
        %lt3A_764 = arith.cmpi slt, %max3A_40, %lt3A_763 : vector<16xi32>
        %add3A_765 = arith.constant 16 : i32
        %add3A_766 = vector.broadcast %add3A_765 : i32 to vector<16xi32>
        %add3A_767 = arith.addi %max3A_40, %add3A_766 : vector<16xi32>
        %select_n3A_768 = arith.select %lt3A_764, %add3A_767, %max3A_40 : vector<16xi1>, vector<16xi32>
        %broadcast_in_dim3A_769 = vector.shape_cast %select_n3A_768 : vector<16xi32> to vector<16x1xi32>
        %gather3A_770 = vector.shape_cast %broadcast_in_dim3A_769 : vector<16x1xi32> to vector<16xi32>
        %gather3A_771 = tpu.dynamic_gather %shift_right_logical3A_443[%gather3A_770] in [0] : vector<16xi32>, vector<16xi32> -> vector<16xi32>
        %eq3A_772 = arith.cmpi eq, %gather3A_771, %shift_right_logical3A_443 : vector<16xi32>
        %select_n3A_773 = arith.select %eq3A_772, %max3A_40, %iota3A : vector<16xi1>, vector<16xi32>
        %lt3A_774 = arith.constant 0 : i32
        %lt3A_775 = vector.broadcast %lt3A_774 : i32 to vector<16xi32>
        %lt3A_776 = arith.cmpi slt, %max3A_46, %lt3A_775 : vector<16xi32>
        %add3A_777 = arith.constant 16 : i32
        %add3A_778 = vector.broadcast %add3A_777 : i32 to vector<16xi32>
        %add3A_779 = arith.addi %max3A_46, %add3A_778 : vector<16xi32>
        %select_n3A_780 = arith.select %lt3A_776, %add3A_779, %max3A_46 : vector<16xi1>, vector<16xi32>
        %broadcast_in_dim3A_781 = vector.shape_cast %select_n3A_780 : vector<16xi32> to vector<16x1xi32>
        %gather3A_782 = vector.shape_cast %broadcast_in_dim3A_781 : vector<16x1xi32> to vector<16xi32>
        %gather3A_783 = tpu.dynamic_gather %shift_right_logical3A_443[%gather3A_782] in [0] : vector<16xi32>, vector<16xi32> -> vector<16xi32>
        %eq3A_784 = arith.cmpi eq, %gather3A_783, %shift_right_logical3A_443 : vector<16xi32>
        %select_n3A_785 = arith.select %eq3A_784, %max3A_46, %iota3A : vector<16xi1>, vector<16xi32>
        %lt3A_786 = arith.constant 0 : i32
        %lt3A_787 = vector.broadcast %lt3A_786 : i32 to vector<16xi32>
        %lt3A_788 = arith.cmpi slt, %min3A_51, %lt3A_787 : vector<16xi32>
        %add3A_789 = arith.constant 16 : i32
        %add3A_790 = vector.broadcast %add3A_789 : i32 to vector<16xi32>
        %add3A_791 = arith.addi %min3A_51, %add3A_790 : vector<16xi32>
        %select_n3A_792 = arith.select %lt3A_788, %add3A_791, %min3A_51 : vector<16xi1>, vector<16xi32>
        %broadcast_in_dim3A_793 = vector.shape_cast %select_n3A_792 : vector<16xi32> to vector<16x1xi32>
        %gather3A_794 = vector.shape_cast %broadcast_in_dim3A_793 : vector<16x1xi32> to vector<16xi32>
        %gather3A_795 = tpu.dynamic_gather %shift_right_logical3A_443[%gather3A_794] in [0] : vector<16xi32>, vector<16xi32> -> vector<16xi32>
        %eq3A_796 = arith.cmpi eq, %gather3A_795, %shift_right_logical3A_443 : vector<16xi32>
        %and3A_797 = arith.andi %eq3A_796, %lt3A_53 : vector<16xi1>
        %select_n3A_798 = arith.select %and3A_797, %broadcast_in_dim3A_55, %shift_right_logical3A_443 : vector<16xi1>, vector<16xi32>
        %gather3A_799 = arith.constant 0 : i32
        %gather3A_800 = tpu.memref_slice %arg5[%gather3A_799] : memref<40976xf32, #tpu.memory_space<vmem>> -> memref<10240xf32, #tpu.memory_space<vmem>>
        %gather3A_801 = tpu.vector_load_idx %gather3A_800[%shift_right_logical3A_443] : memref<10240xf32, #tpu.memory_space<vmem>>[vector<16xi32>], vector<16xf32>,
        %gather3A_802 = arith.constant 10240 : i32
        %gather3A_803 = tpu.memref_slice %arg5[%gather3A_802] : memref<40976xf32, #tpu.memory_space<vmem>> -> memref<10240xf32, #tpu.memory_space<vmem>>
        %gather3A_804 = tpu.vector_load_idx %gather3A_803[%shift_right_logical3A_443] : memref<10240xf32, #tpu.memory_space<vmem>>[vector<16xi32>], vector<16xf32>,
        %gather3A_805 = arith.constant 20480 : i32
        %gather3A_806 = tpu.memref_slice %arg5[%gather3A_805] : memref<40976xf32, #tpu.memory_space<vmem>> -> memref<10240xf32, #tpu.memory_space<vmem>>
        %gather3A_807 = tpu.vector_load_idx %gather3A_806[%shift_right_logical3A_443] : memref<10240xf32, #tpu.memory_space<vmem>>[vector<16xi32>], vector<16xf32>,
        %gather3A_808 = arith.constant 30720 : i32
        %gather3A_809 = tpu.memref_slice %arg5[%gather3A_808] : memref<40976xf32, #tpu.memory_space<vmem>> -> memref<10240xf32, #tpu.memory_space<vmem>>
        %gather3A_810 = tpu.vector_load_idx %gather3A_809[%shift_right_logical3A_443] : memref<10240xf32, #tpu.memory_space<vmem>>[vector<16xi32>], vector<16xf32>,
        %gather3A_811 = arith.constant 0 : i32
        %gather3A_812 = tpu.memref_slice %arg6[%gather3A_811] : memref<40960xf32, #tpu.memory_space<vmem>> -> memref<10240xf32, #tpu.memory_space<vmem>>
        %gather3A_813 = tpu.vector_load_idx %gather3A_812[%and3A_446] : memref<10240xf32, #tpu.memory_space<vmem>>[vector<16xi32>], vector<16xf32>,
        %lt3A_814 = arith.constant 0 : i32
        %lt3A_815 = vector.broadcast %lt3A_814 : i32 to vector<16xi32>
        %lt3A_816 = arith.cmpi slt, %select_n3A_749, %lt3A_815 : vector<16xi32>
        %add3A_817 = arith.constant 16 : i32
        %add3A_818 = vector.broadcast %add3A_817 : i32 to vector<16xi32>
        %add3A_819 = arith.addi %select_n3A_749, %add3A_818 : vector<16xi32>
        %select_n3A_820 = arith.select %lt3A_816, %add3A_819, %select_n3A_749 : vector<16xi1>, vector<16xi32>
        %broadcast_in_dim3A_821 = vector.shape_cast %select_n3A_820 : vector<16xi32> to vector<16x1xi32>
        %gather3A_822 = vector.shape_cast %broadcast_in_dim3A_821 : vector<16x1xi32> to vector<16xi32>
        %gather3A_823 = tpu.dynamic_gather %gather3A_813[%gather3A_822] in [0] : vector<16xf32>, vector<16xi32> -> vector<16xf32>
        %max3A_824 = arith.maximumf %gather3A_813, %gather3A_823 : vector<16xf32>
        %lt3A_825 = arith.constant 0 : i32
        %lt3A_826 = vector.broadcast %lt3A_825 : i32 to vector<16xi32>
        %lt3A_827 = arith.cmpi slt, %select_n3A_761, %lt3A_826 : vector<16xi32>
        %add3A_828 = arith.constant 16 : i32
        %add3A_829 = vector.broadcast %add3A_828 : i32 to vector<16xi32>
        %add3A_830 = arith.addi %select_n3A_761, %add3A_829 : vector<16xi32>
        %select_n3A_831 = arith.select %lt3A_827, %add3A_830, %select_n3A_761 : vector<16xi1>, vector<16xi32>
        %broadcast_in_dim3A_832 = vector.shape_cast %select_n3A_831 : vector<16xi32> to vector<16x1xi32>
        %gather3A_833 = vector.shape_cast %broadcast_in_dim3A_832 : vector<16x1xi32> to vector<16xi32>
        %gather3A_834 = tpu.dynamic_gather %max3A_824[%gather3A_833] in [0] : vector<16xf32>, vector<16xi32> -> vector<16xf32>
        %max3A_835 = arith.maximumf %max3A_824, %gather3A_834 : vector<16xf32>
        %lt3A_836 = arith.constant 0 : i32
        %lt3A_837 = vector.broadcast %lt3A_836 : i32 to vector<16xi32>
        %lt3A_838 = arith.cmpi slt, %select_n3A_773, %lt3A_837 : vector<16xi32>
        %add3A_839 = arith.constant 16 : i32
        %add3A_840 = vector.broadcast %add3A_839 : i32 to vector<16xi32>
        %add3A_841 = arith.addi %select_n3A_773, %add3A_840 : vector<16xi32>
        %select_n3A_842 = arith.select %lt3A_838, %add3A_841, %select_n3A_773 : vector<16xi1>, vector<16xi32>
        %broadcast_in_dim3A_843 = vector.shape_cast %select_n3A_842 : vector<16xi32> to vector<16x1xi32>
        %gather3A_844 = vector.shape_cast %broadcast_in_dim3A_843 : vector<16x1xi32> to vector<16xi32>
        %gather3A_845 = tpu.dynamic_gather %max3A_835[%gather3A_844] in [0] : vector<16xf32>, vector<16xi32> -> vector<16xf32>
        %max3A_846 = arith.maximumf %max3A_835, %gather3A_845 : vector<16xf32>
        %lt3A_847 = arith.constant 0 : i32
        %lt3A_848 = vector.broadcast %lt3A_847 : i32 to vector<16xi32>
        %lt3A_849 = arith.cmpi slt, %select_n3A_785, %lt3A_848 : vector<16xi32>
        %add3A_850 = arith.constant 16 : i32
        %add3A_851 = vector.broadcast %add3A_850 : i32 to vector<16xi32>
        %add3A_852 = arith.addi %select_n3A_785, %add3A_851 : vector<16xi32>
        %select_n3A_853 = arith.select %lt3A_849, %add3A_852, %select_n3A_785 : vector<16xi1>, vector<16xi32>
        %broadcast_in_dim3A_854 = vector.shape_cast %select_n3A_853 : vector<16xi32> to vector<16x1xi32>
        %gather3A_855 = vector.shape_cast %broadcast_in_dim3A_854 : vector<16x1xi32> to vector<16xi32>
        %gather3A_856 = tpu.dynamic_gather %max3A_846[%gather3A_855] in [0] : vector<16xf32>, vector<16xi32> -> vector<16xf32>
        %max3A_857 = arith.maximumf %max3A_846, %gather3A_856 : vector<16xf32>
        %max3A_858 = arith.maximumf %max3A_857, %gather3A_801 : vector<16xf32>
        %gather3A_859 = arith.constant 10240 : i32
        %gather3A_860 = tpu.memref_slice %arg6[%gather3A_859] : memref<40960xf32, #tpu.memory_space<vmem>> -> memref<10240xf32, #tpu.memory_space<vmem>>
        %gather3A_861 = tpu.vector_load_idx %gather3A_860[%and3A_446] : memref<10240xf32, #tpu.memory_space<vmem>>[vector<16xi32>], vector<16xf32>,
        %lt3A_862 = arith.constant 0 : i32
        %lt3A_863 = vector.broadcast %lt3A_862 : i32 to vector<16xi32>
        %lt3A_864 = arith.cmpi slt, %select_n3A_749, %lt3A_863 : vector<16xi32>
        %add3A_865 = arith.constant 16 : i32
        %add3A_866 = vector.broadcast %add3A_865 : i32 to vector<16xi32>
        %add3A_867 = arith.addi %select_n3A_749, %add3A_866 : vector<16xi32>
        %select_n3A_868 = arith.select %lt3A_864, %add3A_867, %select_n3A_749 : vector<16xi1>, vector<16xi32>
        %broadcast_in_dim3A_869 = vector.shape_cast %select_n3A_868 : vector<16xi32> to vector<16x1xi32>
        %gather3A_870 = vector.shape_cast %broadcast_in_dim3A_869 : vector<16x1xi32> to vector<16xi32>
        %gather3A_871 = tpu.dynamic_gather %gather3A_861[%gather3A_870] in [0] : vector<16xf32>, vector<16xi32> -> vector<16xf32>
        %max3A_872 = arith.maximumf %gather3A_861, %gather3A_871 : vector<16xf32>
        %lt3A_873 = arith.constant 0 : i32
        %lt3A_874 = vector.broadcast %lt3A_873 : i32 to vector<16xi32>
        %lt3A_875 = arith.cmpi slt, %select_n3A_761, %lt3A_874 : vector<16xi32>
        %add3A_876 = arith.constant 16 : i32
        %add3A_877 = vector.broadcast %add3A_876 : i32 to vector<16xi32>
        %add3A_878 = arith.addi %select_n3A_761, %add3A_877 : vector<16xi32>
        %select_n3A_879 = arith.select %lt3A_875, %add3A_878, %select_n3A_761 : vector<16xi1>, vector<16xi32>
        %broadcast_in_dim3A_880 = vector.shape_cast %select_n3A_879 : vector<16xi32> to vector<16x1xi32>
        %gather3A_881 = vector.shape_cast %broadcast_in_dim3A_880 : vector<16x1xi32> to vector<16xi32>
        %gather3A_882 = tpu.dynamic_gather %max3A_872[%gather3A_881] in [0] : vector<16xf32>, vector<16xi32> -> vector<16xf32>
        %max3A_883 = arith.maximumf %max3A_872, %gather3A_882 : vector<16xf32>
        %lt3A_884 = arith.constant 0 : i32
        %lt3A_885 = vector.broadcast %lt3A_884 : i32 to vector<16xi32>
        %lt3A_886 = arith.cmpi slt, %select_n3A_773, %lt3A_885 : vector<16xi32>
        %add3A_887 = arith.constant 16 : i32
        %add3A_888 = vector.broadcast %add3A_887 : i32 to vector<16xi32>
        %add3A_889 = arith.addi %select_n3A_773, %add3A_888 : vector<16xi32>
        %select_n3A_890 = arith.select %lt3A_886, %add3A_889, %select_n3A_773 : vector<16xi1>, vector<16xi32>
        %broadcast_in_dim3A_891 = vector.shape_cast %select_n3A_890 : vector<16xi32> to vector<16x1xi32>
        %gather3A_892 = vector.shape_cast %broadcast_in_dim3A_891 : vector<16x1xi32> to vector<16xi32>
        %gather3A_893 = tpu.dynamic_gather %max3A_883[%gather3A_892] in [0] : vector<16xf32>, vector<16xi32> -> vector<16xf32>
        %max3A_894 = arith.maximumf %max3A_883, %gather3A_893 : vector<16xf32>
        %lt3A_895 = arith.constant 0 : i32
        %lt3A_896 = vector.broadcast %lt3A_895 : i32 to vector<16xi32>
        %lt3A_897 = arith.cmpi slt, %select_n3A_785, %lt3A_896 : vector<16xi32>
        %add3A_898 = arith.constant 16 : i32
        %add3A_899 = vector.broadcast %add3A_898 : i32 to vector<16xi32>
        %add3A_900 = arith.addi %select_n3A_785, %add3A_899 : vector<16xi32>
        %select_n3A_901 = arith.select %lt3A_897, %add3A_900, %select_n3A_785 : vector<16xi1>, vector<16xi32>
        %broadcast_in_dim3A_902 = vector.shape_cast %select_n3A_901 : vector<16xi32> to vector<16x1xi32>
        %gather3A_903 = vector.shape_cast %broadcast_in_dim3A_902 : vector<16x1xi32> to vector<16xi32>
        %gather3A_904 = tpu.dynamic_gather %max3A_894[%gather3A_903] in [0] : vector<16xf32>, vector<16xi32> -> vector<16xf32>
        %max3A_905 = arith.maximumf %max3A_894, %gather3A_904 : vector<16xf32>
        %max3A_906 = arith.maximumf %max3A_905, %gather3A_804 : vector<16xf32>
        %gather3A_907 = arith.constant 20480 : i32
        %gather3A_908 = tpu.memref_slice %arg6[%gather3A_907] : memref<40960xf32, #tpu.memory_space<vmem>> -> memref<10240xf32, #tpu.memory_space<vmem>>
        %gather3A_909 = tpu.vector_load_idx %gather3A_908[%and3A_446] : memref<10240xf32, #tpu.memory_space<vmem>>[vector<16xi32>], vector<16xf32>,
        %lt3A_910 = arith.constant 0 : i32
        %lt3A_911 = vector.broadcast %lt3A_910 : i32 to vector<16xi32>
        %lt3A_912 = arith.cmpi slt, %select_n3A_749, %lt3A_911 : vector<16xi32>
        %add3A_913 = arith.constant 16 : i32
        %add3A_914 = vector.broadcast %add3A_913 : i32 to vector<16xi32>
        %add3A_915 = arith.addi %select_n3A_749, %add3A_914 : vector<16xi32>
        %select_n3A_916 = arith.select %lt3A_912, %add3A_915, %select_n3A_749 : vector<16xi1>, vector<16xi32>
        %broadcast_in_dim3A_917 = vector.shape_cast %select_n3A_916 : vector<16xi32> to vector<16x1xi32>
        %gather3A_918 = vector.shape_cast %broadcast_in_dim3A_917 : vector<16x1xi32> to vector<16xi32>
        %gather3A_919 = tpu.dynamic_gather %gather3A_909[%gather3A_918] in [0] : vector<16xf32>, vector<16xi32> -> vector<16xf32>
        %max3A_920 = arith.maximumf %gather3A_909, %gather3A_919 : vector<16xf32>
        %lt3A_921 = arith.constant 0 : i32
        %lt3A_922 = vector.broadcast %lt3A_921 : i32 to vector<16xi32>
        %lt3A_923 = arith.cmpi slt, %select_n3A_761, %lt3A_922 : vector<16xi32>
        %add3A_924 = arith.constant 16 : i32
        %add3A_925 = vector.broadcast %add3A_924 : i32 to vector<16xi32>
        %add3A_926 = arith.addi %select_n3A_761, %add3A_925 : vector<16xi32>
        %select_n3A_927 = arith.select %lt3A_923, %add3A_926, %select_n3A_761 : vector<16xi1>, vector<16xi32>
        %broadcast_in_dim3A_928 = vector.shape_cast %select_n3A_927 : vector<16xi32> to vector<16x1xi32>
        %gather3A_929 = vector.shape_cast %broadcast_in_dim3A_928 : vector<16x1xi32> to vector<16xi32>
        %gather3A_930 = tpu.dynamic_gather %max3A_920[%gather3A_929] in [0] : vector<16xf32>, vector<16xi32> -> vector<16xf32>
        %max3A_931 = arith.maximumf %max3A_920, %gather3A_930 : vector<16xf32>
        %lt3A_932 = arith.constant 0 : i32
        %lt3A_933 = vector.broadcast %lt3A_932 : i32 to vector<16xi32>
        %lt3A_934 = arith.cmpi slt, %select_n3A_773, %lt3A_933 : vector<16xi32>
        %add3A_935 = arith.constant 16 : i32
        %add3A_936 = vector.broadcast %add3A_935 : i32 to vector<16xi32>
        %add3A_937 = arith.addi %select_n3A_773, %add3A_936 : vector<16xi32>
        %select_n3A_938 = arith.select %lt3A_934, %add3A_937, %select_n3A_773 : vector<16xi1>, vector<16xi32>
        %broadcast_in_dim3A_939 = vector.shape_cast %select_n3A_938 : vector<16xi32> to vector<16x1xi32>
        %gather3A_940 = vector.shape_cast %broadcast_in_dim3A_939 : vector<16x1xi32> to vector<16xi32>
        %gather3A_941 = tpu.dynamic_gather %max3A_931[%gather3A_940] in [0] : vector<16xf32>, vector<16xi32> -> vector<16xf32>
        %max3A_942 = arith.maximumf %max3A_931, %gather3A_941 : vector<16xf32>
        %lt3A_943 = arith.constant 0 : i32
        %lt3A_944 = vector.broadcast %lt3A_943 : i32 to vector<16xi32>
        %lt3A_945 = arith.cmpi slt, %select_n3A_785, %lt3A_944 : vector<16xi32>
        %add3A_946 = arith.constant 16 : i32
        %add3A_947 = vector.broadcast %add3A_946 : i32 to vector<16xi32>
        %add3A_948 = arith.addi %select_n3A_785, %add3A_947 : vector<16xi32>
        %select_n3A_949 = arith.select %lt3A_945, %add3A_948, %select_n3A_785 : vector<16xi1>, vector<16xi32>
        %broadcast_in_dim3A_950 = vector.shape_cast %select_n3A_949 : vector<16xi32> to vector<16x1xi32>
        %gather3A_951 = vector.shape_cast %broadcast_in_dim3A_950 : vector<16x1xi32> to vector<16xi32>
        %gather3A_952 = tpu.dynamic_gather %max3A_942[%gather3A_951] in [0] : vector<16xf32>, vector<16xi32> -> vector<16xf32>
        %max3A_953 = arith.maximumf %max3A_942, %gather3A_952 : vector<16xf32>
        %max3A_954 = arith.maximumf %max3A_953, %gather3A_807 : vector<16xf32>
        %gather3A_955 = arith.constant 30720 : i32
        %gather3A_956 = tpu.memref_slice %arg6[%gather3A_955] : memref<40960xf32, #tpu.memory_space<vmem>> -> memref<10240xf32, #tpu.memory_space<vmem>>
        %gather3A_957 = tpu.vector_load_idx %gather3A_956[%and3A_446] : memref<10240xf32, #tpu.memory_space<vmem>>[vector<16xi32>], vector<16xf32>,
        %lt3A_958 = arith.constant 0 : i32
        %lt3A_959 = vector.broadcast %lt3A_958 : i32 to vector<16xi32>
        %lt3A_960 = arith.cmpi slt, %select_n3A_749, %lt3A_959 : vector<16xi32>
        %add3A_961 = arith.constant 16 : i32
        %add3A_962 = vector.broadcast %add3A_961 : i32 to vector<16xi32>
        %add3A_963 = arith.addi %select_n3A_749, %add3A_962 : vector<16xi32>
        %select_n3A_964 = arith.select %lt3A_960, %add3A_963, %select_n3A_749 : vector<16xi1>, vector<16xi32>
        %broadcast_in_dim3A_965 = vector.shape_cast %select_n3A_964 : vector<16xi32> to vector<16x1xi32>
        %gather3A_966 = vector.shape_cast %broadcast_in_dim3A_965 : vector<16x1xi32> to vector<16xi32>
        %gather3A_967 = tpu.dynamic_gather %gather3A_957[%gather3A_966] in [0] : vector<16xf32>, vector<16xi32> -> vector<16xf32>
        %max3A_968 = arith.maximumf %gather3A_957, %gather3A_967 : vector<16xf32>
        %lt3A_969 = arith.constant 0 : i32
        %lt3A_970 = vector.broadcast %lt3A_969 : i32 to vector<16xi32>
        %lt3A_971 = arith.cmpi slt, %select_n3A_761, %lt3A_970 : vector<16xi32>
        %add3A_972 = arith.constant 16 : i32
        %add3A_973 = vector.broadcast %add3A_972 : i32 to vector<16xi32>
        %add3A_974 = arith.addi %select_n3A_761, %add3A_973 : vector<16xi32>
        %select_n3A_975 = arith.select %lt3A_971, %add3A_974, %select_n3A_761 : vector<16xi1>, vector<16xi32>
        %broadcast_in_dim3A_976 = vector.shape_cast %select_n3A_975 : vector<16xi32> to vector<16x1xi32>
        %gather3A_977 = vector.shape_cast %broadcast_in_dim3A_976 : vector<16x1xi32> to vector<16xi32>
        %gather3A_978 = tpu.dynamic_gather %max3A_968[%gather3A_977] in [0] : vector<16xf32>, vector<16xi32> -> vector<16xf32>
        %max3A_979 = arith.maximumf %max3A_968, %gather3A_978 : vector<16xf32>
        %lt3A_980 = arith.constant 0 : i32
        %lt3A_981 = vector.broadcast %lt3A_980 : i32 to vector<16xi32>
        %lt3A_982 = arith.cmpi slt, %select_n3A_773, %lt3A_981 : vector<16xi32>
        %add3A_983 = arith.constant 16 : i32
        %add3A_984 = vector.broadcast %add3A_983 : i32 to vector<16xi32>
        %add3A_985 = arith.addi %select_n3A_773, %add3A_984 : vector<16xi32>
        %select_n3A_986 = arith.select %lt3A_982, %add3A_985, %select_n3A_773 : vector<16xi1>, vector<16xi32>
        %broadcast_in_dim3A_987 = vector.shape_cast %select_n3A_986 : vector<16xi32> to vector<16x1xi32>
        %gather3A_988 = vector.shape_cast %broadcast_in_dim3A_987 : vector<16x1xi32> to vector<16xi32>
        %gather3A_989 = tpu.dynamic_gather %max3A_979[%gather3A_988] in [0] : vector<16xf32>, vector<16xi32> -> vector<16xf32>
        %max3A_990 = arith.maximumf %max3A_979, %gather3A_989 : vector<16xf32>
        %lt3A_991 = arith.constant 0 : i32
        %lt3A_992 = vector.broadcast %lt3A_991 : i32 to vector<16xi32>
        %lt3A_993 = arith.cmpi slt, %select_n3A_785, %lt3A_992 : vector<16xi32>
        %add3A_994 = arith.constant 16 : i32
        %add3A_995 = vector.broadcast %add3A_994 : i32 to vector<16xi32>
        %add3A_996 = arith.addi %select_n3A_785, %add3A_995 : vector<16xi32>
        %select_n3A_997 = arith.select %lt3A_993, %add3A_996, %select_n3A_785 : vector<16xi1>, vector<16xi32>
        %broadcast_in_dim3A_998 = vector.shape_cast %select_n3A_997 : vector<16xi32> to vector<16x1xi32>
        %gather3A_999 = vector.shape_cast %broadcast_in_dim3A_998 : vector<16x1xi32> to vector<16xi32>
        %gather3A_1000 = tpu.dynamic_gather %max3A_990[%gather3A_999] in [0] : vector<16xf32>, vector<16xi32> -> vector<16xf32>
        %max3A_1001 = arith.maximumf %max3A_990, %gather3A_1000 : vector<16xf32>
        %max3A_1002 = arith.maximumf %max3A_1001, %gather3A_810 : vector<16xf32>
        %scatter3A_1003 = arith.constant 0 : i32
        %scatter3A_1004 = tpu.memref_slice %arg5[%scatter3A_1003] : memref<40976xf32, #tpu.memory_space<vmem>> -> memref<10240xf32, #tpu.memory_space<vmem>>
        tpu.vector_store_idx %scatter3A_1004[%select_n3A_798], %max3A_858 : memref<10240xf32, #tpu.memory_space<vmem>>[vector<16xi32>], vector<16xf32>,
        %scatter3A_1005 = arith.constant 10240 : i32
        %scatter3A_1006 = tpu.memref_slice %arg5[%scatter3A_1005] : memref<40976xf32, #tpu.memory_space<vmem>> -> memref<10240xf32, #tpu.memory_space<vmem>>
        tpu.vector_store_idx %scatter3A_1006[%select_n3A_798], %max3A_906 : memref<10240xf32, #tpu.memory_space<vmem>>[vector<16xi32>], vector<16xf32>,
        %scatter3A_1007 = arith.constant 20480 : i32
        %scatter3A_1008 = tpu.memref_slice %arg5[%scatter3A_1007] : memref<40976xf32, #tpu.memory_space<vmem>> -> memref<10240xf32, #tpu.memory_space<vmem>>
        tpu.vector_store_idx %scatter3A_1008[%select_n3A_798], %max3A_954 : memref<10240xf32, #tpu.memory_space<vmem>>[vector<16xi32>], vector<16xf32>,
        %scatter3A_1009 = arith.constant 30720 : i32
        %scatter3A_1010 = tpu.memref_slice %arg5[%scatter3A_1009] : memref<40976xf32, #tpu.memory_space<vmem>> -> memref<10240xf32, #tpu.memory_space<vmem>>
        tpu.vector_store_idx %scatter3A_1010[%select_n3A_798], %max3A_1002 : memref<10240xf32, #tpu.memory_space<vmem>>[vector<16xi32>], vector<16xf32>,
        %lt3A_1011 = arith.constant 0 : i32
        %lt3A_1012 = vector.broadcast %lt3A_1011 : i32 to vector<16xi32>
        %lt3A_1013 = arith.cmpi slt, %max3A_28, %lt3A_1012 : vector<16xi32>
        %add3A_1014 = arith.constant 16 : i32
        %add3A_1015 = vector.broadcast %add3A_1014 : i32 to vector<16xi32>
        %add3A_1016 = arith.addi %max3A_28, %add3A_1015 : vector<16xi32>
        %select_n3A_1017 = arith.select %lt3A_1013, %add3A_1016, %max3A_28 : vector<16xi1>, vector<16xi32>
        %broadcast_in_dim3A_1018 = vector.shape_cast %select_n3A_1017 : vector<16xi32> to vector<16x1xi32>
        %gather3A_1019 = vector.shape_cast %broadcast_in_dim3A_1018 : vector<16x1xi32> to vector<16xi32>
        %gather3A_1020 = tpu.dynamic_gather %shift_right_logical3A_734[%gather3A_1019] in [0] : vector<16xi32>, vector<16xi32> -> vector<16xi32>
        %eq3A_1021 = arith.cmpi eq, %gather3A_1020, %shift_right_logical3A_734 : vector<16xi32>
        %select_n3A_1022 = arith.select %eq3A_1021, %max3A_28, %iota3A : vector<16xi1>, vector<16xi32>
        %lt3A_1023 = arith.constant 0 : i32
        %lt3A_1024 = vector.broadcast %lt3A_1023 : i32 to vector<16xi32>
        %lt3A_1025 = arith.cmpi slt, %max3A_34, %lt3A_1024 : vector<16xi32>
        %add3A_1026 = arith.constant 16 : i32
        %add3A_1027 = vector.broadcast %add3A_1026 : i32 to vector<16xi32>
        %add3A_1028 = arith.addi %max3A_34, %add3A_1027 : vector<16xi32>
        %select_n3A_1029 = arith.select %lt3A_1025, %add3A_1028, %max3A_34 : vector<16xi1>, vector<16xi32>
        %broadcast_in_dim3A_1030 = vector.shape_cast %select_n3A_1029 : vector<16xi32> to vector<16x1xi32>
        %gather3A_1031 = vector.shape_cast %broadcast_in_dim3A_1030 : vector<16x1xi32> to vector<16xi32>
        %gather3A_1032 = tpu.dynamic_gather %shift_right_logical3A_734[%gather3A_1031] in [0] : vector<16xi32>, vector<16xi32> -> vector<16xi32>
        %eq3A_1033 = arith.cmpi eq, %gather3A_1032, %shift_right_logical3A_734 : vector<16xi32>
        %select_n3A_1034 = arith.select %eq3A_1033, %max3A_34, %iota3A : vector<16xi1>, vector<16xi32>
        %lt3A_1035 = arith.constant 0 : i32
        %lt3A_1036 = vector.broadcast %lt3A_1035 : i32 to vector<16xi32>
        %lt3A_1037 = arith.cmpi slt, %max3A_40, %lt3A_1036 : vector<16xi32>
        %add3A_1038 = arith.constant 16 : i32
        %add3A_1039 = vector.broadcast %add3A_1038 : i32 to vector<16xi32>
        %add3A_1040 = arith.addi %max3A_40, %add3A_1039 : vector<16xi32>
        %select_n3A_1041 = arith.select %lt3A_1037, %add3A_1040, %max3A_40 : vector<16xi1>, vector<16xi32>
        %broadcast_in_dim3A_1042 = vector.shape_cast %select_n3A_1041 : vector<16xi32> to vector<16x1xi32>
        %gather3A_1043 = vector.shape_cast %broadcast_in_dim3A_1042 : vector<16x1xi32> to vector<16xi32>
        %gather3A_1044 = tpu.dynamic_gather %shift_right_logical3A_734[%gather3A_1043] in [0] : vector<16xi32>, vector<16xi32> -> vector<16xi32>
        %eq3A_1045 = arith.cmpi eq, %gather3A_1044, %shift_right_logical3A_734 : vector<16xi32>
        %select_n3A_1046 = arith.select %eq3A_1045, %max3A_40, %iota3A : vector<16xi1>, vector<16xi32>
        %lt3A_1047 = arith.constant 0 : i32
        %lt3A_1048 = vector.broadcast %lt3A_1047 : i32 to vector<16xi32>
        %lt3A_1049 = arith.cmpi slt, %max3A_46, %lt3A_1048 : vector<16xi32>
        %add3A_1050 = arith.constant 16 : i32
        %add3A_1051 = vector.broadcast %add3A_1050 : i32 to vector<16xi32>
        %add3A_1052 = arith.addi %max3A_46, %add3A_1051 : vector<16xi32>
        %select_n3A_1053 = arith.select %lt3A_1049, %add3A_1052, %max3A_46 : vector<16xi1>, vector<16xi32>
        %broadcast_in_dim3A_1054 = vector.shape_cast %select_n3A_1053 : vector<16xi32> to vector<16x1xi32>
        %gather3A_1055 = vector.shape_cast %broadcast_in_dim3A_1054 : vector<16x1xi32> to vector<16xi32>
        %gather3A_1056 = tpu.dynamic_gather %shift_right_logical3A_734[%gather3A_1055] in [0] : vector<16xi32>, vector<16xi32> -> vector<16xi32>
        %eq3A_1057 = arith.cmpi eq, %gather3A_1056, %shift_right_logical3A_734 : vector<16xi32>
        %select_n3A_1058 = arith.select %eq3A_1057, %max3A_46, %iota3A : vector<16xi1>, vector<16xi32>
        %lt3A_1059 = arith.constant 0 : i32
        %lt3A_1060 = vector.broadcast %lt3A_1059 : i32 to vector<16xi32>
        %lt3A_1061 = arith.cmpi slt, %min3A_51, %lt3A_1060 : vector<16xi32>
        %add3A_1062 = arith.constant 16 : i32
        %add3A_1063 = vector.broadcast %add3A_1062 : i32 to vector<16xi32>
        %add3A_1064 = arith.addi %min3A_51, %add3A_1063 : vector<16xi32>
        %select_n3A_1065 = arith.select %lt3A_1061, %add3A_1064, %min3A_51 : vector<16xi1>, vector<16xi32>
        %broadcast_in_dim3A_1066 = vector.shape_cast %select_n3A_1065 : vector<16xi32> to vector<16x1xi32>
        %gather3A_1067 = vector.shape_cast %broadcast_in_dim3A_1066 : vector<16x1xi32> to vector<16xi32>
        %gather3A_1068 = tpu.dynamic_gather %shift_right_logical3A_734[%gather3A_1067] in [0] : vector<16xi32>, vector<16xi32> -> vector<16xi32>
        %eq3A_1069 = arith.cmpi eq, %gather3A_1068, %shift_right_logical3A_734 : vector<16xi32>
        %and3A_1070 = arith.andi %eq3A_1069, %lt3A_53 : vector<16xi1>
        %select_n3A_1071 = arith.select %and3A_1070, %broadcast_in_dim3A_55, %shift_right_logical3A_734 : vector<16xi1>, vector<16xi32>
        %gather3A_1072 = arith.constant 0 : i32
        %gather3A_1073 = tpu.memref_slice %arg5[%gather3A_1072] : memref<40976xf32, #tpu.memory_space<vmem>> -> memref<10240xf32, #tpu.memory_space<vmem>>
        %gather3A_1074 = tpu.vector_load_idx %gather3A_1073[%shift_right_logical3A_734] : memref<10240xf32, #tpu.memory_space<vmem>>[vector<16xi32>], vector<16xf32>,
        %gather3A_1075 = arith.constant 10240 : i32
        %gather3A_1076 = tpu.memref_slice %arg5[%gather3A_1075] : memref<40976xf32, #tpu.memory_space<vmem>> -> memref<10240xf32, #tpu.memory_space<vmem>>
        %gather3A_1077 = tpu.vector_load_idx %gather3A_1076[%shift_right_logical3A_734] : memref<10240xf32, #tpu.memory_space<vmem>>[vector<16xi32>], vector<16xf32>,
        %gather3A_1078 = arith.constant 20480 : i32
        %gather3A_1079 = tpu.memref_slice %arg5[%gather3A_1078] : memref<40976xf32, #tpu.memory_space<vmem>> -> memref<10240xf32, #tpu.memory_space<vmem>>
        %gather3A_1080 = tpu.vector_load_idx %gather3A_1079[%shift_right_logical3A_734] : memref<10240xf32, #tpu.memory_space<vmem>>[vector<16xi32>], vector<16xf32>,
        %gather3A_1081 = arith.constant 30720 : i32
        %gather3A_1082 = tpu.memref_slice %arg5[%gather3A_1081] : memref<40976xf32, #tpu.memory_space<vmem>> -> memref<10240xf32, #tpu.memory_space<vmem>>
        %gather3A_1083 = tpu.vector_load_idx %gather3A_1082[%shift_right_logical3A_734] : memref<10240xf32, #tpu.memory_space<vmem>>[vector<16xi32>], vector<16xf32>,
        %gather3A_1084 = arith.constant 0 : i32
        %gather3A_1085 = tpu.memref_slice %arg6[%gather3A_1084] : memref<40960xf32, #tpu.memory_space<vmem>> -> memref<10240xf32, #tpu.memory_space<vmem>>
        %gather3A_1086 = tpu.vector_load_idx %gather3A_1085[%and3A_737] : memref<10240xf32, #tpu.memory_space<vmem>>[vector<16xi32>], vector<16xf32>,
        %lt3A_1087 = arith.constant 0 : i32
        %lt3A_1088 = vector.broadcast %lt3A_1087 : i32 to vector<16xi32>
        %lt3A_1089 = arith.cmpi slt, %select_n3A_1022, %lt3A_1088 : vector<16xi32>
        %add3A_1090 = arith.constant 16 : i32
        %add3A_1091 = vector.broadcast %add3A_1090 : i32 to vector<16xi32>
        %add3A_1092 = arith.addi %select_n3A_1022, %add3A_1091 : vector<16xi32>
        %select_n3A_1093 = arith.select %lt3A_1089, %add3A_1092, %select_n3A_1022 : vector<16xi1>, vector<16xi32>
        %broadcast_in_dim3A_1094 = vector.shape_cast %select_n3A_1093 : vector<16xi32> to vector<16x1xi32>
        %gather3A_1095 = vector.shape_cast %broadcast_in_dim3A_1094 : vector<16x1xi32> to vector<16xi32>
        %gather3A_1096 = tpu.dynamic_gather %gather3A_1086[%gather3A_1095] in [0] : vector<16xf32>, vector<16xi32> -> vector<16xf32>
        %max3A_1097 = arith.maximumf %gather3A_1086, %gather3A_1096 : vector<16xf32>
        %lt3A_1098 = arith.constant 0 : i32
        %lt3A_1099 = vector.broadcast %lt3A_1098 : i32 to vector<16xi32>
        %lt3A_1100 = arith.cmpi slt, %select_n3A_1034, %lt3A_1099 : vector<16xi32>
        %add3A_1101 = arith.constant 16 : i32
        %add3A_1102 = vector.broadcast %add3A_1101 : i32 to vector<16xi32>
        %add3A_1103 = arith.addi %select_n3A_1034, %add3A_1102 : vector<16xi32>
        %select_n3A_1104 = arith.select %lt3A_1100, %add3A_1103, %select_n3A_1034 : vector<16xi1>, vector<16xi32>
        %broadcast_in_dim3A_1105 = vector.shape_cast %select_n3A_1104 : vector<16xi32> to vector<16x1xi32>
        %gather3A_1106 = vector.shape_cast %broadcast_in_dim3A_1105 : vector<16x1xi32> to vector<16xi32>
        %gather3A_1107 = tpu.dynamic_gather %max3A_1097[%gather3A_1106] in [0] : vector<16xf32>, vector<16xi32> -> vector<16xf32>
        %max3A_1108 = arith.maximumf %max3A_1097, %gather3A_1107 : vector<16xf32>
        %lt3A_1109 = arith.constant 0 : i32
        %lt3A_1110 = vector.broadcast %lt3A_1109 : i32 to vector<16xi32>
        %lt3A_1111 = arith.cmpi slt, %select_n3A_1046, %lt3A_1110 : vector<16xi32>
        %add3A_1112 = arith.constant 16 : i32
        %add3A_1113 = vector.broadcast %add3A_1112 : i32 to vector<16xi32>
        %add3A_1114 = arith.addi %select_n3A_1046, %add3A_1113 : vector<16xi32>
        %select_n3A_1115 = arith.select %lt3A_1111, %add3A_1114, %select_n3A_1046 : vector<16xi1>, vector<16xi32>
        %broadcast_in_dim3A_1116 = vector.shape_cast %select_n3A_1115 : vector<16xi32> to vector<16x1xi32>
        %gather3A_1117 = vector.shape_cast %broadcast_in_dim3A_1116 : vector<16x1xi32> to vector<16xi32>
        %gather3A_1118 = tpu.dynamic_gather %max3A_1108[%gather3A_1117] in [0] : vector<16xf32>, vector<16xi32> -> vector<16xf32>
        %max3A_1119 = arith.maximumf %max3A_1108, %gather3A_1118 : vector<16xf32>
        %lt3A_1120 = arith.constant 0 : i32
        %lt3A_1121 = vector.broadcast %lt3A_1120 : i32 to vector<16xi32>
        %lt3A_1122 = arith.cmpi slt, %select_n3A_1058, %lt3A_1121 : vector<16xi32>
        %add3A_1123 = arith.constant 16 : i32
        %add3A_1124 = vector.broadcast %add3A_1123 : i32 to vector<16xi32>
        %add3A_1125 = arith.addi %select_n3A_1058, %add3A_1124 : vector<16xi32>
        %select_n3A_1126 = arith.select %lt3A_1122, %add3A_1125, %select_n3A_1058 : vector<16xi1>, vector<16xi32>
        %broadcast_in_dim3A_1127 = vector.shape_cast %select_n3A_1126 : vector<16xi32> to vector<16x1xi32>
        %gather3A_1128 = vector.shape_cast %broadcast_in_dim3A_1127 : vector<16x1xi32> to vector<16xi32>
        %gather3A_1129 = tpu.dynamic_gather %max3A_1119[%gather3A_1128] in [0] : vector<16xf32>, vector<16xi32> -> vector<16xf32>
        %max3A_1130 = arith.maximumf %max3A_1119, %gather3A_1129 : vector<16xf32>
        %max3A_1131 = arith.maximumf %max3A_1130, %gather3A_1074 : vector<16xf32>
        %gather3A_1132 = arith.constant 10240 : i32
        %gather3A_1133 = tpu.memref_slice %arg6[%gather3A_1132] : memref<40960xf32, #tpu.memory_space<vmem>> -> memref<10240xf32, #tpu.memory_space<vmem>>
        %gather3A_1134 = tpu.vector_load_idx %gather3A_1133[%and3A_737] : memref<10240xf32, #tpu.memory_space<vmem>>[vector<16xi32>], vector<16xf32>,
        %lt3A_1135 = arith.constant 0 : i32
        %lt3A_1136 = vector.broadcast %lt3A_1135 : i32 to vector<16xi32>
        %lt3A_1137 = arith.cmpi slt, %select_n3A_1022, %lt3A_1136 : vector<16xi32>
        %add3A_1138 = arith.constant 16 : i32
        %add3A_1139 = vector.broadcast %add3A_1138 : i32 to vector<16xi32>
        %add3A_1140 = arith.addi %select_n3A_1022, %add3A_1139 : vector<16xi32>
        %select_n3A_1141 = arith.select %lt3A_1137, %add3A_1140, %select_n3A_1022 : vector<16xi1>, vector<16xi32>
        %broadcast_in_dim3A_1142 = vector.shape_cast %select_n3A_1141 : vector<16xi32> to vector<16x1xi32>
        %gather3A_1143 = vector.shape_cast %broadcast_in_dim3A_1142 : vector<16x1xi32> to vector<16xi32>
        %gather3A_1144 = tpu.dynamic_gather %gather3A_1134[%gather3A_1143] in [0] : vector<16xf32>, vector<16xi32> -> vector<16xf32>
        %max3A_1145 = arith.maximumf %gather3A_1134, %gather3A_1144 : vector<16xf32>
        %lt3A_1146 = arith.constant 0 : i32
        %lt3A_1147 = vector.broadcast %lt3A_1146 : i32 to vector<16xi32>
        %lt3A_1148 = arith.cmpi slt, %select_n3A_1034, %lt3A_1147 : vector<16xi32>
        %add3A_1149 = arith.constant 16 : i32
        %add3A_1150 = vector.broadcast %add3A_1149 : i32 to vector<16xi32>
        %add3A_1151 = arith.addi %select_n3A_1034, %add3A_1150 : vector<16xi32>
        %select_n3A_1152 = arith.select %lt3A_1148, %add3A_1151, %select_n3A_1034 : vector<16xi1>, vector<16xi32>
        %broadcast_in_dim3A_1153 = vector.shape_cast %select_n3A_1152 : vector<16xi32> to vector<16x1xi32>
        %gather3A_1154 = vector.shape_cast %broadcast_in_dim3A_1153 : vector<16x1xi32> to vector<16xi32>
        %gather3A_1155 = tpu.dynamic_gather %max3A_1145[%gather3A_1154] in [0] : vector<16xf32>, vector<16xi32> -> vector<16xf32>
        %max3A_1156 = arith.maximumf %max3A_1145, %gather3A_1155 : vector<16xf32>
        %lt3A_1157 = arith.constant 0 : i32
        %lt3A_1158 = vector.broadcast %lt3A_1157 : i32 to vector<16xi32>
        %lt3A_1159 = arith.cmpi slt, %select_n3A_1046, %lt3A_1158 : vector<16xi32>
        %add3A_1160 = arith.constant 16 : i32
        %add3A_1161 = vector.broadcast %add3A_1160 : i32 to vector<16xi32>
        %add3A_1162 = arith.addi %select_n3A_1046, %add3A_1161 : vector<16xi32>
        %select_n3A_1163 = arith.select %lt3A_1159, %add3A_1162, %select_n3A_1046 : vector<16xi1>, vector<16xi32>
        %broadcast_in_dim3A_1164 = vector.shape_cast %select_n3A_1163 : vector<16xi32> to vector<16x1xi32>
        %gather3A_1165 = vector.shape_cast %broadcast_in_dim3A_1164 : vector<16x1xi32> to vector<16xi32>
        %gather3A_1166 = tpu.dynamic_gather %max3A_1156[%gather3A_1165] in [0] : vector<16xf32>, vector<16xi32> -> vector<16xf32>
        %max3A_1167 = arith.maximumf %max3A_1156, %gather3A_1166 : vector<16xf32>
        %lt3A_1168 = arith.constant 0 : i32
        %lt3A_1169 = vector.broadcast %lt3A_1168 : i32 to vector<16xi32>
        %lt3A_1170 = arith.cmpi slt, %select_n3A_1058, %lt3A_1169 : vector<16xi32>
        %add3A_1171 = arith.constant 16 : i32
        %add3A_1172 = vector.broadcast %add3A_1171 : i32 to vector<16xi32>
        %add3A_1173 = arith.addi %select_n3A_1058, %add3A_1172 : vector<16xi32>
        %select_n3A_1174 = arith.select %lt3A_1170, %add3A_1173, %select_n3A_1058 : vector<16xi1>, vector<16xi32>
        %broadcast_in_dim3A_1175 = vector.shape_cast %select_n3A_1174 : vector<16xi32> to vector<16x1xi32>
        %gather3A_1176 = vector.shape_cast %broadcast_in_dim3A_1175 : vector<16x1xi32> to vector<16xi32>
        %gather3A_1177 = tpu.dynamic_gather %max3A_1167[%gather3A_1176] in [0] : vector<16xf32>, vector<16xi32> -> vector<16xf32>
        %max3A_1178 = arith.maximumf %max3A_1167, %gather3A_1177 : vector<16xf32>
        %max3A_1179 = arith.maximumf %max3A_1178, %gather3A_1077 : vector<16xf32>
        %gather3A_1180 = arith.constant 20480 : i32
        %gather3A_1181 = tpu.memref_slice %arg6[%gather3A_1180] : memref<40960xf32, #tpu.memory_space<vmem>> -> memref<10240xf32, #tpu.memory_space<vmem>>
        %gather3A_1182 = tpu.vector_load_idx %gather3A_1181[%and3A_737] : memref<10240xf32, #tpu.memory_space<vmem>>[vector<16xi32>], vector<16xf32>,
        %lt3A_1183 = arith.constant 0 : i32
        %lt3A_1184 = vector.broadcast %lt3A_1183 : i32 to vector<16xi32>
        %lt3A_1185 = arith.cmpi slt, %select_n3A_1022, %lt3A_1184 : vector<16xi32>
        %add3A_1186 = arith.constant 16 : i32
        %add3A_1187 = vector.broadcast %add3A_1186 : i32 to vector<16xi32>
        %add3A_1188 = arith.addi %select_n3A_1022, %add3A_1187 : vector<16xi32>
        %select_n3A_1189 = arith.select %lt3A_1185, %add3A_1188, %select_n3A_1022 : vector<16xi1>, vector<16xi32>
        %broadcast_in_dim3A_1190 = vector.shape_cast %select_n3A_1189 : vector<16xi32> to vector<16x1xi32>
        %gather3A_1191 = vector.shape_cast %broadcast_in_dim3A_1190 : vector<16x1xi32> to vector<16xi32>
        %gather3A_1192 = tpu.dynamic_gather %gather3A_1182[%gather3A_1191] in [0] : vector<16xf32>, vector<16xi32> -> vector<16xf32>
        %max3A_1193 = arith.maximumf %gather3A_1182, %gather3A_1192 : vector<16xf32>
        %lt3A_1194 = arith.constant 0 : i32
        %lt3A_1195 = vector.broadcast %lt3A_1194 : i32 to vector<16xi32>
        %lt3A_1196 = arith.cmpi slt, %select_n3A_1034, %lt3A_1195 : vector<16xi32>
        %add3A_1197 = arith.constant 16 : i32
        %add3A_1198 = vector.broadcast %add3A_1197 : i32 to vector<16xi32>
        %add3A_1199 = arith.addi %select_n3A_1034, %add3A_1198 : vector<16xi32>
        %select_n3A_1200 = arith.select %lt3A_1196, %add3A_1199, %select_n3A_1034 : vector<16xi1>, vector<16xi32>
        %broadcast_in_dim3A_1201 = vector.shape_cast %select_n3A_1200 : vector<16xi32> to vector<16x1xi32>
        %gather3A_1202 = vector.shape_cast %broadcast_in_dim3A_1201 : vector<16x1xi32> to vector<16xi32>
        %gather3A_1203 = tpu.dynamic_gather %max3A_1193[%gather3A_1202] in [0] : vector<16xf32>, vector<16xi32> -> vector<16xf32>
        %max3A_1204 = arith.maximumf %max3A_1193, %gather3A_1203 : vector<16xf32>
        %lt3A_1205 = arith.constant 0 : i32
        %lt3A_1206 = vector.broadcast %lt3A_1205 : i32 to vector<16xi32>
        %lt3A_1207 = arith.cmpi slt, %select_n3A_1046, %lt3A_1206 : vector<16xi32>
        %add3A_1208 = arith.constant 16 : i32
        %add3A_1209 = vector.broadcast %add3A_1208 : i32 to vector<16xi32>
        %add3A_1210 = arith.addi %select_n3A_1046, %add3A_1209 : vector<16xi32>
        %select_n3A_1211 = arith.select %lt3A_1207, %add3A_1210, %select_n3A_1046 : vector<16xi1>, vector<16xi32>
        %broadcast_in_dim3A_1212 = vector.shape_cast %select_n3A_1211 : vector<16xi32> to vector<16x1xi32>
        %gather3A_1213 = vector.shape_cast %broadcast_in_dim3A_1212 : vector<16x1xi32> to vector<16xi32>
        %gather3A_1214 = tpu.dynamic_gather %max3A_1204[%gather3A_1213] in [0] : vector<16xf32>, vector<16xi32> -> vector<16xf32>
        %max3A_1215 = arith.maximumf %max3A_1204, %gather3A_1214 : vector<16xf32>
        %lt3A_1216 = arith.constant 0 : i32
        %lt3A_1217 = vector.broadcast %lt3A_1216 : i32 to vector<16xi32>
        %lt3A_1218 = arith.cmpi slt, %select_n3A_1058, %lt3A_1217 : vector<16xi32>
        %add3A_1219 = arith.constant 16 : i32
        %add3A_1220 = vector.broadcast %add3A_1219 : i32 to vector<16xi32>
        %add3A_1221 = arith.addi %select_n3A_1058, %add3A_1220 : vector<16xi32>
        %select_n3A_1222 = arith.select %lt3A_1218, %add3A_1221, %select_n3A_1058 : vector<16xi1>, vector<16xi32>
        %broadcast_in_dim3A_1223 = vector.shape_cast %select_n3A_1222 : vector<16xi32> to vector<16x1xi32>
        %gather3A_1224 = vector.shape_cast %broadcast_in_dim3A_1223 : vector<16x1xi32> to vector<16xi32>
        %gather3A_1225 = tpu.dynamic_gather %max3A_1215[%gather3A_1224] in [0] : vector<16xf32>, vector<16xi32> -> vector<16xf32>
        %max3A_1226 = arith.maximumf %max3A_1215, %gather3A_1225 : vector<16xf32>
        %max3A_1227 = arith.maximumf %max3A_1226, %gather3A_1080 : vector<16xf32>
        %gather3A_1228 = arith.constant 30720 : i32
        %gather3A_1229 = tpu.memref_slice %arg6[%gather3A_1228] : memref<40960xf32, #tpu.memory_space<vmem>> -> memref<10240xf32, #tpu.memory_space<vmem>>
        %gather3A_1230 = tpu.vector_load_idx %gather3A_1229[%and3A_737] : memref<10240xf32, #tpu.memory_space<vmem>>[vector<16xi32>], vector<16xf32>,
        %lt3A_1231 = arith.constant 0 : i32
        %lt3A_1232 = vector.broadcast %lt3A_1231 : i32 to vector<16xi32>
        %lt3A_1233 = arith.cmpi slt, %select_n3A_1022, %lt3A_1232 : vector<16xi32>
        %add3A_1234 = arith.constant 16 : i32
        %add3A_1235 = vector.broadcast %add3A_1234 : i32 to vector<16xi32>
        %add3A_1236 = arith.addi %select_n3A_1022, %add3A_1235 : vector<16xi32>
        %select_n3A_1237 = arith.select %lt3A_1233, %add3A_1236, %select_n3A_1022 : vector<16xi1>, vector<16xi32>
        %broadcast_in_dim3A_1238 = vector.shape_cast %select_n3A_1237 : vector<16xi32> to vector<16x1xi32>
        %gather3A_1239 = vector.shape_cast %broadcast_in_dim3A_1238 : vector<16x1xi32> to vector<16xi32>
        %gather3A_1240 = tpu.dynamic_gather %gather3A_1230[%gather3A_1239] in [0] : vector<16xf32>, vector<16xi32> -> vector<16xf32>
        %max3A_1241 = arith.maximumf %gather3A_1230, %gather3A_1240 : vector<16xf32>
        %lt3A_1242 = arith.constant 0 : i32
        %lt3A_1243 = vector.broadcast %lt3A_1242 : i32 to vector<16xi32>
        %lt3A_1244 = arith.cmpi slt, %select_n3A_1034, %lt3A_1243 : vector<16xi32>
        %add3A_1245 = arith.constant 16 : i32
        %add3A_1246 = vector.broadcast %add3A_1245 : i32 to vector<16xi32>
        %add3A_1247 = arith.addi %select_n3A_1034, %add3A_1246 : vector<16xi32>
        %select_n3A_1248 = arith.select %lt3A_1244, %add3A_1247, %select_n3A_1034 : vector<16xi1>, vector<16xi32>
        %broadcast_in_dim3A_1249 = vector.shape_cast %select_n3A_1248 : vector<16xi32> to vector<16x1xi32>
        %gather3A_1250 = vector.shape_cast %broadcast_in_dim3A_1249 : vector<16x1xi32> to vector<16xi32>
        %gather3A_1251 = tpu.dynamic_gather %max3A_1241[%gather3A_1250] in [0] : vector<16xf32>, vector<16xi32> -> vector<16xf32>
        %max3A_1252 = arith.maximumf %max3A_1241, %gather3A_1251 : vector<16xf32>
        %lt3A_1253 = arith.constant 0 : i32
        %lt3A_1254 = vector.broadcast %lt3A_1253 : i32 to vector<16xi32>
        %lt3A_1255 = arith.cmpi slt, %select_n3A_1046, %lt3A_1254 : vector<16xi32>
        %add3A_1256 = arith.constant 16 : i32
        %add3A_1257 = vector.broadcast %add3A_1256 : i32 to vector<16xi32>
        %add3A_1258 = arith.addi %select_n3A_1046, %add3A_1257 : vector<16xi32>
        %select_n3A_1259 = arith.select %lt3A_1255, %add3A_1258, %select_n3A_1046 : vector<16xi1>, vector<16xi32>
        %broadcast_in_dim3A_1260 = vector.shape_cast %select_n3A_1259 : vector<16xi32> to vector<16x1xi32>
        %gather3A_1261 = vector.shape_cast %broadcast_in_dim3A_1260 : vector<16x1xi32> to vector<16xi32>
        %gather3A_1262 = tpu.dynamic_gather %max3A_1252[%gather3A_1261] in [0] : vector<16xf32>, vector<16xi32> -> vector<16xf32>
        %max3A_1263 = arith.maximumf %max3A_1252, %gather3A_1262 : vector<16xf32>
        %lt3A_1264 = arith.constant 0 : i32
        %lt3A_1265 = vector.broadcast %lt3A_1264 : i32 to vector<16xi32>
        %lt3A_1266 = arith.cmpi slt, %select_n3A_1058, %lt3A_1265 : vector<16xi32>
        %add3A_1267 = arith.constant 16 : i32
        %add3A_1268 = vector.broadcast %add3A_1267 : i32 to vector<16xi32>
        %add3A_1269 = arith.addi %select_n3A_1058, %add3A_1268 : vector<16xi32>
        %select_n3A_1270 = arith.select %lt3A_1266, %add3A_1269, %select_n3A_1058 : vector<16xi1>, vector<16xi32>
        %broadcast_in_dim3A_1271 = vector.shape_cast %select_n3A_1270 : vector<16xi32> to vector<16x1xi32>
        %gather3A_1272 = vector.shape_cast %broadcast_in_dim3A_1271 : vector<16x1xi32> to vector<16xi32>
        %gather3A_1273 = tpu.dynamic_gather %max3A_1263[%gather3A_1272] in [0] : vector<16xf32>, vector<16xi32> -> vector<16xf32>
        %max3A_1274 = arith.maximumf %max3A_1263, %gather3A_1273 : vector<16xf32>
        %max3A_1275 = arith.maximumf %max3A_1274, %gather3A_1083 : vector<16xf32>
        %scatter3A_1276 = arith.constant 0 : i32
        %scatter3A_1277 = tpu.memref_slice %arg5[%scatter3A_1276] : memref<40976xf32, #tpu.memory_space<vmem>> -> memref<10240xf32, #tpu.memory_space<vmem>>
        tpu.vector_store_idx %scatter3A_1277[%select_n3A_1071], %max3A_1131 : memref<10240xf32, #tpu.memory_space<vmem>>[vector<16xi32>], vector<16xf32>,
        %scatter3A_1278 = arith.constant 10240 : i32
        %scatter3A_1279 = tpu.memref_slice %arg5[%scatter3A_1278] : memref<40976xf32, #tpu.memory_space<vmem>> -> memref<10240xf32, #tpu.memory_space<vmem>>
        tpu.vector_store_idx %scatter3A_1279[%select_n3A_1071], %max3A_1179 : memref<10240xf32, #tpu.memory_space<vmem>>[vector<16xi32>], vector<16xf32>,
        %scatter3A_1280 = arith.constant 20480 : i32
        %scatter3A_1281 = tpu.memref_slice %arg5[%scatter3A_1280] : memref<40976xf32, #tpu.memory_space<vmem>> -> memref<10240xf32, #tpu.memory_space<vmem>>
        tpu.vector_store_idx %scatter3A_1281[%select_n3A_1071], %max3A_1227 : memref<10240xf32, #tpu.memory_space<vmem>>[vector<16xi32>], vector<16xf32>,
        %scatter3A_1282 = arith.constant 30720 : i32
        %scatter3A_1283 = tpu.memref_slice %arg5[%scatter3A_1282] : memref<40976xf32, #tpu.memory_space<vmem>> -> memref<10240xf32, #tpu.memory_space<vmem>>
        tpu.vector_store_idx %scatter3A_1283[%select_n3A_1071], %max3A_1275 : memref<10240xf32, #tpu.memory_space<vmem>>[vector<16xi32>], vector<16xf32>,
        %scan3A_1284 = arith.constant 0 : i32
        scf.yield %scan3A_1284 : i32
      }
      %scan3A_94 = arith.constant 125 : i32
      %mul3A_95 = arith.constant 2 : i32
      %mul3A_96 = arith.muli %scan3A_67, %mul3A_95 : i32
      %add3A_97 = arith.constant 1 : i32
      %add3A_98 = arith.addi %mul3A_96, %add3A_97 : i32
      %add3A_99 = arith.constant 1 : i32
      %add3A_100 = arith.addi %add3A_98, %add3A_99 : i32
      %lt3A_101 = arith.constant 40 : i32
      %lt3A_102 = arith.cmpi slt, %add3A_100, %lt3A_101 : i32
      %convert_element_type3A_103 = arith.extui %lt3A_102 : i1 to i32
      %cond3A_104 = arith.constant 0 : i32
      %cond3A_105 = arith.cmpi ne, %convert_element_type3A_103, %cond3A_104 : i32
      scf.if %cond3A_105 {
        %add3A_126 = arith.constant 1 : i32
        %add3A_127 = arith.addi %add3A_98, %add3A_126 : i32
        %mul3A_128 = arith.constant 1 : i32
        %mul3A_129 = arith.muli %add3A, %mul3A_128 : i32
        %add3A_130 = arith.addi %add3A_127, %mul3A_129 : i32
        %ge3A_131 = arith.constant 40 : i32
        %ge3A_132 = arith.cmpi sge, %add3A_130, %ge3A_131 : i32
        %sub3A_133 = arith.constant 40 : i32
        %sub3A_134 = arith.subi %add3A_130, %sub3A_133 : i32
        %select_n3A_135 = arith.select %ge3A_132, %sub3A_134, %add3A_130 : i32
        %mul3A_136 = arith.constant 8000 : i32
        %mul3A_137 = arith.muli %select_n3A_135, %mul3A_136 : i32
        %dma_start3A_138 = tpu.memref_slice %arg3[%mul3A_137] : memref<320000xi32, #tpu.memory_space<hbm>> -> memref<8000xi32, #tpu.memory_space<hbm>>
        %dma_start3A_139 = tpu.memref_slice %arg3[%mul3A_137] : memref<320000xi32, #tpu.memory_space<hbm>> -> memref<8000xi32, #tpu.memory_space<hbm>>
        tpu.enqueue_dma source(%dma_start3A_139 : memref<8000xi32, #tpu.memory_space<hbm>>) target(%arg7 : memref<8000xi32, #tpu.memory_space<vmem>>) target_semaphore(%arg10 : memref<!tpu.dma_semaphore, #tpu.memory_space<semaphore_mem>>)
      } else {
      }
      %mul3A_106 = arith.constant 1 : i32
      %mul3A_107 = arith.muli %add3A, %mul3A_106 : i32
      %add3A_108 = arith.addi %add3A_98, %mul3A_107 : i32
      %ge3A_109 = arith.constant 40 : i32
      %ge3A_110 = arith.cmpi sge, %add3A_108, %ge3A_109 : i32
      %sub3A_111 = arith.constant 40 : i32
      %sub3A_112 = arith.subi %add3A_108, %sub3A_111 : i32
      %select_n3A_113 = arith.select %ge3A_110, %sub3A_112, %add3A_108 : i32
      %mul3A_114 = arith.constant 8000 : i32
      %mul3A_115 = arith.muli %select_n3A_113, %mul3A_114 : i32
      %dma_wait3A_116 = tpu.memref_slice %arg3[%mul3A_115] : memref<320000xi32, #tpu.memory_space<hbm>> -> memref<8000xi32, #tpu.memory_space<hbm>>
      %dma_wait3A_117 = tpu.memref_slice %arg3[%mul3A_115] : memref<320000xi32, #tpu.memory_space<hbm>> -> memref<8000xi32, #tpu.memory_space<hbm>>
      tpu.wait_dma2 semaphore(%arg10 : memref<!tpu.dma_semaphore, #tpu.memory_space<semaphore_mem>>) src(%dma_wait3A_117 : memref<8000xi32, #tpu.memory_space<hbm>>) dst(%arg8 : memref<8000xi32, #tpu.memory_space<vmem>>)
      %scan3A_118 = arith.constant 0 : i32
      %scan3A_119 = arith.constant 0 : i32
      %scan3A_120 = arith.constant 125 : i32
      %scan3A_121 = arith.addi %scan3A_119, %scan3A_120 : i32
      %scan3A_122 = arith.constant 1 : i32
      %scan3A_123 = scf.for %scan3A_126 = %scan3A_119 to %scan3A_121 step %scan3A_122 iter_args(%scan3A_127 = %scan3A_118) -> (i32)  : i32 {
        %mul3A_128 = arith.constant 4 : i32
        %mul3A_129 = arith.muli %scan3A_126, %mul3A_128 : i32
        %mul3A_130 = arith.constant 16 : i32
        %mul3A_131 = arith.muli %mul3A_129, %mul3A_130 : i32
        %get3A = arith.index_cast %mul3A_131 : i32 to index
        %get3A_132 = tpu.vector_load %arg8[%get3A] {strides = array<i32>} : memref<8000xi32, #tpu.memory_space<vmem>>, vector<16xi32>,
        %bitcast3A = vector.bitcast %get3A_132 : vector<16xi32> to vector<16xi32>
        %masked_sort3A = arith.constant dense<true> : vector<16xi1>
        %masked_sort3A_133, %masked_sort3A_134, %masked_sort3A_135 = tpu.sort %bitcast3A, %get3A_132 masked %masked_sort3A : (vector<16xi32>, vector<16xi32>, vector<16xi1>) -> (vector<16xi1>, vector<16xi32>, vector<16xi32>)
        %bitcast3A_136 = vector.bitcast %masked_sort3A_134 : vector<16xi32> to vector<16xi32>
        %shift_right_logical3A = arith.constant 14 : i32
        %shift_right_logical3A_137 = vector.broadcast %shift_right_logical3A : i32 to vector<16xi32>
        %shift_right_logical3A_138 = arith.shrui %bitcast3A_136, %shift_right_logical3A_137 : vector<16xi32>
        %and3A = arith.constant 16383 : i32
        %and3A_139 = vector.broadcast %and3A : i32 to vector<16xi32>
        %and3A_140 = arith.andi %bitcast3A_136, %and3A_139 : vector<16xi32>
        %add3A_141 = arith.constant 1 : i32
        %add3A_142 = arith.addi %mul3A_129, %add3A_141 : i32
        %mul3A_143 = arith.constant 16 : i32
        %mul3A_144 = arith.muli %add3A_142, %mul3A_143 : i32
        %get3A_145 = arith.index_cast %mul3A_144 : i32 to index
        %get3A_146 = tpu.vector_load %arg8[%get3A_145] {strides = array<i32>} : memref<8000xi32, #tpu.memory_space<vmem>>, vector<16xi32>,
        %bitcast3A_147 = vector.bitcast %get3A_146 : vector<16xi32> to vector<16xi32>
        %masked_sort3A_148 = arith.constant dense<true> : vector<16xi1>
        %masked_sort3A_149, %masked_sort3A_150, %masked_sort3A_151 = tpu.sort %bitcast3A_147, %get3A_146 masked %masked_sort3A_148 : (vector<16xi32>, vector<16xi32>, vector<16xi1>) -> (vector<16xi1>, vector<16xi32>, vector<16xi32>)
        %bitcast3A_152 = vector.bitcast %masked_sort3A_150 : vector<16xi32> to vector<16xi32>
        %shift_right_logical3A_153 = arith.constant 14 : i32
        %shift_right_logical3A_154 = vector.broadcast %shift_right_logical3A_153 : i32 to vector<16xi32>
        %shift_right_logical3A_155 = arith.shrui %bitcast3A_152, %shift_right_logical3A_154 : vector<16xi32>
        %and3A_156 = arith.constant 16383 : i32
        %and3A_157 = vector.broadcast %and3A_156 : i32 to vector<16xi32>
        %and3A_158 = arith.andi %bitcast3A_152, %and3A_157 : vector<16xi32>
        %lt3A_159 = arith.constant 0 : i32
        %lt3A_160 = vector.broadcast %lt3A_159 : i32 to vector<16xi32>
        %lt3A_161 = arith.cmpi slt, %max3A_28, %lt3A_160 : vector<16xi32>
        %add3A_162 = arith.constant 16 : i32
        %add3A_163 = vector.broadcast %add3A_162 : i32 to vector<16xi32>
        %add3A_164 = arith.addi %max3A_28, %add3A_163 : vector<16xi32>
        %select_n3A_165 = arith.select %lt3A_161, %add3A_164, %max3A_28 : vector<16xi1>, vector<16xi32>
        %broadcast_in_dim3A_166 = vector.shape_cast %select_n3A_165 : vector<16xi32> to vector<16x1xi32>
        %gather3A = vector.shape_cast %broadcast_in_dim3A_166 : vector<16x1xi32> to vector<16xi32>
        %gather3A_167 = tpu.dynamic_gather %shift_right_logical3A_138[%gather3A] in [0] : vector<16xi32>, vector<16xi32> -> vector<16xi32>
        %eq3A = arith.cmpi eq, %gather3A_167, %shift_right_logical3A_138 : vector<16xi32>
        %select_n3A_168 = arith.select %eq3A, %max3A_28, %iota3A : vector<16xi1>, vector<16xi32>
        %lt3A_169 = arith.constant 0 : i32
        %lt3A_170 = vector.broadcast %lt3A_169 : i32 to vector<16xi32>
        %lt3A_171 = arith.cmpi slt, %max3A_34, %lt3A_170 : vector<16xi32>
        %add3A_172 = arith.constant 16 : i32
        %add3A_173 = vector.broadcast %add3A_172 : i32 to vector<16xi32>
        %add3A_174 = arith.addi %max3A_34, %add3A_173 : vector<16xi32>
        %select_n3A_175 = arith.select %lt3A_171, %add3A_174, %max3A_34 : vector<16xi1>, vector<16xi32>
        %broadcast_in_dim3A_176 = vector.shape_cast %select_n3A_175 : vector<16xi32> to vector<16x1xi32>
        %gather3A_177 = vector.shape_cast %broadcast_in_dim3A_176 : vector<16x1xi32> to vector<16xi32>
        %gather3A_178 = tpu.dynamic_gather %shift_right_logical3A_138[%gather3A_177] in [0] : vector<16xi32>, vector<16xi32> -> vector<16xi32>
        %eq3A_179 = arith.cmpi eq, %gather3A_178, %shift_right_logical3A_138 : vector<16xi32>
        %select_n3A_180 = arith.select %eq3A_179, %max3A_34, %iota3A : vector<16xi1>, vector<16xi32>
        %lt3A_181 = arith.constant 0 : i32
        %lt3A_182 = vector.broadcast %lt3A_181 : i32 to vector<16xi32>
        %lt3A_183 = arith.cmpi slt, %max3A_40, %lt3A_182 : vector<16xi32>
        %add3A_184 = arith.constant 16 : i32
        %add3A_185 = vector.broadcast %add3A_184 : i32 to vector<16xi32>
        %add3A_186 = arith.addi %max3A_40, %add3A_185 : vector<16xi32>
        %select_n3A_187 = arith.select %lt3A_183, %add3A_186, %max3A_40 : vector<16xi1>, vector<16xi32>
        %broadcast_in_dim3A_188 = vector.shape_cast %select_n3A_187 : vector<16xi32> to vector<16x1xi32>
        %gather3A_189 = vector.shape_cast %broadcast_in_dim3A_188 : vector<16x1xi32> to vector<16xi32>
        %gather3A_190 = tpu.dynamic_gather %shift_right_logical3A_138[%gather3A_189] in [0] : vector<16xi32>, vector<16xi32> -> vector<16xi32>
        %eq3A_191 = arith.cmpi eq, %gather3A_190, %shift_right_logical3A_138 : vector<16xi32>
        %select_n3A_192 = arith.select %eq3A_191, %max3A_40, %iota3A : vector<16xi1>, vector<16xi32>
        %lt3A_193 = arith.constant 0 : i32
        %lt3A_194 = vector.broadcast %lt3A_193 : i32 to vector<16xi32>
        %lt3A_195 = arith.cmpi slt, %max3A_46, %lt3A_194 : vector<16xi32>
        %add3A_196 = arith.constant 16 : i32
        %add3A_197 = vector.broadcast %add3A_196 : i32 to vector<16xi32>
        %add3A_198 = arith.addi %max3A_46, %add3A_197 : vector<16xi32>
        %select_n3A_199 = arith.select %lt3A_195, %add3A_198, %max3A_46 : vector<16xi1>, vector<16xi32>
        %broadcast_in_dim3A_200 = vector.shape_cast %select_n3A_199 : vector<16xi32> to vector<16x1xi32>
        %gather3A_201 = vector.shape_cast %broadcast_in_dim3A_200 : vector<16x1xi32> to vector<16xi32>
        %gather3A_202 = tpu.dynamic_gather %shift_right_logical3A_138[%gather3A_201] in [0] : vector<16xi32>, vector<16xi32> -> vector<16xi32>
        %eq3A_203 = arith.cmpi eq, %gather3A_202, %shift_right_logical3A_138 : vector<16xi32>
        %select_n3A_204 = arith.select %eq3A_203, %max3A_46, %iota3A : vector<16xi1>, vector<16xi32>
        %lt3A_205 = arith.constant 0 : i32
        %lt3A_206 = vector.broadcast %lt3A_205 : i32 to vector<16xi32>
        %lt3A_207 = arith.cmpi slt, %min3A_51, %lt3A_206 : vector<16xi32>
        %add3A_208 = arith.constant 16 : i32
        %add3A_209 = vector.broadcast %add3A_208 : i32 to vector<16xi32>
        %add3A_210 = arith.addi %min3A_51, %add3A_209 : vector<16xi32>
        %select_n3A_211 = arith.select %lt3A_207, %add3A_210, %min3A_51 : vector<16xi1>, vector<16xi32>
        %broadcast_in_dim3A_212 = vector.shape_cast %select_n3A_211 : vector<16xi32> to vector<16x1xi32>
        %gather3A_213 = vector.shape_cast %broadcast_in_dim3A_212 : vector<16x1xi32> to vector<16xi32>
        %gather3A_214 = tpu.dynamic_gather %shift_right_logical3A_138[%gather3A_213] in [0] : vector<16xi32>, vector<16xi32> -> vector<16xi32>
        %eq3A_215 = arith.cmpi eq, %gather3A_214, %shift_right_logical3A_138 : vector<16xi32>
        %and3A_216 = arith.andi %eq3A_215, %lt3A_53 : vector<16xi1>
        %select_n3A_217 = arith.select %and3A_216, %broadcast_in_dim3A_55, %shift_right_logical3A_138 : vector<16xi1>, vector<16xi32>
        %gather3A_218 = arith.constant 0 : i32
        %gather3A_219 = tpu.memref_slice %arg5[%gather3A_218] : memref<40976xf32, #tpu.memory_space<vmem>> -> memref<10240xf32, #tpu.memory_space<vmem>>
        %gather3A_220 = tpu.vector_load_idx %gather3A_219[%shift_right_logical3A_138] : memref<10240xf32, #tpu.memory_space<vmem>>[vector<16xi32>], vector<16xf32>,
        %gather3A_221 = arith.constant 10240 : i32
        %gather3A_222 = tpu.memref_slice %arg5[%gather3A_221] : memref<40976xf32, #tpu.memory_space<vmem>> -> memref<10240xf32, #tpu.memory_space<vmem>>
        %gather3A_223 = tpu.vector_load_idx %gather3A_222[%shift_right_logical3A_138] : memref<10240xf32, #tpu.memory_space<vmem>>[vector<16xi32>], vector<16xf32>,
        %gather3A_224 = arith.constant 20480 : i32
        %gather3A_225 = tpu.memref_slice %arg5[%gather3A_224] : memref<40976xf32, #tpu.memory_space<vmem>> -> memref<10240xf32, #tpu.memory_space<vmem>>
        %gather3A_226 = tpu.vector_load_idx %gather3A_225[%shift_right_logical3A_138] : memref<10240xf32, #tpu.memory_space<vmem>>[vector<16xi32>], vector<16xf32>,
        %gather3A_227 = arith.constant 30720 : i32
        %gather3A_228 = tpu.memref_slice %arg5[%gather3A_227] : memref<40976xf32, #tpu.memory_space<vmem>> -> memref<10240xf32, #tpu.memory_space<vmem>>
        %gather3A_229 = tpu.vector_load_idx %gather3A_228[%shift_right_logical3A_138] : memref<10240xf32, #tpu.memory_space<vmem>>[vector<16xi32>], vector<16xf32>,
        %gather3A_230 = arith.constant 0 : i32
        %gather3A_231 = tpu.memref_slice %arg6[%gather3A_230] : memref<40960xf32, #tpu.memory_space<vmem>> -> memref<10240xf32, #tpu.memory_space<vmem>>
        %gather3A_232 = tpu.vector_load_idx %gather3A_231[%and3A_140] : memref<10240xf32, #tpu.memory_space<vmem>>[vector<16xi32>], vector<16xf32>,
        %lt3A_233 = arith.constant 0 : i32
        %lt3A_234 = vector.broadcast %lt3A_233 : i32 to vector<16xi32>
        %lt3A_235 = arith.cmpi slt, %select_n3A_168, %lt3A_234 : vector<16xi32>
        %add3A_236 = arith.constant 16 : i32
        %add3A_237 = vector.broadcast %add3A_236 : i32 to vector<16xi32>
        %add3A_238 = arith.addi %select_n3A_168, %add3A_237 : vector<16xi32>
        %select_n3A_239 = arith.select %lt3A_235, %add3A_238, %select_n3A_168 : vector<16xi1>, vector<16xi32>
        %broadcast_in_dim3A_240 = vector.shape_cast %select_n3A_239 : vector<16xi32> to vector<16x1xi32>
        %gather3A_241 = vector.shape_cast %broadcast_in_dim3A_240 : vector<16x1xi32> to vector<16xi32>
        %gather3A_242 = tpu.dynamic_gather %gather3A_232[%gather3A_241] in [0] : vector<16xf32>, vector<16xi32> -> vector<16xf32>
        %max3A_243 = arith.maximumf %gather3A_232, %gather3A_242 : vector<16xf32>
        %lt3A_244 = arith.constant 0 : i32
        %lt3A_245 = vector.broadcast %lt3A_244 : i32 to vector<16xi32>
        %lt3A_246 = arith.cmpi slt, %select_n3A_180, %lt3A_245 : vector<16xi32>
        %add3A_247 = arith.constant 16 : i32
        %add3A_248 = vector.broadcast %add3A_247 : i32 to vector<16xi32>
        %add3A_249 = arith.addi %select_n3A_180, %add3A_248 : vector<16xi32>
        %select_n3A_250 = arith.select %lt3A_246, %add3A_249, %select_n3A_180 : vector<16xi1>, vector<16xi32>
        %broadcast_in_dim3A_251 = vector.shape_cast %select_n3A_250 : vector<16xi32> to vector<16x1xi32>
        %gather3A_252 = vector.shape_cast %broadcast_in_dim3A_251 : vector<16x1xi32> to vector<16xi32>
        %gather3A_253 = tpu.dynamic_gather %max3A_243[%gather3A_252] in [0] : vector<16xf32>, vector<16xi32> -> vector<16xf32>
        %max3A_254 = arith.maximumf %max3A_243, %gather3A_253 : vector<16xf32>
        %lt3A_255 = arith.constant 0 : i32
        %lt3A_256 = vector.broadcast %lt3A_255 : i32 to vector<16xi32>
        %lt3A_257 = arith.cmpi slt, %select_n3A_192, %lt3A_256 : vector<16xi32>
        %add3A_258 = arith.constant 16 : i32
        %add3A_259 = vector.broadcast %add3A_258 : i32 to vector<16xi32>
        %add3A_260 = arith.addi %select_n3A_192, %add3A_259 : vector<16xi32>
        %select_n3A_261 = arith.select %lt3A_257, %add3A_260, %select_n3A_192 : vector<16xi1>, vector<16xi32>
        %broadcast_in_dim3A_262 = vector.shape_cast %select_n3A_261 : vector<16xi32> to vector<16x1xi32>
        %gather3A_263 = vector.shape_cast %broadcast_in_dim3A_262 : vector<16x1xi32> to vector<16xi32>
        %gather3A_264 = tpu.dynamic_gather %max3A_254[%gather3A_263] in [0] : vector<16xf32>, vector<16xi32> -> vector<16xf32>
        %max3A_265 = arith.maximumf %max3A_254, %gather3A_264 : vector<16xf32>
        %lt3A_266 = arith.constant 0 : i32
        %lt3A_267 = vector.broadcast %lt3A_266 : i32 to vector<16xi32>
        %lt3A_268 = arith.cmpi slt, %select_n3A_204, %lt3A_267 : vector<16xi32>
        %add3A_269 = arith.constant 16 : i32
        %add3A_270 = vector.broadcast %add3A_269 : i32 to vector<16xi32>
        %add3A_271 = arith.addi %select_n3A_204, %add3A_270 : vector<16xi32>
        %select_n3A_272 = arith.select %lt3A_268, %add3A_271, %select_n3A_204 : vector<16xi1>, vector<16xi32>
        %broadcast_in_dim3A_273 = vector.shape_cast %select_n3A_272 : vector<16xi32> to vector<16x1xi32>
        %gather3A_274 = vector.shape_cast %broadcast_in_dim3A_273 : vector<16x1xi32> to vector<16xi32>
        %gather3A_275 = tpu.dynamic_gather %max3A_265[%gather3A_274] in [0] : vector<16xf32>, vector<16xi32> -> vector<16xf32>
        %max3A_276 = arith.maximumf %max3A_265, %gather3A_275 : vector<16xf32>
        %max3A_277 = arith.maximumf %max3A_276, %gather3A_220 : vector<16xf32>
        %gather3A_278 = arith.constant 10240 : i32
        %gather3A_279 = tpu.memref_slice %arg6[%gather3A_278] : memref<40960xf32, #tpu.memory_space<vmem>> -> memref<10240xf32, #tpu.memory_space<vmem>>
        %gather3A_280 = tpu.vector_load_idx %gather3A_279[%and3A_140] : memref<10240xf32, #tpu.memory_space<vmem>>[vector<16xi32>], vector<16xf32>,
        %lt3A_281 = arith.constant 0 : i32
        %lt3A_282 = vector.broadcast %lt3A_281 : i32 to vector<16xi32>
        %lt3A_283 = arith.cmpi slt, %select_n3A_168, %lt3A_282 : vector<16xi32>
        %add3A_284 = arith.constant 16 : i32
        %add3A_285 = vector.broadcast %add3A_284 : i32 to vector<16xi32>
        %add3A_286 = arith.addi %select_n3A_168, %add3A_285 : vector<16xi32>
        %select_n3A_287 = arith.select %lt3A_283, %add3A_286, %select_n3A_168 : vector<16xi1>, vector<16xi32>
        %broadcast_in_dim3A_288 = vector.shape_cast %select_n3A_287 : vector<16xi32> to vector<16x1xi32>
        %gather3A_289 = vector.shape_cast %broadcast_in_dim3A_288 : vector<16x1xi32> to vector<16xi32>
        %gather3A_290 = tpu.dynamic_gather %gather3A_280[%gather3A_289] in [0] : vector<16xf32>, vector<16xi32> -> vector<16xf32>
        %max3A_291 = arith.maximumf %gather3A_280, %gather3A_290 : vector<16xf32>
        %lt3A_292 = arith.constant 0 : i32
        %lt3A_293 = vector.broadcast %lt3A_292 : i32 to vector<16xi32>
        %lt3A_294 = arith.cmpi slt, %select_n3A_180, %lt3A_293 : vector<16xi32>
        %add3A_295 = arith.constant 16 : i32
        %add3A_296 = vector.broadcast %add3A_295 : i32 to vector<16xi32>
        %add3A_297 = arith.addi %select_n3A_180, %add3A_296 : vector<16xi32>
        %select_n3A_298 = arith.select %lt3A_294, %add3A_297, %select_n3A_180 : vector<16xi1>, vector<16xi32>
        %broadcast_in_dim3A_299 = vector.shape_cast %select_n3A_298 : vector<16xi32> to vector<16x1xi32>
        %gather3A_300 = vector.shape_cast %broadcast_in_dim3A_299 : vector<16x1xi32> to vector<16xi32>
        %gather3A_301 = tpu.dynamic_gather %max3A_291[%gather3A_300] in [0] : vector<16xf32>, vector<16xi32> -> vector<16xf32>
        %max3A_302 = arith.maximumf %max3A_291, %gather3A_301 : vector<16xf32>
        %lt3A_303 = arith.constant 0 : i32
        %lt3A_304 = vector.broadcast %lt3A_303 : i32 to vector<16xi32>
        %lt3A_305 = arith.cmpi slt, %select_n3A_192, %lt3A_304 : vector<16xi32>
        %add3A_306 = arith.constant 16 : i32
        %add3A_307 = vector.broadcast %add3A_306 : i32 to vector<16xi32>
        %add3A_308 = arith.addi %select_n3A_192, %add3A_307 : vector<16xi32>
        %select_n3A_309 = arith.select %lt3A_305, %add3A_308, %select_n3A_192 : vector<16xi1>, vector<16xi32>
        %broadcast_in_dim3A_310 = vector.shape_cast %select_n3A_309 : vector<16xi32> to vector<16x1xi32>
        %gather3A_311 = vector.shape_cast %broadcast_in_dim3A_310 : vector<16x1xi32> to vector<16xi32>
        %gather3A_312 = tpu.dynamic_gather %max3A_302[%gather3A_311] in [0] : vector<16xf32>, vector<16xi32> -> vector<16xf32>
        %max3A_313 = arith.maximumf %max3A_302, %gather3A_312 : vector<16xf32>
        %lt3A_314 = arith.constant 0 : i32
        %lt3A_315 = vector.broadcast %lt3A_314 : i32 to vector<16xi32>
        %lt3A_316 = arith.cmpi slt, %select_n3A_204, %lt3A_315 : vector<16xi32>
        %add3A_317 = arith.constant 16 : i32
        %add3A_318 = vector.broadcast %add3A_317 : i32 to vector<16xi32>
        %add3A_319 = arith.addi %select_n3A_204, %add3A_318 : vector<16xi32>
        %select_n3A_320 = arith.select %lt3A_316, %add3A_319, %select_n3A_204 : vector<16xi1>, vector<16xi32>
        %broadcast_in_dim3A_321 = vector.shape_cast %select_n3A_320 : vector<16xi32> to vector<16x1xi32>
        %gather3A_322 = vector.shape_cast %broadcast_in_dim3A_321 : vector<16x1xi32> to vector<16xi32>
        %gather3A_323 = tpu.dynamic_gather %max3A_313[%gather3A_322] in [0] : vector<16xf32>, vector<16xi32> -> vector<16xf32>
        %max3A_324 = arith.maximumf %max3A_313, %gather3A_323 : vector<16xf32>
        %max3A_325 = arith.maximumf %max3A_324, %gather3A_223 : vector<16xf32>
        %gather3A_326 = arith.constant 20480 : i32
        %gather3A_327 = tpu.memref_slice %arg6[%gather3A_326] : memref<40960xf32, #tpu.memory_space<vmem>> -> memref<10240xf32, #tpu.memory_space<vmem>>
        %gather3A_328 = tpu.vector_load_idx %gather3A_327[%and3A_140] : memref<10240xf32, #tpu.memory_space<vmem>>[vector<16xi32>], vector<16xf32>,
        %lt3A_329 = arith.constant 0 : i32
        %lt3A_330 = vector.broadcast %lt3A_329 : i32 to vector<16xi32>
        %lt3A_331 = arith.cmpi slt, %select_n3A_168, %lt3A_330 : vector<16xi32>
        %add3A_332 = arith.constant 16 : i32
        %add3A_333 = vector.broadcast %add3A_332 : i32 to vector<16xi32>
        %add3A_334 = arith.addi %select_n3A_168, %add3A_333 : vector<16xi32>
        %select_n3A_335 = arith.select %lt3A_331, %add3A_334, %select_n3A_168 : vector<16xi1>, vector<16xi32>
        %broadcast_in_dim3A_336 = vector.shape_cast %select_n3A_335 : vector<16xi32> to vector<16x1xi32>
        %gather3A_337 = vector.shape_cast %broadcast_in_dim3A_336 : vector<16x1xi32> to vector<16xi32>
        %gather3A_338 = tpu.dynamic_gather %gather3A_328[%gather3A_337] in [0] : vector<16xf32>, vector<16xi32> -> vector<16xf32>
        %max3A_339 = arith.maximumf %gather3A_328, %gather3A_338 : vector<16xf32>
        %lt3A_340 = arith.constant 0 : i32
        %lt3A_341 = vector.broadcast %lt3A_340 : i32 to vector<16xi32>
        %lt3A_342 = arith.cmpi slt, %select_n3A_180, %lt3A_341 : vector<16xi32>
        %add3A_343 = arith.constant 16 : i32
        %add3A_344 = vector.broadcast %add3A_343 : i32 to vector<16xi32>
        %add3A_345 = arith.addi %select_n3A_180, %add3A_344 : vector<16xi32>
        %select_n3A_346 = arith.select %lt3A_342, %add3A_345, %select_n3A_180 : vector<16xi1>, vector<16xi32>
        %broadcast_in_dim3A_347 = vector.shape_cast %select_n3A_346 : vector<16xi32> to vector<16x1xi32>
        %gather3A_348 = vector.shape_cast %broadcast_in_dim3A_347 : vector<16x1xi32> to vector<16xi32>
        %gather3A_349 = tpu.dynamic_gather %max3A_339[%gather3A_348] in [0] : vector<16xf32>, vector<16xi32> -> vector<16xf32>
        %max3A_350 = arith.maximumf %max3A_339, %gather3A_349 : vector<16xf32>
        %lt3A_351 = arith.constant 0 : i32
        %lt3A_352 = vector.broadcast %lt3A_351 : i32 to vector<16xi32>
        %lt3A_353 = arith.cmpi slt, %select_n3A_192, %lt3A_352 : vector<16xi32>
        %add3A_354 = arith.constant 16 : i32
        %add3A_355 = vector.broadcast %add3A_354 : i32 to vector<16xi32>
        %add3A_356 = arith.addi %select_n3A_192, %add3A_355 : vector<16xi32>
        %select_n3A_357 = arith.select %lt3A_353, %add3A_356, %select_n3A_192 : vector<16xi1>, vector<16xi32>
        %broadcast_in_dim3A_358 = vector.shape_cast %select_n3A_357 : vector<16xi32> to vector<16x1xi32>
        %gather3A_359 = vector.shape_cast %broadcast_in_dim3A_358 : vector<16x1xi32> to vector<16xi32>
        %gather3A_360 = tpu.dynamic_gather %max3A_350[%gather3A_359] in [0] : vector<16xf32>, vector<16xi32> -> vector<16xf32>
        %max3A_361 = arith.maximumf %max3A_350, %gather3A_360 : vector<16xf32>
        %lt3A_362 = arith.constant 0 : i32
        %lt3A_363 = vector.broadcast %lt3A_362 : i32 to vector<16xi32>
        %lt3A_364 = arith.cmpi slt, %select_n3A_204, %lt3A_363 : vector<16xi32>
        %add3A_365 = arith.constant 16 : i32
        %add3A_366 = vector.broadcast %add3A_365 : i32 to vector<16xi32>
        %add3A_367 = arith.addi %select_n3A_204, %add3A_366 : vector<16xi32>
        %select_n3A_368 = arith.select %lt3A_364, %add3A_367, %select_n3A_204 : vector<16xi1>, vector<16xi32>
        %broadcast_in_dim3A_369 = vector.shape_cast %select_n3A_368 : vector<16xi32> to vector<16x1xi32>
        %gather3A_370 = vector.shape_cast %broadcast_in_dim3A_369 : vector<16x1xi32> to vector<16xi32>
        %gather3A_371 = tpu.dynamic_gather %max3A_361[%gather3A_370] in [0] : vector<16xf32>, vector<16xi32> -> vector<16xf32>
        %max3A_372 = arith.maximumf %max3A_361, %gather3A_371 : vector<16xf32>
        %max3A_373 = arith.maximumf %max3A_372, %gather3A_226 : vector<16xf32>
        %gather3A_374 = arith.constant 30720 : i32
        %gather3A_375 = tpu.memref_slice %arg6[%gather3A_374] : memref<40960xf32, #tpu.memory_space<vmem>> -> memref<10240xf32, #tpu.memory_space<vmem>>
        %gather3A_376 = tpu.vector_load_idx %gather3A_375[%and3A_140] : memref<10240xf32, #tpu.memory_space<vmem>>[vector<16xi32>], vector<16xf32>,
        %lt3A_377 = arith.constant 0 : i32
        %lt3A_378 = vector.broadcast %lt3A_377 : i32 to vector<16xi32>
        %lt3A_379 = arith.cmpi slt, %select_n3A_168, %lt3A_378 : vector<16xi32>
        %add3A_380 = arith.constant 16 : i32
        %add3A_381 = vector.broadcast %add3A_380 : i32 to vector<16xi32>
        %add3A_382 = arith.addi %select_n3A_168, %add3A_381 : vector<16xi32>
        %select_n3A_383 = arith.select %lt3A_379, %add3A_382, %select_n3A_168 : vector<16xi1>, vector<16xi32>
        %broadcast_in_dim3A_384 = vector.shape_cast %select_n3A_383 : vector<16xi32> to vector<16x1xi32>
        %gather3A_385 = vector.shape_cast %broadcast_in_dim3A_384 : vector<16x1xi32> to vector<16xi32>
        %gather3A_386 = tpu.dynamic_gather %gather3A_376[%gather3A_385] in [0] : vector<16xf32>, vector<16xi32> -> vector<16xf32>
        %max3A_387 = arith.maximumf %gather3A_376, %gather3A_386 : vector<16xf32>
        %lt3A_388 = arith.constant 0 : i32
        %lt3A_389 = vector.broadcast %lt3A_388 : i32 to vector<16xi32>
        %lt3A_390 = arith.cmpi slt, %select_n3A_180, %lt3A_389 : vector<16xi32>
        %add3A_391 = arith.constant 16 : i32
        %add3A_392 = vector.broadcast %add3A_391 : i32 to vector<16xi32>
        %add3A_393 = arith.addi %select_n3A_180, %add3A_392 : vector<16xi32>
        %select_n3A_394 = arith.select %lt3A_390, %add3A_393, %select_n3A_180 : vector<16xi1>, vector<16xi32>
        %broadcast_in_dim3A_395 = vector.shape_cast %select_n3A_394 : vector<16xi32> to vector<16x1xi32>
        %gather3A_396 = vector.shape_cast %broadcast_in_dim3A_395 : vector<16x1xi32> to vector<16xi32>
        %gather3A_397 = tpu.dynamic_gather %max3A_387[%gather3A_396] in [0] : vector<16xf32>, vector<16xi32> -> vector<16xf32>
        %max3A_398 = arith.maximumf %max3A_387, %gather3A_397 : vector<16xf32>
        %lt3A_399 = arith.constant 0 : i32
        %lt3A_400 = vector.broadcast %lt3A_399 : i32 to vector<16xi32>
        %lt3A_401 = arith.cmpi slt, %select_n3A_192, %lt3A_400 : vector<16xi32>
        %add3A_402 = arith.constant 16 : i32
        %add3A_403 = vector.broadcast %add3A_402 : i32 to vector<16xi32>
        %add3A_404 = arith.addi %select_n3A_192, %add3A_403 : vector<16xi32>
        %select_n3A_405 = arith.select %lt3A_401, %add3A_404, %select_n3A_192 : vector<16xi1>, vector<16xi32>
        %broadcast_in_dim3A_406 = vector.shape_cast %select_n3A_405 : vector<16xi32> to vector<16x1xi32>
        %gather3A_407 = vector.shape_cast %broadcast_in_dim3A_406 : vector<16x1xi32> to vector<16xi32>
        %gather3A_408 = tpu.dynamic_gather %max3A_398[%gather3A_407] in [0] : vector<16xf32>, vector<16xi32> -> vector<16xf32>
        %max3A_409 = arith.maximumf %max3A_398, %gather3A_408 : vector<16xf32>
        %lt3A_410 = arith.constant 0 : i32
        %lt3A_411 = vector.broadcast %lt3A_410 : i32 to vector<16xi32>
        %lt3A_412 = arith.cmpi slt, %select_n3A_204, %lt3A_411 : vector<16xi32>
        %add3A_413 = arith.constant 16 : i32
        %add3A_414 = vector.broadcast %add3A_413 : i32 to vector<16xi32>
        %add3A_415 = arith.addi %select_n3A_204, %add3A_414 : vector<16xi32>
        %select_n3A_416 = arith.select %lt3A_412, %add3A_415, %select_n3A_204 : vector<16xi1>, vector<16xi32>
        %broadcast_in_dim3A_417 = vector.shape_cast %select_n3A_416 : vector<16xi32> to vector<16x1xi32>
        %gather3A_418 = vector.shape_cast %broadcast_in_dim3A_417 : vector<16x1xi32> to vector<16xi32>
        %gather3A_419 = tpu.dynamic_gather %max3A_409[%gather3A_418] in [0] : vector<16xf32>, vector<16xi32> -> vector<16xf32>
        %max3A_420 = arith.maximumf %max3A_409, %gather3A_419 : vector<16xf32>
        %max3A_421 = arith.maximumf %max3A_420, %gather3A_229 : vector<16xf32>
        %scatter3A = arith.constant 0 : i32
        %scatter3A_422 = tpu.memref_slice %arg5[%scatter3A] : memref<40976xf32, #tpu.memory_space<vmem>> -> memref<10240xf32, #tpu.memory_space<vmem>>
        tpu.vector_store_idx %scatter3A_422[%select_n3A_217], %max3A_277 : memref<10240xf32, #tpu.memory_space<vmem>>[vector<16xi32>], vector<16xf32>,
        %scatter3A_423 = arith.constant 10240 : i32
        %scatter3A_424 = tpu.memref_slice %arg5[%scatter3A_423] : memref<40976xf32, #tpu.memory_space<vmem>> -> memref<10240xf32, #tpu.memory_space<vmem>>
        tpu.vector_store_idx %scatter3A_424[%select_n3A_217], %max3A_325 : memref<10240xf32, #tpu.memory_space<vmem>>[vector<16xi32>], vector<16xf32>,
        %scatter3A_425 = arith.constant 20480 : i32
        %scatter3A_426 = tpu.memref_slice %arg5[%scatter3A_425] : memref<40976xf32, #tpu.memory_space<vmem>> -> memref<10240xf32, #tpu.memory_space<vmem>>
        tpu.vector_store_idx %scatter3A_426[%select_n3A_217], %max3A_373 : memref<10240xf32, #tpu.memory_space<vmem>>[vector<16xi32>], vector<16xf32>,
        %scatter3A_427 = arith.constant 30720 : i32
        %scatter3A_428 = tpu.memref_slice %arg5[%scatter3A_427] : memref<40976xf32, #tpu.memory_space<vmem>> -> memref<10240xf32, #tpu.memory_space<vmem>>
        tpu.vector_store_idx %scatter3A_428[%select_n3A_217], %max3A_421 : memref<10240xf32, #tpu.memory_space<vmem>>[vector<16xi32>], vector<16xf32>,
        %add3A_429 = arith.constant 2 : i32
        %add3A_430 = arith.addi %mul3A_129, %add3A_429 : i32
        %mul3A_431 = arith.constant 16 : i32
        %mul3A_432 = arith.muli %add3A_430, %mul3A_431 : i32
        %get3A_433 = arith.index_cast %mul3A_432 : i32 to index
        %get3A_434 = tpu.vector_load %arg8[%get3A_433] {strides = array<i32>} : memref<8000xi32, #tpu.memory_space<vmem>>, vector<16xi32>,
        %bitcast3A_435 = vector.bitcast %get3A_434 : vector<16xi32> to vector<16xi32>
        %masked_sort3A_436 = arith.constant dense<true> : vector<16xi1>
        %masked_sort3A_437, %masked_sort3A_438, %masked_sort3A_439 = tpu.sort %bitcast3A_435, %get3A_434 masked %masked_sort3A_436 : (vector<16xi32>, vector<16xi32>, vector<16xi1>) -> (vector<16xi1>, vector<16xi32>, vector<16xi32>)
        %bitcast3A_440 = vector.bitcast %masked_sort3A_438 : vector<16xi32> to vector<16xi32>
        %shift_right_logical3A_441 = arith.constant 14 : i32
        %shift_right_logical3A_442 = vector.broadcast %shift_right_logical3A_441 : i32 to vector<16xi32>
        %shift_right_logical3A_443 = arith.shrui %bitcast3A_440, %shift_right_logical3A_442 : vector<16xi32>
        %and3A_444 = arith.constant 16383 : i32
        %and3A_445 = vector.broadcast %and3A_444 : i32 to vector<16xi32>
        %and3A_446 = arith.andi %bitcast3A_440, %and3A_445 : vector<16xi32>
        %lt3A_447 = arith.constant 0 : i32
        %lt3A_448 = vector.broadcast %lt3A_447 : i32 to vector<16xi32>
        %lt3A_449 = arith.cmpi slt, %max3A_28, %lt3A_448 : vector<16xi32>
        %add3A_450 = arith.constant 16 : i32
        %add3A_451 = vector.broadcast %add3A_450 : i32 to vector<16xi32>
        %add3A_452 = arith.addi %max3A_28, %add3A_451 : vector<16xi32>
        %select_n3A_453 = arith.select %lt3A_449, %add3A_452, %max3A_28 : vector<16xi1>, vector<16xi32>
        %broadcast_in_dim3A_454 = vector.shape_cast %select_n3A_453 : vector<16xi32> to vector<16x1xi32>
        %gather3A_455 = vector.shape_cast %broadcast_in_dim3A_454 : vector<16x1xi32> to vector<16xi32>
        %gather3A_456 = tpu.dynamic_gather %shift_right_logical3A_155[%gather3A_455] in [0] : vector<16xi32>, vector<16xi32> -> vector<16xi32>
        %eq3A_457 = arith.cmpi eq, %gather3A_456, %shift_right_logical3A_155 : vector<16xi32>
        %select_n3A_458 = arith.select %eq3A_457, %max3A_28, %iota3A : vector<16xi1>, vector<16xi32>
        %lt3A_459 = arith.constant 0 : i32
        %lt3A_460 = vector.broadcast %lt3A_459 : i32 to vector<16xi32>
        %lt3A_461 = arith.cmpi slt, %max3A_34, %lt3A_460 : vector<16xi32>
        %add3A_462 = arith.constant 16 : i32
        %add3A_463 = vector.broadcast %add3A_462 : i32 to vector<16xi32>
        %add3A_464 = arith.addi %max3A_34, %add3A_463 : vector<16xi32>
        %select_n3A_465 = arith.select %lt3A_461, %add3A_464, %max3A_34 : vector<16xi1>, vector<16xi32>
        %broadcast_in_dim3A_466 = vector.shape_cast %select_n3A_465 : vector<16xi32> to vector<16x1xi32>
        %gather3A_467 = vector.shape_cast %broadcast_in_dim3A_466 : vector<16x1xi32> to vector<16xi32>
        %gather3A_468 = tpu.dynamic_gather %shift_right_logical3A_155[%gather3A_467] in [0] : vector<16xi32>, vector<16xi32> -> vector<16xi32>
        %eq3A_469 = arith.cmpi eq, %gather3A_468, %shift_right_logical3A_155 : vector<16xi32>
        %select_n3A_470 = arith.select %eq3A_469, %max3A_34, %iota3A : vector<16xi1>, vector<16xi32>
        %lt3A_471 = arith.constant 0 : i32
        %lt3A_472 = vector.broadcast %lt3A_471 : i32 to vector<16xi32>
        %lt3A_473 = arith.cmpi slt, %max3A_40, %lt3A_472 : vector<16xi32>
        %add3A_474 = arith.constant 16 : i32
        %add3A_475 = vector.broadcast %add3A_474 : i32 to vector<16xi32>
        %add3A_476 = arith.addi %max3A_40, %add3A_475 : vector<16xi32>
        %select_n3A_477 = arith.select %lt3A_473, %add3A_476, %max3A_40 : vector<16xi1>, vector<16xi32>
        %broadcast_in_dim3A_478 = vector.shape_cast %select_n3A_477 : vector<16xi32> to vector<16x1xi32>
        %gather3A_479 = vector.shape_cast %broadcast_in_dim3A_478 : vector<16x1xi32> to vector<16xi32>
        %gather3A_480 = tpu.dynamic_gather %shift_right_logical3A_155[%gather3A_479] in [0] : vector<16xi32>, vector<16xi32> -> vector<16xi32>
        %eq3A_481 = arith.cmpi eq, %gather3A_480, %shift_right_logical3A_155 : vector<16xi32>
        %select_n3A_482 = arith.select %eq3A_481, %max3A_40, %iota3A : vector<16xi1>, vector<16xi32>
        %lt3A_483 = arith.constant 0 : i32
        %lt3A_484 = vector.broadcast %lt3A_483 : i32 to vector<16xi32>
        %lt3A_485 = arith.cmpi slt, %max3A_46, %lt3A_484 : vector<16xi32>
        %add3A_486 = arith.constant 16 : i32
        %add3A_487 = vector.broadcast %add3A_486 : i32 to vector<16xi32>
        %add3A_488 = arith.addi %max3A_46, %add3A_487 : vector<16xi32>
        %select_n3A_489 = arith.select %lt3A_485, %add3A_488, %max3A_46 : vector<16xi1>, vector<16xi32>
        %broadcast_in_dim3A_490 = vector.shape_cast %select_n3A_489 : vector<16xi32> to vector<16x1xi32>
        %gather3A_491 = vector.shape_cast %broadcast_in_dim3A_490 : vector<16x1xi32> to vector<16xi32>
        %gather3A_492 = tpu.dynamic_gather %shift_right_logical3A_155[%gather3A_491] in [0] : vector<16xi32>, vector<16xi32> -> vector<16xi32>
        %eq3A_493 = arith.cmpi eq, %gather3A_492, %shift_right_logical3A_155 : vector<16xi32>
        %select_n3A_494 = arith.select %eq3A_493, %max3A_46, %iota3A : vector<16xi1>, vector<16xi32>
        %lt3A_495 = arith.constant 0 : i32
        %lt3A_496 = vector.broadcast %lt3A_495 : i32 to vector<16xi32>
        %lt3A_497 = arith.cmpi slt, %min3A_51, %lt3A_496 : vector<16xi32>
        %add3A_498 = arith.constant 16 : i32
        %add3A_499 = vector.broadcast %add3A_498 : i32 to vector<16xi32>
        %add3A_500 = arith.addi %min3A_51, %add3A_499 : vector<16xi32>
        %select_n3A_501 = arith.select %lt3A_497, %add3A_500, %min3A_51 : vector<16xi1>, vector<16xi32>
        %broadcast_in_dim3A_502 = vector.shape_cast %select_n3A_501 : vector<16xi32> to vector<16x1xi32>
        %gather3A_503 = vector.shape_cast %broadcast_in_dim3A_502 : vector<16x1xi32> to vector<16xi32>
        %gather3A_504 = tpu.dynamic_gather %shift_right_logical3A_155[%gather3A_503] in [0] : vector<16xi32>, vector<16xi32> -> vector<16xi32>
        %eq3A_505 = arith.cmpi eq, %gather3A_504, %shift_right_logical3A_155 : vector<16xi32>
        %and3A_506 = arith.andi %eq3A_505, %lt3A_53 : vector<16xi1>
        %select_n3A_507 = arith.select %and3A_506, %broadcast_in_dim3A_55, %shift_right_logical3A_155 : vector<16xi1>, vector<16xi32>
        %gather3A_508 = arith.constant 0 : i32
        %gather3A_509 = tpu.memref_slice %arg5[%gather3A_508] : memref<40976xf32, #tpu.memory_space<vmem>> -> memref<10240xf32, #tpu.memory_space<vmem>>
        %gather3A_510 = tpu.vector_load_idx %gather3A_509[%shift_right_logical3A_155] : memref<10240xf32, #tpu.memory_space<vmem>>[vector<16xi32>], vector<16xf32>,
        %gather3A_511 = arith.constant 10240 : i32
        %gather3A_512 = tpu.memref_slice %arg5[%gather3A_511] : memref<40976xf32, #tpu.memory_space<vmem>> -> memref<10240xf32, #tpu.memory_space<vmem>>
        %gather3A_513 = tpu.vector_load_idx %gather3A_512[%shift_right_logical3A_155] : memref<10240xf32, #tpu.memory_space<vmem>>[vector<16xi32>], vector<16xf32>,
        %gather3A_514 = arith.constant 20480 : i32
        %gather3A_515 = tpu.memref_slice %arg5[%gather3A_514] : memref<40976xf32, #tpu.memory_space<vmem>> -> memref<10240xf32, #tpu.memory_space<vmem>>
        %gather3A_516 = tpu.vector_load_idx %gather3A_515[%shift_right_logical3A_155] : memref<10240xf32, #tpu.memory_space<vmem>>[vector<16xi32>], vector<16xf32>,
        %gather3A_517 = arith.constant 30720 : i32
        %gather3A_518 = tpu.memref_slice %arg5[%gather3A_517] : memref<40976xf32, #tpu.memory_space<vmem>> -> memref<10240xf32, #tpu.memory_space<vmem>>
        %gather3A_519 = tpu.vector_load_idx %gather3A_518[%shift_right_logical3A_155] : memref<10240xf32, #tpu.memory_space<vmem>>[vector<16xi32>], vector<16xf32>,
        %gather3A_520 = arith.constant 0 : i32
        %gather3A_521 = tpu.memref_slice %arg6[%gather3A_520] : memref<40960xf32, #tpu.memory_space<vmem>> -> memref<10240xf32, #tpu.memory_space<vmem>>
        %gather3A_522 = tpu.vector_load_idx %gather3A_521[%and3A_158] : memref<10240xf32, #tpu.memory_space<vmem>>[vector<16xi32>], vector<16xf32>,
        %lt3A_523 = arith.constant 0 : i32
        %lt3A_524 = vector.broadcast %lt3A_523 : i32 to vector<16xi32>
        %lt3A_525 = arith.cmpi slt, %select_n3A_458, %lt3A_524 : vector<16xi32>
        %add3A_526 = arith.constant 16 : i32
        %add3A_527 = vector.broadcast %add3A_526 : i32 to vector<16xi32>
        %add3A_528 = arith.addi %select_n3A_458, %add3A_527 : vector<16xi32>
        %select_n3A_529 = arith.select %lt3A_525, %add3A_528, %select_n3A_458 : vector<16xi1>, vector<16xi32>
        %broadcast_in_dim3A_530 = vector.shape_cast %select_n3A_529 : vector<16xi32> to vector<16x1xi32>
        %gather3A_531 = vector.shape_cast %broadcast_in_dim3A_530 : vector<16x1xi32> to vector<16xi32>
        %gather3A_532 = tpu.dynamic_gather %gather3A_522[%gather3A_531] in [0] : vector<16xf32>, vector<16xi32> -> vector<16xf32>
        %max3A_533 = arith.maximumf %gather3A_522, %gather3A_532 : vector<16xf32>
        %lt3A_534 = arith.constant 0 : i32
        %lt3A_535 = vector.broadcast %lt3A_534 : i32 to vector<16xi32>
        %lt3A_536 = arith.cmpi slt, %select_n3A_470, %lt3A_535 : vector<16xi32>
        %add3A_537 = arith.constant 16 : i32
        %add3A_538 = vector.broadcast %add3A_537 : i32 to vector<16xi32>
        %add3A_539 = arith.addi %select_n3A_470, %add3A_538 : vector<16xi32>
        %select_n3A_540 = arith.select %lt3A_536, %add3A_539, %select_n3A_470 : vector<16xi1>, vector<16xi32>
        %broadcast_in_dim3A_541 = vector.shape_cast %select_n3A_540 : vector<16xi32> to vector<16x1xi32>
        %gather3A_542 = vector.shape_cast %broadcast_in_dim3A_541 : vector<16x1xi32> to vector<16xi32>
        %gather3A_543 = tpu.dynamic_gather %max3A_533[%gather3A_542] in [0] : vector<16xf32>, vector<16xi32> -> vector<16xf32>
        %max3A_544 = arith.maximumf %max3A_533, %gather3A_543 : vector<16xf32>
        %lt3A_545 = arith.constant 0 : i32
        %lt3A_546 = vector.broadcast %lt3A_545 : i32 to vector<16xi32>
        %lt3A_547 = arith.cmpi slt, %select_n3A_482, %lt3A_546 : vector<16xi32>
        %add3A_548 = arith.constant 16 : i32
        %add3A_549 = vector.broadcast %add3A_548 : i32 to vector<16xi32>
        %add3A_550 = arith.addi %select_n3A_482, %add3A_549 : vector<16xi32>
        %select_n3A_551 = arith.select %lt3A_547, %add3A_550, %select_n3A_482 : vector<16xi1>, vector<16xi32>
        %broadcast_in_dim3A_552 = vector.shape_cast %select_n3A_551 : vector<16xi32> to vector<16x1xi32>
        %gather3A_553 = vector.shape_cast %broadcast_in_dim3A_552 : vector<16x1xi32> to vector<16xi32>
        %gather3A_554 = tpu.dynamic_gather %max3A_544[%gather3A_553] in [0] : vector<16xf32>, vector<16xi32> -> vector<16xf32>
        %max3A_555 = arith.maximumf %max3A_544, %gather3A_554 : vector<16xf32>
        %lt3A_556 = arith.constant 0 : i32
        %lt3A_557 = vector.broadcast %lt3A_556 : i32 to vector<16xi32>
        %lt3A_558 = arith.cmpi slt, %select_n3A_494, %lt3A_557 : vector<16xi32>
        %add3A_559 = arith.constant 16 : i32
        %add3A_560 = vector.broadcast %add3A_559 : i32 to vector<16xi32>
        %add3A_561 = arith.addi %select_n3A_494, %add3A_560 : vector<16xi32>
        %select_n3A_562 = arith.select %lt3A_558, %add3A_561, %select_n3A_494 : vector<16xi1>, vector<16xi32>
        %broadcast_in_dim3A_563 = vector.shape_cast %select_n3A_562 : vector<16xi32> to vector<16x1xi32>
        %gather3A_564 = vector.shape_cast %broadcast_in_dim3A_563 : vector<16x1xi32> to vector<16xi32>
        %gather3A_565 = tpu.dynamic_gather %max3A_555[%gather3A_564] in [0] : vector<16xf32>, vector<16xi32> -> vector<16xf32>
        %max3A_566 = arith.maximumf %max3A_555, %gather3A_565 : vector<16xf32>
        %max3A_567 = arith.maximumf %max3A_566, %gather3A_510 : vector<16xf32>
        %gather3A_568 = arith.constant 10240 : i32
        %gather3A_569 = tpu.memref_slice %arg6[%gather3A_568] : memref<40960xf32, #tpu.memory_space<vmem>> -> memref<10240xf32, #tpu.memory_space<vmem>>
        %gather3A_570 = tpu.vector_load_idx %gather3A_569[%and3A_158] : memref<10240xf32, #tpu.memory_space<vmem>>[vector<16xi32>], vector<16xf32>,
        %lt3A_571 = arith.constant 0 : i32
        %lt3A_572 = vector.broadcast %lt3A_571 : i32 to vector<16xi32>
        %lt3A_573 = arith.cmpi slt, %select_n3A_458, %lt3A_572 : vector<16xi32>
        %add3A_574 = arith.constant 16 : i32
        %add3A_575 = vector.broadcast %add3A_574 : i32 to vector<16xi32>
        %add3A_576 = arith.addi %select_n3A_458, %add3A_575 : vector<16xi32>
        %select_n3A_577 = arith.select %lt3A_573, %add3A_576, %select_n3A_458 : vector<16xi1>, vector<16xi32>
        %broadcast_in_dim3A_578 = vector.shape_cast %select_n3A_577 : vector<16xi32> to vector<16x1xi32>
        %gather3A_579 = vector.shape_cast %broadcast_in_dim3A_578 : vector<16x1xi32> to vector<16xi32>
        %gather3A_580 = tpu.dynamic_gather %gather3A_570[%gather3A_579] in [0] : vector<16xf32>, vector<16xi32> -> vector<16xf32>
        %max3A_581 = arith.maximumf %gather3A_570, %gather3A_580 : vector<16xf32>
        %lt3A_582 = arith.constant 0 : i32
        %lt3A_583 = vector.broadcast %lt3A_582 : i32 to vector<16xi32>
        %lt3A_584 = arith.cmpi slt, %select_n3A_470, %lt3A_583 : vector<16xi32>
        %add3A_585 = arith.constant 16 : i32
        %add3A_586 = vector.broadcast %add3A_585 : i32 to vector<16xi32>
        %add3A_587 = arith.addi %select_n3A_470, %add3A_586 : vector<16xi32>
        %select_n3A_588 = arith.select %lt3A_584, %add3A_587, %select_n3A_470 : vector<16xi1>, vector<16xi32>
        %broadcast_in_dim3A_589 = vector.shape_cast %select_n3A_588 : vector<16xi32> to vector<16x1xi32>
        %gather3A_590 = vector.shape_cast %broadcast_in_dim3A_589 : vector<16x1xi32> to vector<16xi32>
        %gather3A_591 = tpu.dynamic_gather %max3A_581[%gather3A_590] in [0] : vector<16xf32>, vector<16xi32> -> vector<16xf32>
        %max3A_592 = arith.maximumf %max3A_581, %gather3A_591 : vector<16xf32>
        %lt3A_593 = arith.constant 0 : i32
        %lt3A_594 = vector.broadcast %lt3A_593 : i32 to vector<16xi32>
        %lt3A_595 = arith.cmpi slt, %select_n3A_482, %lt3A_594 : vector<16xi32>
        %add3A_596 = arith.constant 16 : i32
        %add3A_597 = vector.broadcast %add3A_596 : i32 to vector<16xi32>
        %add3A_598 = arith.addi %select_n3A_482, %add3A_597 : vector<16xi32>
        %select_n3A_599 = arith.select %lt3A_595, %add3A_598, %select_n3A_482 : vector<16xi1>, vector<16xi32>
        %broadcast_in_dim3A_600 = vector.shape_cast %select_n3A_599 : vector<16xi32> to vector<16x1xi32>
        %gather3A_601 = vector.shape_cast %broadcast_in_dim3A_600 : vector<16x1xi32> to vector<16xi32>
        %gather3A_602 = tpu.dynamic_gather %max3A_592[%gather3A_601] in [0] : vector<16xf32>, vector<16xi32> -> vector<16xf32>
        %max3A_603 = arith.maximumf %max3A_592, %gather3A_602 : vector<16xf32>
        %lt3A_604 = arith.constant 0 : i32
        %lt3A_605 = vector.broadcast %lt3A_604 : i32 to vector<16xi32>
        %lt3A_606 = arith.cmpi slt, %select_n3A_494, %lt3A_605 : vector<16xi32>
        %add3A_607 = arith.constant 16 : i32
        %add3A_608 = vector.broadcast %add3A_607 : i32 to vector<16xi32>
        %add3A_609 = arith.addi %select_n3A_494, %add3A_608 : vector<16xi32>
        %select_n3A_610 = arith.select %lt3A_606, %add3A_609, %select_n3A_494 : vector<16xi1>, vector<16xi32>
        %broadcast_in_dim3A_611 = vector.shape_cast %select_n3A_610 : vector<16xi32> to vector<16x1xi32>
        %gather3A_612 = vector.shape_cast %broadcast_in_dim3A_611 : vector<16x1xi32> to vector<16xi32>
        %gather3A_613 = tpu.dynamic_gather %max3A_603[%gather3A_612] in [0] : vector<16xf32>, vector<16xi32> -> vector<16xf32>
        %max3A_614 = arith.maximumf %max3A_603, %gather3A_613 : vector<16xf32>
        %max3A_615 = arith.maximumf %max3A_614, %gather3A_513 : vector<16xf32>
        %gather3A_616 = arith.constant 20480 : i32
        %gather3A_617 = tpu.memref_slice %arg6[%gather3A_616] : memref<40960xf32, #tpu.memory_space<vmem>> -> memref<10240xf32, #tpu.memory_space<vmem>>
        %gather3A_618 = tpu.vector_load_idx %gather3A_617[%and3A_158] : memref<10240xf32, #tpu.memory_space<vmem>>[vector<16xi32>], vector<16xf32>,
        %lt3A_619 = arith.constant 0 : i32
        %lt3A_620 = vector.broadcast %lt3A_619 : i32 to vector<16xi32>
        %lt3A_621 = arith.cmpi slt, %select_n3A_458, %lt3A_620 : vector<16xi32>
        %add3A_622 = arith.constant 16 : i32
        %add3A_623 = vector.broadcast %add3A_622 : i32 to vector<16xi32>
        %add3A_624 = arith.addi %select_n3A_458, %add3A_623 : vector<16xi32>
        %select_n3A_625 = arith.select %lt3A_621, %add3A_624, %select_n3A_458 : vector<16xi1>, vector<16xi32>
        %broadcast_in_dim3A_626 = vector.shape_cast %select_n3A_625 : vector<16xi32> to vector<16x1xi32>
        %gather3A_627 = vector.shape_cast %broadcast_in_dim3A_626 : vector<16x1xi32> to vector<16xi32>
        %gather3A_628 = tpu.dynamic_gather %gather3A_618[%gather3A_627] in [0] : vector<16xf32>, vector<16xi32> -> vector<16xf32>
        %max3A_629 = arith.maximumf %gather3A_618, %gather3A_628 : vector<16xf32>
        %lt3A_630 = arith.constant 0 : i32
        %lt3A_631 = vector.broadcast %lt3A_630 : i32 to vector<16xi32>
        %lt3A_632 = arith.cmpi slt, %select_n3A_470, %lt3A_631 : vector<16xi32>
        %add3A_633 = arith.constant 16 : i32
        %add3A_634 = vector.broadcast %add3A_633 : i32 to vector<16xi32>
        %add3A_635 = arith.addi %select_n3A_470, %add3A_634 : vector<16xi32>
        %select_n3A_636 = arith.select %lt3A_632, %add3A_635, %select_n3A_470 : vector<16xi1>, vector<16xi32>
        %broadcast_in_dim3A_637 = vector.shape_cast %select_n3A_636 : vector<16xi32> to vector<16x1xi32>
        %gather3A_638 = vector.shape_cast %broadcast_in_dim3A_637 : vector<16x1xi32> to vector<16xi32>
        %gather3A_639 = tpu.dynamic_gather %max3A_629[%gather3A_638] in [0] : vector<16xf32>, vector<16xi32> -> vector<16xf32>
        %max3A_640 = arith.maximumf %max3A_629, %gather3A_639 : vector<16xf32>
        %lt3A_641 = arith.constant 0 : i32
        %lt3A_642 = vector.broadcast %lt3A_641 : i32 to vector<16xi32>
        %lt3A_643 = arith.cmpi slt, %select_n3A_482, %lt3A_642 : vector<16xi32>
        %add3A_644 = arith.constant 16 : i32
        %add3A_645 = vector.broadcast %add3A_644 : i32 to vector<16xi32>
        %add3A_646 = arith.addi %select_n3A_482, %add3A_645 : vector<16xi32>
        %select_n3A_647 = arith.select %lt3A_643, %add3A_646, %select_n3A_482 : vector<16xi1>, vector<16xi32>
        %broadcast_in_dim3A_648 = vector.shape_cast %select_n3A_647 : vector<16xi32> to vector<16x1xi32>
        %gather3A_649 = vector.shape_cast %broadcast_in_dim3A_648 : vector<16x1xi32> to vector<16xi32>
        %gather3A_650 = tpu.dynamic_gather %max3A_640[%gather3A_649] in [0] : vector<16xf32>, vector<16xi32> -> vector<16xf32>
        %max3A_651 = arith.maximumf %max3A_640, %gather3A_650 : vector<16xf32>
        %lt3A_652 = arith.constant 0 : i32
        %lt3A_653 = vector.broadcast %lt3A_652 : i32 to vector<16xi32>
        %lt3A_654 = arith.cmpi slt, %select_n3A_494, %lt3A_653 : vector<16xi32>
        %add3A_655 = arith.constant 16 : i32
        %add3A_656 = vector.broadcast %add3A_655 : i32 to vector<16xi32>
        %add3A_657 = arith.addi %select_n3A_494, %add3A_656 : vector<16xi32>
        %select_n3A_658 = arith.select %lt3A_654, %add3A_657, %select_n3A_494 : vector<16xi1>, vector<16xi32>
        %broadcast_in_dim3A_659 = vector.shape_cast %select_n3A_658 : vector<16xi32> to vector<16x1xi32>
        %gather3A_660 = vector.shape_cast %broadcast_in_dim3A_659 : vector<16x1xi32> to vector<16xi32>
        %gather3A_661 = tpu.dynamic_gather %max3A_651[%gather3A_660] in [0] : vector<16xf32>, vector<16xi32> -> vector<16xf32>
        %max3A_662 = arith.maximumf %max3A_651, %gather3A_661 : vector<16xf32>
        %max3A_663 = arith.maximumf %max3A_662, %gather3A_516 : vector<16xf32>
        %gather3A_664 = arith.constant 30720 : i32
        %gather3A_665 = tpu.memref_slice %arg6[%gather3A_664] : memref<40960xf32, #tpu.memory_space<vmem>> -> memref<10240xf32, #tpu.memory_space<vmem>>
        %gather3A_666 = tpu.vector_load_idx %gather3A_665[%and3A_158] : memref<10240xf32, #tpu.memory_space<vmem>>[vector<16xi32>], vector<16xf32>,
        %lt3A_667 = arith.constant 0 : i32
        %lt3A_668 = vector.broadcast %lt3A_667 : i32 to vector<16xi32>
        %lt3A_669 = arith.cmpi slt, %select_n3A_458, %lt3A_668 : vector<16xi32>
        %add3A_670 = arith.constant 16 : i32
        %add3A_671 = vector.broadcast %add3A_670 : i32 to vector<16xi32>
        %add3A_672 = arith.addi %select_n3A_458, %add3A_671 : vector<16xi32>
        %select_n3A_673 = arith.select %lt3A_669, %add3A_672, %select_n3A_458 : vector<16xi1>, vector<16xi32>
        %broadcast_in_dim3A_674 = vector.shape_cast %select_n3A_673 : vector<16xi32> to vector<16x1xi32>
        %gather3A_675 = vector.shape_cast %broadcast_in_dim3A_674 : vector<16x1xi32> to vector<16xi32>
        %gather3A_676 = tpu.dynamic_gather %gather3A_666[%gather3A_675] in [0] : vector<16xf32>, vector<16xi32> -> vector<16xf32>
        %max3A_677 = arith.maximumf %gather3A_666, %gather3A_676 : vector<16xf32>
        %lt3A_678 = arith.constant 0 : i32
        %lt3A_679 = vector.broadcast %lt3A_678 : i32 to vector<16xi32>
        %lt3A_680 = arith.cmpi slt, %select_n3A_470, %lt3A_679 : vector<16xi32>
        %add3A_681 = arith.constant 16 : i32
        %add3A_682 = vector.broadcast %add3A_681 : i32 to vector<16xi32>
        %add3A_683 = arith.addi %select_n3A_470, %add3A_682 : vector<16xi32>
        %select_n3A_684 = arith.select %lt3A_680, %add3A_683, %select_n3A_470 : vector<16xi1>, vector<16xi32>
        %broadcast_in_dim3A_685 = vector.shape_cast %select_n3A_684 : vector<16xi32> to vector<16x1xi32>
        %gather3A_686 = vector.shape_cast %broadcast_in_dim3A_685 : vector<16x1xi32> to vector<16xi32>
        %gather3A_687 = tpu.dynamic_gather %max3A_677[%gather3A_686] in [0] : vector<16xf32>, vector<16xi32> -> vector<16xf32>
        %max3A_688 = arith.maximumf %max3A_677, %gather3A_687 : vector<16xf32>
        %lt3A_689 = arith.constant 0 : i32
        %lt3A_690 = vector.broadcast %lt3A_689 : i32 to vector<16xi32>
        %lt3A_691 = arith.cmpi slt, %select_n3A_482, %lt3A_690 : vector<16xi32>
        %add3A_692 = arith.constant 16 : i32
        %add3A_693 = vector.broadcast %add3A_692 : i32 to vector<16xi32>
        %add3A_694 = arith.addi %select_n3A_482, %add3A_693 : vector<16xi32>
        %select_n3A_695 = arith.select %lt3A_691, %add3A_694, %select_n3A_482 : vector<16xi1>, vector<16xi32>
        %broadcast_in_dim3A_696 = vector.shape_cast %select_n3A_695 : vector<16xi32> to vector<16x1xi32>
        %gather3A_697 = vector.shape_cast %broadcast_in_dim3A_696 : vector<16x1xi32> to vector<16xi32>
        %gather3A_698 = tpu.dynamic_gather %max3A_688[%gather3A_697] in [0] : vector<16xf32>, vector<16xi32> -> vector<16xf32>
        %max3A_699 = arith.maximumf %max3A_688, %gather3A_698 : vector<16xf32>
        %lt3A_700 = arith.constant 0 : i32
        %lt3A_701 = vector.broadcast %lt3A_700 : i32 to vector<16xi32>
        %lt3A_702 = arith.cmpi slt, %select_n3A_494, %lt3A_701 : vector<16xi32>
        %add3A_703 = arith.constant 16 : i32
        %add3A_704 = vector.broadcast %add3A_703 : i32 to vector<16xi32>
        %add3A_705 = arith.addi %select_n3A_494, %add3A_704 : vector<16xi32>
        %select_n3A_706 = arith.select %lt3A_702, %add3A_705, %select_n3A_494 : vector<16xi1>, vector<16xi32>
        %broadcast_in_dim3A_707 = vector.shape_cast %select_n3A_706 : vector<16xi32> to vector<16x1xi32>
        %gather3A_708 = vector.shape_cast %broadcast_in_dim3A_707 : vector<16x1xi32> to vector<16xi32>
        %gather3A_709 = tpu.dynamic_gather %max3A_699[%gather3A_708] in [0] : vector<16xf32>, vector<16xi32> -> vector<16xf32>
        %max3A_710 = arith.maximumf %max3A_699, %gather3A_709 : vector<16xf32>
        %max3A_711 = arith.maximumf %max3A_710, %gather3A_519 : vector<16xf32>
        %scatter3A_712 = arith.constant 0 : i32
        %scatter3A_713 = tpu.memref_slice %arg5[%scatter3A_712] : memref<40976xf32, #tpu.memory_space<vmem>> -> memref<10240xf32, #tpu.memory_space<vmem>>
        tpu.vector_store_idx %scatter3A_713[%select_n3A_507], %max3A_567 : memref<10240xf32, #tpu.memory_space<vmem>>[vector<16xi32>], vector<16xf32>,
        %scatter3A_714 = arith.constant 10240 : i32
        %scatter3A_715 = tpu.memref_slice %arg5[%scatter3A_714] : memref<40976xf32, #tpu.memory_space<vmem>> -> memref<10240xf32, #tpu.memory_space<vmem>>
        tpu.vector_store_idx %scatter3A_715[%select_n3A_507], %max3A_615 : memref<10240xf32, #tpu.memory_space<vmem>>[vector<16xi32>], vector<16xf32>,
        %scatter3A_716 = arith.constant 20480 : i32
        %scatter3A_717 = tpu.memref_slice %arg5[%scatter3A_716] : memref<40976xf32, #tpu.memory_space<vmem>> -> memref<10240xf32, #tpu.memory_space<vmem>>
        tpu.vector_store_idx %scatter3A_717[%select_n3A_507], %max3A_663 : memref<10240xf32, #tpu.memory_space<vmem>>[vector<16xi32>], vector<16xf32>,
        %scatter3A_718 = arith.constant 30720 : i32
        %scatter3A_719 = tpu.memref_slice %arg5[%scatter3A_718] : memref<40976xf32, #tpu.memory_space<vmem>> -> memref<10240xf32, #tpu.memory_space<vmem>>
        tpu.vector_store_idx %scatter3A_719[%select_n3A_507], %max3A_711 : memref<10240xf32, #tpu.memory_space<vmem>>[vector<16xi32>], vector<16xf32>,
        %add3A_720 = arith.constant 3 : i32
        %add3A_721 = arith.addi %mul3A_129, %add3A_720 : i32
        %mul3A_722 = arith.constant 16 : i32
        %mul3A_723 = arith.muli %add3A_721, %mul3A_722 : i32
        %get3A_724 = arith.index_cast %mul3A_723 : i32 to index
        %get3A_725 = tpu.vector_load %arg8[%get3A_724] {strides = array<i32>} : memref<8000xi32, #tpu.memory_space<vmem>>, vector<16xi32>,
        %bitcast3A_726 = vector.bitcast %get3A_725 : vector<16xi32> to vector<16xi32>
        %masked_sort3A_727 = arith.constant dense<true> : vector<16xi1>
        %masked_sort3A_728, %masked_sort3A_729, %masked_sort3A_730 = tpu.sort %bitcast3A_726, %get3A_725 masked %masked_sort3A_727 : (vector<16xi32>, vector<16xi32>, vector<16xi1>) -> (vector<16xi1>, vector<16xi32>, vector<16xi32>)
        %bitcast3A_731 = vector.bitcast %masked_sort3A_729 : vector<16xi32> to vector<16xi32>
        %shift_right_logical3A_732 = arith.constant 14 : i32
        %shift_right_logical3A_733 = vector.broadcast %shift_right_logical3A_732 : i32 to vector<16xi32>
        %shift_right_logical3A_734 = arith.shrui %bitcast3A_731, %shift_right_logical3A_733 : vector<16xi32>
        %and3A_735 = arith.constant 16383 : i32
        %and3A_736 = vector.broadcast %and3A_735 : i32 to vector<16xi32>
        %and3A_737 = arith.andi %bitcast3A_731, %and3A_736 : vector<16xi32>
        %lt3A_738 = arith.constant 0 : i32
        %lt3A_739 = vector.broadcast %lt3A_738 : i32 to vector<16xi32>
        %lt3A_740 = arith.cmpi slt, %max3A_28, %lt3A_739 : vector<16xi32>
        %add3A_741 = arith.constant 16 : i32
        %add3A_742 = vector.broadcast %add3A_741 : i32 to vector<16xi32>
        %add3A_743 = arith.addi %max3A_28, %add3A_742 : vector<16xi32>
        %select_n3A_744 = arith.select %lt3A_740, %add3A_743, %max3A_28 : vector<16xi1>, vector<16xi32>
        %broadcast_in_dim3A_745 = vector.shape_cast %select_n3A_744 : vector<16xi32> to vector<16x1xi32>
        %gather3A_746 = vector.shape_cast %broadcast_in_dim3A_745 : vector<16x1xi32> to vector<16xi32>
        %gather3A_747 = tpu.dynamic_gather %shift_right_logical3A_443[%gather3A_746] in [0] : vector<16xi32>, vector<16xi32> -> vector<16xi32>
        %eq3A_748 = arith.cmpi eq, %gather3A_747, %shift_right_logical3A_443 : vector<16xi32>
        %select_n3A_749 = arith.select %eq3A_748, %max3A_28, %iota3A : vector<16xi1>, vector<16xi32>
        %lt3A_750 = arith.constant 0 : i32
        %lt3A_751 = vector.broadcast %lt3A_750 : i32 to vector<16xi32>
        %lt3A_752 = arith.cmpi slt, %max3A_34, %lt3A_751 : vector<16xi32>
        %add3A_753 = arith.constant 16 : i32
        %add3A_754 = vector.broadcast %add3A_753 : i32 to vector<16xi32>
        %add3A_755 = arith.addi %max3A_34, %add3A_754 : vector<16xi32>
        %select_n3A_756 = arith.select %lt3A_752, %add3A_755, %max3A_34 : vector<16xi1>, vector<16xi32>
        %broadcast_in_dim3A_757 = vector.shape_cast %select_n3A_756 : vector<16xi32> to vector<16x1xi32>
        %gather3A_758 = vector.shape_cast %broadcast_in_dim3A_757 : vector<16x1xi32> to vector<16xi32>
        %gather3A_759 = tpu.dynamic_gather %shift_right_logical3A_443[%gather3A_758] in [0] : vector<16xi32>, vector<16xi32> -> vector<16xi32>
        %eq3A_760 = arith.cmpi eq, %gather3A_759, %shift_right_logical3A_443 : vector<16xi32>
        %select_n3A_761 = arith.select %eq3A_760, %max3A_34, %iota3A : vector<16xi1>, vector<16xi32>
        %lt3A_762 = arith.constant 0 : i32
        %lt3A_763 = vector.broadcast %lt3A_762 : i32 to vector<16xi32>
        %lt3A_764 = arith.cmpi slt, %max3A_40, %lt3A_763 : vector<16xi32>
        %add3A_765 = arith.constant 16 : i32
        %add3A_766 = vector.broadcast %add3A_765 : i32 to vector<16xi32>
        %add3A_767 = arith.addi %max3A_40, %add3A_766 : vector<16xi32>
        %select_n3A_768 = arith.select %lt3A_764, %add3A_767, %max3A_40 : vector<16xi1>, vector<16xi32>
        %broadcast_in_dim3A_769 = vector.shape_cast %select_n3A_768 : vector<16xi32> to vector<16x1xi32>
        %gather3A_770 = vector.shape_cast %broadcast_in_dim3A_769 : vector<16x1xi32> to vector<16xi32>
        %gather3A_771 = tpu.dynamic_gather %shift_right_logical3A_443[%gather3A_770] in [0] : vector<16xi32>, vector<16xi32> -> vector<16xi32>
        %eq3A_772 = arith.cmpi eq, %gather3A_771, %shift_right_logical3A_443 : vector<16xi32>
        %select_n3A_773 = arith.select %eq3A_772, %max3A_40, %iota3A : vector<16xi1>, vector<16xi32>
        %lt3A_774 = arith.constant 0 : i32
        %lt3A_775 = vector.broadcast %lt3A_774 : i32 to vector<16xi32>
        %lt3A_776 = arith.cmpi slt, %max3A_46, %lt3A_775 : vector<16xi32>
        %add3A_777 = arith.constant 16 : i32
        %add3A_778 = vector.broadcast %add3A_777 : i32 to vector<16xi32>
        %add3A_779 = arith.addi %max3A_46, %add3A_778 : vector<16xi32>
        %select_n3A_780 = arith.select %lt3A_776, %add3A_779, %max3A_46 : vector<16xi1>, vector<16xi32>
        %broadcast_in_dim3A_781 = vector.shape_cast %select_n3A_780 : vector<16xi32> to vector<16x1xi32>
        %gather3A_782 = vector.shape_cast %broadcast_in_dim3A_781 : vector<16x1xi32> to vector<16xi32>
        %gather3A_783 = tpu.dynamic_gather %shift_right_logical3A_443[%gather3A_782] in [0] : vector<16xi32>, vector<16xi32> -> vector<16xi32>
        %eq3A_784 = arith.cmpi eq, %gather3A_783, %shift_right_logical3A_443 : vector<16xi32>
        %select_n3A_785 = arith.select %eq3A_784, %max3A_46, %iota3A : vector<16xi1>, vector<16xi32>
        %lt3A_786 = arith.constant 0 : i32
        %lt3A_787 = vector.broadcast %lt3A_786 : i32 to vector<16xi32>
        %lt3A_788 = arith.cmpi slt, %min3A_51, %lt3A_787 : vector<16xi32>
        %add3A_789 = arith.constant 16 : i32
        %add3A_790 = vector.broadcast %add3A_789 : i32 to vector<16xi32>
        %add3A_791 = arith.addi %min3A_51, %add3A_790 : vector<16xi32>
        %select_n3A_792 = arith.select %lt3A_788, %add3A_791, %min3A_51 : vector<16xi1>, vector<16xi32>
        %broadcast_in_dim3A_793 = vector.shape_cast %select_n3A_792 : vector<16xi32> to vector<16x1xi32>
        %gather3A_794 = vector.shape_cast %broadcast_in_dim3A_793 : vector<16x1xi32> to vector<16xi32>
        %gather3A_795 = tpu.dynamic_gather %shift_right_logical3A_443[%gather3A_794] in [0] : vector<16xi32>, vector<16xi32> -> vector<16xi32>
        %eq3A_796 = arith.cmpi eq, %gather3A_795, %shift_right_logical3A_443 : vector<16xi32>
        %and3A_797 = arith.andi %eq3A_796, %lt3A_53 : vector<16xi1>
        %select_n3A_798 = arith.select %and3A_797, %broadcast_in_dim3A_55, %shift_right_logical3A_443 : vector<16xi1>, vector<16xi32>
        %gather3A_799 = arith.constant 0 : i32
        %gather3A_800 = tpu.memref_slice %arg5[%gather3A_799] : memref<40976xf32, #tpu.memory_space<vmem>> -> memref<10240xf32, #tpu.memory_space<vmem>>
        %gather3A_801 = tpu.vector_load_idx %gather3A_800[%shift_right_logical3A_443] : memref<10240xf32, #tpu.memory_space<vmem>>[vector<16xi32>], vector<16xf32>,
        %gather3A_802 = arith.constant 10240 : i32
        %gather3A_803 = tpu.memref_slice %arg5[%gather3A_802] : memref<40976xf32, #tpu.memory_space<vmem>> -> memref<10240xf32, #tpu.memory_space<vmem>>
        %gather3A_804 = tpu.vector_load_idx %gather3A_803[%shift_right_logical3A_443] : memref<10240xf32, #tpu.memory_space<vmem>>[vector<16xi32>], vector<16xf32>,
        %gather3A_805 = arith.constant 20480 : i32
        %gather3A_806 = tpu.memref_slice %arg5[%gather3A_805] : memref<40976xf32, #tpu.memory_space<vmem>> -> memref<10240xf32, #tpu.memory_space<vmem>>
        %gather3A_807 = tpu.vector_load_idx %gather3A_806[%shift_right_logical3A_443] : memref<10240xf32, #tpu.memory_space<vmem>>[vector<16xi32>], vector<16xf32>,
        %gather3A_808 = arith.constant 30720 : i32
        %gather3A_809 = tpu.memref_slice %arg5[%gather3A_808] : memref<40976xf32, #tpu.memory_space<vmem>> -> memref<10240xf32, #tpu.memory_space<vmem>>
        %gather3A_810 = tpu.vector_load_idx %gather3A_809[%shift_right_logical3A_443] : memref<10240xf32, #tpu.memory_space<vmem>>[vector<16xi32>], vector<16xf32>,
        %gather3A_811 = arith.constant 0 : i32
        %gather3A_812 = tpu.memref_slice %arg6[%gather3A_811] : memref<40960xf32, #tpu.memory_space<vmem>> -> memref<10240xf32, #tpu.memory_space<vmem>>
        %gather3A_813 = tpu.vector_load_idx %gather3A_812[%and3A_446] : memref<10240xf32, #tpu.memory_space<vmem>>[vector<16xi32>], vector<16xf32>,
        %lt3A_814 = arith.constant 0 : i32
        %lt3A_815 = vector.broadcast %lt3A_814 : i32 to vector<16xi32>
        %lt3A_816 = arith.cmpi slt, %select_n3A_749, %lt3A_815 : vector<16xi32>
        %add3A_817 = arith.constant 16 : i32
        %add3A_818 = vector.broadcast %add3A_817 : i32 to vector<16xi32>
        %add3A_819 = arith.addi %select_n3A_749, %add3A_818 : vector<16xi32>
        %select_n3A_820 = arith.select %lt3A_816, %add3A_819, %select_n3A_749 : vector<16xi1>, vector<16xi32>
        %broadcast_in_dim3A_821 = vector.shape_cast %select_n3A_820 : vector<16xi32> to vector<16x1xi32>
        %gather3A_822 = vector.shape_cast %broadcast_in_dim3A_821 : vector<16x1xi32> to vector<16xi32>
        %gather3A_823 = tpu.dynamic_gather %gather3A_813[%gather3A_822] in [0] : vector<16xf32>, vector<16xi32> -> vector<16xf32>
        %max3A_824 = arith.maximumf %gather3A_813, %gather3A_823 : vector<16xf32>
        %lt3A_825 = arith.constant 0 : i32
        %lt3A_826 = vector.broadcast %lt3A_825 : i32 to vector<16xi32>
        %lt3A_827 = arith.cmpi slt, %select_n3A_761, %lt3A_826 : vector<16xi32>
        %add3A_828 = arith.constant 16 : i32
        %add3A_829 = vector.broadcast %add3A_828 : i32 to vector<16xi32>
        %add3A_830 = arith.addi %select_n3A_761, %add3A_829 : vector<16xi32>
        %select_n3A_831 = arith.select %lt3A_827, %add3A_830, %select_n3A_761 : vector<16xi1>, vector<16xi32>
        %broadcast_in_dim3A_832 = vector.shape_cast %select_n3A_831 : vector<16xi32> to vector<16x1xi32>
        %gather3A_833 = vector.shape_cast %broadcast_in_dim3A_832 : vector<16x1xi32> to vector<16xi32>
        %gather3A_834 = tpu.dynamic_gather %max3A_824[%gather3A_833] in [0] : vector<16xf32>, vector<16xi32> -> vector<16xf32>
        %max3A_835 = arith.maximumf %max3A_824, %gather3A_834 : vector<16xf32>
        %lt3A_836 = arith.constant 0 : i32
        %lt3A_837 = vector.broadcast %lt3A_836 : i32 to vector<16xi32>
        %lt3A_838 = arith.cmpi slt, %select_n3A_773, %lt3A_837 : vector<16xi32>
        %add3A_839 = arith.constant 16 : i32
        %add3A_840 = vector.broadcast %add3A_839 : i32 to vector<16xi32>
        %add3A_841 = arith.addi %select_n3A_773, %add3A_840 : vector<16xi32>
        %select_n3A_842 = arith.select %lt3A_838, %add3A_841, %select_n3A_773 : vector<16xi1>, vector<16xi32>
        %broadcast_in_dim3A_843 = vector.shape_cast %select_n3A_842 : vector<16xi32> to vector<16x1xi32>
        %gather3A_844 = vector.shape_cast %broadcast_in_dim3A_843 : vector<16x1xi32> to vector<16xi32>
        %gather3A_845 = tpu.dynamic_gather %max3A_835[%gather3A_844] in [0] : vector<16xf32>, vector<16xi32> -> vector<16xf32>
        %max3A_846 = arith.maximumf %max3A_835, %gather3A_845 : vector<16xf32>
        %lt3A_847 = arith.constant 0 : i32
        %lt3A_848 = vector.broadcast %lt3A_847 : i32 to vector<16xi32>
        %lt3A_849 = arith.cmpi slt, %select_n3A_785, %lt3A_848 : vector<16xi32>
        %add3A_850 = arith.constant 16 : i32
        %add3A_851 = vector.broadcast %add3A_850 : i32 to vector<16xi32>
        %add3A_852 = arith.addi %select_n3A_785, %add3A_851 : vector<16xi32>
        %select_n3A_853 = arith.select %lt3A_849, %add3A_852, %select_n3A_785 : vector<16xi1>, vector<16xi32>
        %broadcast_in_dim3A_854 = vector.shape_cast %select_n3A_853 : vector<16xi32> to vector<16x1xi32>
        %gather3A_855 = vector.shape_cast %broadcast_in_dim3A_854 : vector<16x1xi32> to vector<16xi32>
        %gather3A_856 = tpu.dynamic_gather %max3A_846[%gather3A_855] in [0] : vector<16xf32>, vector<16xi32> -> vector<16xf32>
        %max3A_857 = arith.maximumf %max3A_846, %gather3A_856 : vector<16xf32>
        %max3A_858 = arith.maximumf %max3A_857, %gather3A_801 : vector<16xf32>
        %gather3A_859 = arith.constant 10240 : i32
        %gather3A_860 = tpu.memref_slice %arg6[%gather3A_859] : memref<40960xf32, #tpu.memory_space<vmem>> -> memref<10240xf32, #tpu.memory_space<vmem>>
        %gather3A_861 = tpu.vector_load_idx %gather3A_860[%and3A_446] : memref<10240xf32, #tpu.memory_space<vmem>>[vector<16xi32>], vector<16xf32>,
        %lt3A_862 = arith.constant 0 : i32
        %lt3A_863 = vector.broadcast %lt3A_862 : i32 to vector<16xi32>
        %lt3A_864 = arith.cmpi slt, %select_n3A_749, %lt3A_863 : vector<16xi32>
        %add3A_865 = arith.constant 16 : i32
        %add3A_866 = vector.broadcast %add3A_865 : i32 to vector<16xi32>
        %add3A_867 = arith.addi %select_n3A_749, %add3A_866 : vector<16xi32>
        %select_n3A_868 = arith.select %lt3A_864, %add3A_867, %select_n3A_749 : vector<16xi1>, vector<16xi32>
        %broadcast_in_dim3A_869 = vector.shape_cast %select_n3A_868 : vector<16xi32> to vector<16x1xi32>
        %gather3A_870 = vector.shape_cast %broadcast_in_dim3A_869 : vector<16x1xi32> to vector<16xi32>
        %gather3A_871 = tpu.dynamic_gather %gather3A_861[%gather3A_870] in [0] : vector<16xf32>, vector<16xi32> -> vector<16xf32>
        %max3A_872 = arith.maximumf %gather3A_861, %gather3A_871 : vector<16xf32>
        %lt3A_873 = arith.constant 0 : i32
        %lt3A_874 = vector.broadcast %lt3A_873 : i32 to vector<16xi32>
        %lt3A_875 = arith.cmpi slt, %select_n3A_761, %lt3A_874 : vector<16xi32>
        %add3A_876 = arith.constant 16 : i32
        %add3A_877 = vector.broadcast %add3A_876 : i32 to vector<16xi32>
        %add3A_878 = arith.addi %select_n3A_761, %add3A_877 : vector<16xi32>
        %select_n3A_879 = arith.select %lt3A_875, %add3A_878, %select_n3A_761 : vector<16xi1>, vector<16xi32>
        %broadcast_in_dim3A_880 = vector.shape_cast %select_n3A_879 : vector<16xi32> to vector<16x1xi32>
        %gather3A_881 = vector.shape_cast %broadcast_in_dim3A_880 : vector<16x1xi32> to vector<16xi32>
        %gather3A_882 = tpu.dynamic_gather %max3A_872[%gather3A_881] in [0] : vector<16xf32>, vector<16xi32> -> vector<16xf32>
        %max3A_883 = arith.maximumf %max3A_872, %gather3A_882 : vector<16xf32>
        %lt3A_884 = arith.constant 0 : i32
        %lt3A_885 = vector.broadcast %lt3A_884 : i32 to vector<16xi32>
        %lt3A_886 = arith.cmpi slt, %select_n3A_773, %lt3A_885 : vector<16xi32>
        %add3A_887 = arith.constant 16 : i32
        %add3A_888 = vector.broadcast %add3A_887 : i32 to vector<16xi32>
        %add3A_889 = arith.addi %select_n3A_773, %add3A_888 : vector<16xi32>
        %select_n3A_890 = arith.select %lt3A_886, %add3A_889, %select_n3A_773 : vector<16xi1>, vector<16xi32>
        %broadcast_in_dim3A_891 = vector.shape_cast %select_n3A_890 : vector<16xi32> to vector<16x1xi32>
        %gather3A_892 = vector.shape_cast %broadcast_in_dim3A_891 : vector<16x1xi32> to vector<16xi32>
        %gather3A_893 = tpu.dynamic_gather %max3A_883[%gather3A_892] in [0] : vector<16xf32>, vector<16xi32> -> vector<16xf32>
        %max3A_894 = arith.maximumf %max3A_883, %gather3A_893 : vector<16xf32>
        %lt3A_895 = arith.constant 0 : i32
        %lt3A_896 = vector.broadcast %lt3A_895 : i32 to vector<16xi32>
        %lt3A_897 = arith.cmpi slt, %select_n3A_785, %lt3A_896 : vector<16xi32>
        %add3A_898 = arith.constant 16 : i32
        %add3A_899 = vector.broadcast %add3A_898 : i32 to vector<16xi32>
        %add3A_900 = arith.addi %select_n3A_785, %add3A_899 : vector<16xi32>
        %select_n3A_901 = arith.select %lt3A_897, %add3A_900, %select_n3A_785 : vector<16xi1>, vector<16xi32>
        %broadcast_in_dim3A_902 = vector.shape_cast %select_n3A_901 : vector<16xi32> to vector<16x1xi32>
        %gather3A_903 = vector.shape_cast %broadcast_in_dim3A_902 : vector<16x1xi32> to vector<16xi32>
        %gather3A_904 = tpu.dynamic_gather %max3A_894[%gather3A_903] in [0] : vector<16xf32>, vector<16xi32> -> vector<16xf32>
        %max3A_905 = arith.maximumf %max3A_894, %gather3A_904 : vector<16xf32>
        %max3A_906 = arith.maximumf %max3A_905, %gather3A_804 : vector<16xf32>
        %gather3A_907 = arith.constant 20480 : i32
        %gather3A_908 = tpu.memref_slice %arg6[%gather3A_907] : memref<40960xf32, #tpu.memory_space<vmem>> -> memref<10240xf32, #tpu.memory_space<vmem>>
        %gather3A_909 = tpu.vector_load_idx %gather3A_908[%and3A_446] : memref<10240xf32, #tpu.memory_space<vmem>>[vector<16xi32>], vector<16xf32>,
        %lt3A_910 = arith.constant 0 : i32
        %lt3A_911 = vector.broadcast %lt3A_910 : i32 to vector<16xi32>
        %lt3A_912 = arith.cmpi slt, %select_n3A_749, %lt3A_911 : vector<16xi32>
        %add3A_913 = arith.constant 16 : i32
        %add3A_914 = vector.broadcast %add3A_913 : i32 to vector<16xi32>
        %add3A_915 = arith.addi %select_n3A_749, %add3A_914 : vector<16xi32>
        %select_n3A_916 = arith.select %lt3A_912, %add3A_915, %select_n3A_749 : vector<16xi1>, vector<16xi32>
        %broadcast_in_dim3A_917 = vector.shape_cast %select_n3A_916 : vector<16xi32> to vector<16x1xi32>
        %gather3A_918 = vector.shape_cast %broadcast_in_dim3A_917 : vector<16x1xi32> to vector<16xi32>
        %gather3A_919 = tpu.dynamic_gather %gather3A_909[%gather3A_918] in [0] : vector<16xf32>, vector<16xi32> -> vector<16xf32>
        %max3A_920 = arith.maximumf %gather3A_909, %gather3A_919 : vector<16xf32>
        %lt3A_921 = arith.constant 0 : i32
        %lt3A_922 = vector.broadcast %lt3A_921 : i32 to vector<16xi32>
        %lt3A_923 = arith.cmpi slt, %select_n3A_761, %lt3A_922 : vector<16xi32>
        %add3A_924 = arith.constant 16 : i32
        %add3A_925 = vector.broadcast %add3A_924 : i32 to vector<16xi32>
        %add3A_926 = arith.addi %select_n3A_761, %add3A_925 : vector<16xi32>
        %select_n3A_927 = arith.select %lt3A_923, %add3A_926, %select_n3A_761 : vector<16xi1>, vector<16xi32>
        %broadcast_in_dim3A_928 = vector.shape_cast %select_n3A_927 : vector<16xi32> to vector<16x1xi32>
        %gather3A_929 = vector.shape_cast %broadcast_in_dim3A_928 : vector<16x1xi32> to vector<16xi32>
        %gather3A_930 = tpu.dynamic_gather %max3A_920[%gather3A_929] in [0] : vector<16xf32>, vector<16xi32> -> vector<16xf32>
        %max3A_931 = arith.maximumf %max3A_920, %gather3A_930 : vector<16xf32>
        %lt3A_932 = arith.constant 0 : i32
        %lt3A_933 = vector.broadcast %lt3A_932 : i32 to vector<16xi32>
        %lt3A_934 = arith.cmpi slt, %select_n3A_773, %lt3A_933 : vector<16xi32>
        %add3A_935 = arith.constant 16 : i32
        %add3A_936 = vector.broadcast %add3A_935 : i32 to vector<16xi32>
        %add3A_937 = arith.addi %select_n3A_773, %add3A_936 : vector<16xi32>
        %select_n3A_938 = arith.select %lt3A_934, %add3A_937, %select_n3A_773 : vector<16xi1>, vector<16xi32>
        %broadcast_in_dim3A_939 = vector.shape_cast %select_n3A_938 : vector<16xi32> to vector<16x1xi32>
        %gather3A_940 = vector.shape_cast %broadcast_in_dim3A_939 : vector<16x1xi32> to vector<16xi32>
        %gather3A_941 = tpu.dynamic_gather %max3A_931[%gather3A_940] in [0] : vector<16xf32>, vector<16xi32> -> vector<16xf32>
        %max3A_942 = arith.maximumf %max3A_931, %gather3A_941 : vector<16xf32>
        %lt3A_943 = arith.constant 0 : i32
        %lt3A_944 = vector.broadcast %lt3A_943 : i32 to vector<16xi32>
        %lt3A_945 = arith.cmpi slt, %select_n3A_785, %lt3A_944 : vector<16xi32>
        %add3A_946 = arith.constant 16 : i32
        %add3A_947 = vector.broadcast %add3A_946 : i32 to vector<16xi32>
        %add3A_948 = arith.addi %select_n3A_785, %add3A_947 : vector<16xi32>
        %select_n3A_949 = arith.select %lt3A_945, %add3A_948, %select_n3A_785 : vector<16xi1>, vector<16xi32>
        %broadcast_in_dim3A_950 = vector.shape_cast %select_n3A_949 : vector<16xi32> to vector<16x1xi32>
        %gather3A_951 = vector.shape_cast %broadcast_in_dim3A_950 : vector<16x1xi32> to vector<16xi32>
        %gather3A_952 = tpu.dynamic_gather %max3A_942[%gather3A_951] in [0] : vector<16xf32>, vector<16xi32> -> vector<16xf32>
        %max3A_953 = arith.maximumf %max3A_942, %gather3A_952 : vector<16xf32>
        %max3A_954 = arith.maximumf %max3A_953, %gather3A_807 : vector<16xf32>
        %gather3A_955 = arith.constant 30720 : i32
        %gather3A_956 = tpu.memref_slice %arg6[%gather3A_955] : memref<40960xf32, #tpu.memory_space<vmem>> -> memref<10240xf32, #tpu.memory_space<vmem>>
        %gather3A_957 = tpu.vector_load_idx %gather3A_956[%and3A_446] : memref<10240xf32, #tpu.memory_space<vmem>>[vector<16xi32>], vector<16xf32>,
        %lt3A_958 = arith.constant 0 : i32
        %lt3A_959 = vector.broadcast %lt3A_958 : i32 to vector<16xi32>
        %lt3A_960 = arith.cmpi slt, %select_n3A_749, %lt3A_959 : vector<16xi32>
        %add3A_961 = arith.constant 16 : i32
        %add3A_962 = vector.broadcast %add3A_961 : i32 to vector<16xi32>
        %add3A_963 = arith.addi %select_n3A_749, %add3A_962 : vector<16xi32>
        %select_n3A_964 = arith.select %lt3A_960, %add3A_963, %select_n3A_749 : vector<16xi1>, vector<16xi32>
        %broadcast_in_dim3A_965 = vector.shape_cast %select_n3A_964 : vector<16xi32> to vector<16x1xi32>
        %gather3A_966 = vector.shape_cast %broadcast_in_dim3A_965 : vector<16x1xi32> to vector<16xi32>
        %gather3A_967 = tpu.dynamic_gather %gather3A_957[%gather3A_966] in [0] : vector<16xf32>, vector<16xi32> -> vector<16xf32>
        %max3A_968 = arith.maximumf %gather3A_957, %gather3A_967 : vector<16xf32>
        %lt3A_969 = arith.constant 0 : i32
        %lt3A_970 = vector.broadcast %lt3A_969 : i32 to vector<16xi32>
        %lt3A_971 = arith.cmpi slt, %select_n3A_761, %lt3A_970 : vector<16xi32>
        %add3A_972 = arith.constant 16 : i32
        %add3A_973 = vector.broadcast %add3A_972 : i32 to vector<16xi32>
        %add3A_974 = arith.addi %select_n3A_761, %add3A_973 : vector<16xi32>
        %select_n3A_975 = arith.select %lt3A_971, %add3A_974, %select_n3A_761 : vector<16xi1>, vector<16xi32>
        %broadcast_in_dim3A_976 = vector.shape_cast %select_n3A_975 : vector<16xi32> to vector<16x1xi32>
        %gather3A_977 = vector.shape_cast %broadcast_in_dim3A_976 : vector<16x1xi32> to vector<16xi32>
        %gather3A_978 = tpu.dynamic_gather %max3A_968[%gather3A_977] in [0] : vector<16xf32>, vector<16xi32> -> vector<16xf32>
        %max3A_979 = arith.maximumf %max3A_968, %gather3A_978 : vector<16xf32>
        %lt3A_980 = arith.constant 0 : i32
        %lt3A_981 = vector.broadcast %lt3A_980 : i32 to vector<16xi32>
        %lt3A_982 = arith.cmpi slt, %select_n3A_773, %lt3A_981 : vector<16xi32>
        %add3A_983 = arith.constant 16 : i32
        %add3A_984 = vector.broadcast %add3A_983 : i32 to vector<16xi32>
        %add3A_985 = arith.addi %select_n3A_773, %add3A_984 : vector<16xi32>
        %select_n3A_986 = arith.select %lt3A_982, %add3A_985, %select_n3A_773 : vector<16xi1>, vector<16xi32>
        %broadcast_in_dim3A_987 = vector.shape_cast %select_n3A_986 : vector<16xi32> to vector<16x1xi32>
        %gather3A_988 = vector.shape_cast %broadcast_in_dim3A_987 : vector<16x1xi32> to vector<16xi32>
        %gather3A_989 = tpu.dynamic_gather %max3A_979[%gather3A_988] in [0] : vector<16xf32>, vector<16xi32> -> vector<16xf32>
        %max3A_990 = arith.maximumf %max3A_979, %gather3A_989 : vector<16xf32>
        %lt3A_991 = arith.constant 0 : i32
        %lt3A_992 = vector.broadcast %lt3A_991 : i32 to vector<16xi32>
        %lt3A_993 = arith.cmpi slt, %select_n3A_785, %lt3A_992 : vector<16xi32>
        %add3A_994 = arith.constant 16 : i32
        %add3A_995 = vector.broadcast %add3A_994 : i32 to vector<16xi32>
        %add3A_996 = arith.addi %select_n3A_785, %add3A_995 : vector<16xi32>
        %select_n3A_997 = arith.select %lt3A_993, %add3A_996, %select_n3A_785 : vector<16xi1>, vector<16xi32>
        %broadcast_in_dim3A_998 = vector.shape_cast %select_n3A_997 : vector<16xi32> to vector<16x1xi32>
        %gather3A_999 = vector.shape_cast %broadcast_in_dim3A_998 : vector<16x1xi32> to vector<16xi32>
        %gather3A_1000 = tpu.dynamic_gather %max3A_990[%gather3A_999] in [0] : vector<16xf32>, vector<16xi32> -> vector<16xf32>
        %max3A_1001 = arith.maximumf %max3A_990, %gather3A_1000 : vector<16xf32>
        %max3A_1002 = arith.maximumf %max3A_1001, %gather3A_810 : vector<16xf32>
        %scatter3A_1003 = arith.constant 0 : i32
        %scatter3A_1004 = tpu.memref_slice %arg5[%scatter3A_1003] : memref<40976xf32, #tpu.memory_space<vmem>> -> memref<10240xf32, #tpu.memory_space<vmem>>
        tpu.vector_store_idx %scatter3A_1004[%select_n3A_798], %max3A_858 : memref<10240xf32, #tpu.memory_space<vmem>>[vector<16xi32>], vector<16xf32>,
        %scatter3A_1005 = arith.constant 10240 : i32
        %scatter3A_1006 = tpu.memref_slice %arg5[%scatter3A_1005] : memref<40976xf32, #tpu.memory_space<vmem>> -> memref<10240xf32, #tpu.memory_space<vmem>>
        tpu.vector_store_idx %scatter3A_1006[%select_n3A_798], %max3A_906 : memref<10240xf32, #tpu.memory_space<vmem>>[vector<16xi32>], vector<16xf32>,
        %scatter3A_1007 = arith.constant 20480 : i32
        %scatter3A_1008 = tpu.memref_slice %arg5[%scatter3A_1007] : memref<40976xf32, #tpu.memory_space<vmem>> -> memref<10240xf32, #tpu.memory_space<vmem>>
        tpu.vector_store_idx %scatter3A_1008[%select_n3A_798], %max3A_954 : memref<10240xf32, #tpu.memory_space<vmem>>[vector<16xi32>], vector<16xf32>,
        %scatter3A_1009 = arith.constant 30720 : i32
        %scatter3A_1010 = tpu.memref_slice %arg5[%scatter3A_1009] : memref<40976xf32, #tpu.memory_space<vmem>> -> memref<10240xf32, #tpu.memory_space<vmem>>
        tpu.vector_store_idx %scatter3A_1010[%select_n3A_798], %max3A_1002 : memref<10240xf32, #tpu.memory_space<vmem>>[vector<16xi32>], vector<16xf32>,
        %lt3A_1011 = arith.constant 0 : i32
        %lt3A_1012 = vector.broadcast %lt3A_1011 : i32 to vector<16xi32>
        %lt3A_1013 = arith.cmpi slt, %max3A_28, %lt3A_1012 : vector<16xi32>
        %add3A_1014 = arith.constant 16 : i32
        %add3A_1015 = vector.broadcast %add3A_1014 : i32 to vector<16xi32>
        %add3A_1016 = arith.addi %max3A_28, %add3A_1015 : vector<16xi32>
        %select_n3A_1017 = arith.select %lt3A_1013, %add3A_1016, %max3A_28 : vector<16xi1>, vector<16xi32>
        %broadcast_in_dim3A_1018 = vector.shape_cast %select_n3A_1017 : vector<16xi32> to vector<16x1xi32>
        %gather3A_1019 = vector.shape_cast %broadcast_in_dim3A_1018 : vector<16x1xi32> to vector<16xi32>
        %gather3A_1020 = tpu.dynamic_gather %shift_right_logical3A_734[%gather3A_1019] in [0] : vector<16xi32>, vector<16xi32> -> vector<16xi32>
        %eq3A_1021 = arith.cmpi eq, %gather3A_1020, %shift_right_logical3A_734 : vector<16xi32>
        %select_n3A_1022 = arith.select %eq3A_1021, %max3A_28, %iota3A : vector<16xi1>, vector<16xi32>
        %lt3A_1023 = arith.constant 0 : i32
        %lt3A_1024 = vector.broadcast %lt3A_1023 : i32 to vector<16xi32>
        %lt3A_1025 = arith.cmpi slt, %max3A_34, %lt3A_1024 : vector<16xi32>
        %add3A_1026 = arith.constant 16 : i32
        %add3A_1027 = vector.broadcast %add3A_1026 : i32 to vector<16xi32>
        %add3A_1028 = arith.addi %max3A_34, %add3A_1027 : vector<16xi32>
        %select_n3A_1029 = arith.select %lt3A_1025, %add3A_1028, %max3A_34 : vector<16xi1>, vector<16xi32>
        %broadcast_in_dim3A_1030 = vector.shape_cast %select_n3A_1029 : vector<16xi32> to vector<16x1xi32>
        %gather3A_1031 = vector.shape_cast %broadcast_in_dim3A_1030 : vector<16x1xi32> to vector<16xi32>
        %gather3A_1032 = tpu.dynamic_gather %shift_right_logical3A_734[%gather3A_1031] in [0] : vector<16xi32>, vector<16xi32> -> vector<16xi32>
        %eq3A_1033 = arith.cmpi eq, %gather3A_1032, %shift_right_logical3A_734 : vector<16xi32>
        %select_n3A_1034 = arith.select %eq3A_1033, %max3A_34, %iota3A : vector<16xi1>, vector<16xi32>
        %lt3A_1035 = arith.constant 0 : i32
        %lt3A_1036 = vector.broadcast %lt3A_1035 : i32 to vector<16xi32>
        %lt3A_1037 = arith.cmpi slt, %max3A_40, %lt3A_1036 : vector<16xi32>
        %add3A_1038 = arith.constant 16 : i32
        %add3A_1039 = vector.broadcast %add3A_1038 : i32 to vector<16xi32>
        %add3A_1040 = arith.addi %max3A_40, %add3A_1039 : vector<16xi32>
        %select_n3A_1041 = arith.select %lt3A_1037, %add3A_1040, %max3A_40 : vector<16xi1>, vector<16xi32>
        %broadcast_in_dim3A_1042 = vector.shape_cast %select_n3A_1041 : vector<16xi32> to vector<16x1xi32>
        %gather3A_1043 = vector.shape_cast %broadcast_in_dim3A_1042 : vector<16x1xi32> to vector<16xi32>
        %gather3A_1044 = tpu.dynamic_gather %shift_right_logical3A_734[%gather3A_1043] in [0] : vector<16xi32>, vector<16xi32> -> vector<16xi32>
        %eq3A_1045 = arith.cmpi eq, %gather3A_1044, %shift_right_logical3A_734 : vector<16xi32>
        %select_n3A_1046 = arith.select %eq3A_1045, %max3A_40, %iota3A : vector<16xi1>, vector<16xi32>
        %lt3A_1047 = arith.constant 0 : i32
        %lt3A_1048 = vector.broadcast %lt3A_1047 : i32 to vector<16xi32>
        %lt3A_1049 = arith.cmpi slt, %max3A_46, %lt3A_1048 : vector<16xi32>
        %add3A_1050 = arith.constant 16 : i32
        %add3A_1051 = vector.broadcast %add3A_1050 : i32 to vector<16xi32>
        %add3A_1052 = arith.addi %max3A_46, %add3A_1051 : vector<16xi32>
        %select_n3A_1053 = arith.select %lt3A_1049, %add3A_1052, %max3A_46 : vector<16xi1>, vector<16xi32>
        %broadcast_in_dim3A_1054 = vector.shape_cast %select_n3A_1053 : vector<16xi32> to vector<16x1xi32>
        %gather3A_1055 = vector.shape_cast %broadcast_in_dim3A_1054 : vector<16x1xi32> to vector<16xi32>
        %gather3A_1056 = tpu.dynamic_gather %shift_right_logical3A_734[%gather3A_1055] in [0] : vector<16xi32>, vector<16xi32> -> vector<16xi32>
        %eq3A_1057 = arith.cmpi eq, %gather3A_1056, %shift_right_logical3A_734 : vector<16xi32>
        %select_n3A_1058 = arith.select %eq3A_1057, %max3A_46, %iota3A : vector<16xi1>, vector<16xi32>
        %lt3A_1059 = arith.constant 0 : i32
        %lt3A_1060 = vector.broadcast %lt3A_1059 : i32 to vector<16xi32>
        %lt3A_1061 = arith.cmpi slt, %min3A_51, %lt3A_1060 : vector<16xi32>
        %add3A_1062 = arith.constant 16 : i32
        %add3A_1063 = vector.broadcast %add3A_1062 : i32 to vector<16xi32>
        %add3A_1064 = arith.addi %min3A_51, %add3A_1063 : vector<16xi32>
        %select_n3A_1065 = arith.select %lt3A_1061, %add3A_1064, %min3A_51 : vector<16xi1>, vector<16xi32>
        %broadcast_in_dim3A_1066 = vector.shape_cast %select_n3A_1065 : vector<16xi32> to vector<16x1xi32>
        %gather3A_1067 = vector.shape_cast %broadcast_in_dim3A_1066 : vector<16x1xi32> to vector<16xi32>
        %gather3A_1068 = tpu.dynamic_gather %shift_right_logical3A_734[%gather3A_1067] in [0] : vector<16xi32>, vector<16xi32> -> vector<16xi32>
        %eq3A_1069 = arith.cmpi eq, %gather3A_1068, %shift_right_logical3A_734 : vector<16xi32>
        %and3A_1070 = arith.andi %eq3A_1069, %lt3A_53 : vector<16xi1>
        %select_n3A_1071 = arith.select %and3A_1070, %broadcast_in_dim3A_55, %shift_right_logical3A_734 : vector<16xi1>, vector<16xi32>
        %gather3A_1072 = arith.constant 0 : i32
        %gather3A_1073 = tpu.memref_slice %arg5[%gather3A_1072] : memref<40976xf32, #tpu.memory_space<vmem>> -> memref<10240xf32, #tpu.memory_space<vmem>>
        %gather3A_1074 = tpu.vector_load_idx %gather3A_1073[%shift_right_logical3A_734] : memref<10240xf32, #tpu.memory_space<vmem>>[vector<16xi32>], vector<16xf32>,
        %gather3A_1075 = arith.constant 10240 : i32
        %gather3A_1076 = tpu.memref_slice %arg5[%gather3A_1075] : memref<40976xf32, #tpu.memory_space<vmem>> -> memref<10240xf32, #tpu.memory_space<vmem>>
        %gather3A_1077 = tpu.vector_load_idx %gather3A_1076[%shift_right_logical3A_734] : memref<10240xf32, #tpu.memory_space<vmem>>[vector<16xi32>], vector<16xf32>,
        %gather3A_1078 = arith.constant 20480 : i32
        %gather3A_1079 = tpu.memref_slice %arg5[%gather3A_1078] : memref<40976xf32, #tpu.memory_space<vmem>> -> memref<10240xf32, #tpu.memory_space<vmem>>
        %gather3A_1080 = tpu.vector_load_idx %gather3A_1079[%shift_right_logical3A_734] : memref<10240xf32, #tpu.memory_space<vmem>>[vector<16xi32>], vector<16xf32>,
        %gather3A_1081 = arith.constant 30720 : i32
        %gather3A_1082 = tpu.memref_slice %arg5[%gather3A_1081] : memref<40976xf32, #tpu.memory_space<vmem>> -> memref<10240xf32, #tpu.memory_space<vmem>>
        %gather3A_1083 = tpu.vector_load_idx %gather3A_1082[%shift_right_logical3A_734] : memref<10240xf32, #tpu.memory_space<vmem>>[vector<16xi32>], vector<16xf32>,
        %gather3A_1084 = arith.constant 0 : i32
        %gather3A_1085 = tpu.memref_slice %arg6[%gather3A_1084] : memref<40960xf32, #tpu.memory_space<vmem>> -> memref<10240xf32, #tpu.memory_space<vmem>>
        %gather3A_1086 = tpu.vector_load_idx %gather3A_1085[%and3A_737] : memref<10240xf32, #tpu.memory_space<vmem>>[vector<16xi32>], vector<16xf32>,
        %lt3A_1087 = arith.constant 0 : i32
        %lt3A_1088 = vector.broadcast %lt3A_1087 : i32 to vector<16xi32>
        %lt3A_1089 = arith.cmpi slt, %select_n3A_1022, %lt3A_1088 : vector<16xi32>
        %add3A_1090 = arith.constant 16 : i32
        %add3A_1091 = vector.broadcast %add3A_1090 : i32 to vector<16xi32>
        %add3A_1092 = arith.addi %select_n3A_1022, %add3A_1091 : vector<16xi32>
        %select_n3A_1093 = arith.select %lt3A_1089, %add3A_1092, %select_n3A_1022 : vector<16xi1>, vector<16xi32>
        %broadcast_in_dim3A_1094 = vector.shape_cast %select_n3A_1093 : vector<16xi32> to vector<16x1xi32>
        %gather3A_1095 = vector.shape_cast %broadcast_in_dim3A_1094 : vector<16x1xi32> to vector<16xi32>
        %gather3A_1096 = tpu.dynamic_gather %gather3A_1086[%gather3A_1095] in [0] : vector<16xf32>, vector<16xi32> -> vector<16xf32>
        %max3A_1097 = arith.maximumf %gather3A_1086, %gather3A_1096 : vector<16xf32>
        %lt3A_1098 = arith.constant 0 : i32
        %lt3A_1099 = vector.broadcast %lt3A_1098 : i32 to vector<16xi32>
        %lt3A_1100 = arith.cmpi slt, %select_n3A_1034, %lt3A_1099 : vector<16xi32>
        %add3A_1101 = arith.constant 16 : i32
        %add3A_1102 = vector.broadcast %add3A_1101 : i32 to vector<16xi32>
        %add3A_1103 = arith.addi %select_n3A_1034, %add3A_1102 : vector<16xi32>
        %select_n3A_1104 = arith.select %lt3A_1100, %add3A_1103, %select_n3A_1034 : vector<16xi1>, vector<16xi32>
        %broadcast_in_dim3A_1105 = vector.shape_cast %select_n3A_1104 : vector<16xi32> to vector<16x1xi32>
        %gather3A_1106 = vector.shape_cast %broadcast_in_dim3A_1105 : vector<16x1xi32> to vector<16xi32>
        %gather3A_1107 = tpu.dynamic_gather %max3A_1097[%gather3A_1106] in [0] : vector<16xf32>, vector<16xi32> -> vector<16xf32>
        %max3A_1108 = arith.maximumf %max3A_1097, %gather3A_1107 : vector<16xf32>
        %lt3A_1109 = arith.constant 0 : i32
        %lt3A_1110 = vector.broadcast %lt3A_1109 : i32 to vector<16xi32>
        %lt3A_1111 = arith.cmpi slt, %select_n3A_1046, %lt3A_1110 : vector<16xi32>
        %add3A_1112 = arith.constant 16 : i32
        %add3A_1113 = vector.broadcast %add3A_1112 : i32 to vector<16xi32>
        %add3A_1114 = arith.addi %select_n3A_1046, %add3A_1113 : vector<16xi32>
        %select_n3A_1115 = arith.select %lt3A_1111, %add3A_1114, %select_n3A_1046 : vector<16xi1>, vector<16xi32>
        %broadcast_in_dim3A_1116 = vector.shape_cast %select_n3A_1115 : vector<16xi32> to vector<16x1xi32>
        %gather3A_1117 = vector.shape_cast %broadcast_in_dim3A_1116 : vector<16x1xi32> to vector<16xi32>
        %gather3A_1118 = tpu.dynamic_gather %max3A_1108[%gather3A_1117] in [0] : vector<16xf32>, vector<16xi32> -> vector<16xf32>
        %max3A_1119 = arith.maximumf %max3A_1108, %gather3A_1118 : vector<16xf32>
        %lt3A_1120 = arith.constant 0 : i32
        %lt3A_1121 = vector.broadcast %lt3A_1120 : i32 to vector<16xi32>
        %lt3A_1122 = arith.cmpi slt, %select_n3A_1058, %lt3A_1121 : vector<16xi32>
        %add3A_1123 = arith.constant 16 : i32
        %add3A_1124 = vector.broadcast %add3A_1123 : i32 to vector<16xi32>
        %add3A_1125 = arith.addi %select_n3A_1058, %add3A_1124 : vector<16xi32>
        %select_n3A_1126 = arith.select %lt3A_1122, %add3A_1125, %select_n3A_1058 : vector<16xi1>, vector<16xi32>
        %broadcast_in_dim3A_1127 = vector.shape_cast %select_n3A_1126 : vector<16xi32> to vector<16x1xi32>
        %gather3A_1128 = vector.shape_cast %broadcast_in_dim3A_1127 : vector<16x1xi32> to vector<16xi32>
        %gather3A_1129 = tpu.dynamic_gather %max3A_1119[%gather3A_1128] in [0] : vector<16xf32>, vector<16xi32> -> vector<16xf32>
        %max3A_1130 = arith.maximumf %max3A_1119, %gather3A_1129 : vector<16xf32>
        %max3A_1131 = arith.maximumf %max3A_1130, %gather3A_1074 : vector<16xf32>
        %gather3A_1132 = arith.constant 10240 : i32
        %gather3A_1133 = tpu.memref_slice %arg6[%gather3A_1132] : memref<40960xf32, #tpu.memory_space<vmem>> -> memref<10240xf32, #tpu.memory_space<vmem>>
        %gather3A_1134 = tpu.vector_load_idx %gather3A_1133[%and3A_737] : memref<10240xf32, #tpu.memory_space<vmem>>[vector<16xi32>], vector<16xf32>,
        %lt3A_1135 = arith.constant 0 : i32
        %lt3A_1136 = vector.broadcast %lt3A_1135 : i32 to vector<16xi32>
        %lt3A_1137 = arith.cmpi slt, %select_n3A_1022, %lt3A_1136 : vector<16xi32>
        %add3A_1138 = arith.constant 16 : i32
        %add3A_1139 = vector.broadcast %add3A_1138 : i32 to vector<16xi32>
        %add3A_1140 = arith.addi %select_n3A_1022, %add3A_1139 : vector<16xi32>
        %select_n3A_1141 = arith.select %lt3A_1137, %add3A_1140, %select_n3A_1022 : vector<16xi1>, vector<16xi32>
        %broadcast_in_dim3A_1142 = vector.shape_cast %select_n3A_1141 : vector<16xi32> to vector<16x1xi32>
        %gather3A_1143 = vector.shape_cast %broadcast_in_dim3A_1142 : vector<16x1xi32> to vector<16xi32>
        %gather3A_1144 = tpu.dynamic_gather %gather3A_1134[%gather3A_1143] in [0] : vector<16xf32>, vector<16xi32> -> vector<16xf32>
        %max3A_1145 = arith.maximumf %gather3A_1134, %gather3A_1144 : vector<16xf32>
        %lt3A_1146 = arith.constant 0 : i32
        %lt3A_1147 = vector.broadcast %lt3A_1146 : i32 to vector<16xi32>
        %lt3A_1148 = arith.cmpi slt, %select_n3A_1034, %lt3A_1147 : vector<16xi32>
        %add3A_1149 = arith.constant 16 : i32
        %add3A_1150 = vector.broadcast %add3A_1149 : i32 to vector<16xi32>
        %add3A_1151 = arith.addi %select_n3A_1034, %add3A_1150 : vector<16xi32>
        %select_n3A_1152 = arith.select %lt3A_1148, %add3A_1151, %select_n3A_1034 : vector<16xi1>, vector<16xi32>
        %broadcast_in_dim3A_1153 = vector.shape_cast %select_n3A_1152 : vector<16xi32> to vector<16x1xi32>
        %gather3A_1154 = vector.shape_cast %broadcast_in_dim3A_1153 : vector<16x1xi32> to vector<16xi32>
        %gather3A_1155 = tpu.dynamic_gather %max3A_1145[%gather3A_1154] in [0] : vector<16xf32>, vector<16xi32> -> vector<16xf32>
        %max3A_1156 = arith.maximumf %max3A_1145, %gather3A_1155 : vector<16xf32>
        %lt3A_1157 = arith.constant 0 : i32
        %lt3A_1158 = vector.broadcast %lt3A_1157 : i32 to vector<16xi32>
        %lt3A_1159 = arith.cmpi slt, %select_n3A_1046, %lt3A_1158 : vector<16xi32>
        %add3A_1160 = arith.constant 16 : i32
        %add3A_1161 = vector.broadcast %add3A_1160 : i32 to vector<16xi32>
        %add3A_1162 = arith.addi %select_n3A_1046, %add3A_1161 : vector<16xi32>
        %select_n3A_1163 = arith.select %lt3A_1159, %add3A_1162, %select_n3A_1046 : vector<16xi1>, vector<16xi32>
        %broadcast_in_dim3A_1164 = vector.shape_cast %select_n3A_1163 : vector<16xi32> to vector<16x1xi32>
        %gather3A_1165 = vector.shape_cast %broadcast_in_dim3A_1164 : vector<16x1xi32> to vector<16xi32>
        %gather3A_1166 = tpu.dynamic_gather %max3A_1156[%gather3A_1165] in [0] : vector<16xf32>, vector<16xi32> -> vector<16xf32>
        %max3A_1167 = arith.maximumf %max3A_1156, %gather3A_1166 : vector<16xf32>
        %lt3A_1168 = arith.constant 0 : i32
        %lt3A_1169 = vector.broadcast %lt3A_1168 : i32 to vector<16xi32>
        %lt3A_1170 = arith.cmpi slt, %select_n3A_1058, %lt3A_1169 : vector<16xi32>
        %add3A_1171 = arith.constant 16 : i32
        %add3A_1172 = vector.broadcast %add3A_1171 : i32 to vector<16xi32>
        %add3A_1173 = arith.addi %select_n3A_1058, %add3A_1172 : vector<16xi32>
        %select_n3A_1174 = arith.select %lt3A_1170, %add3A_1173, %select_n3A_1058 : vector<16xi1>, vector<16xi32>
        %broadcast_in_dim3A_1175 = vector.shape_cast %select_n3A_1174 : vector<16xi32> to vector<16x1xi32>
        %gather3A_1176 = vector.shape_cast %broadcast_in_dim3A_1175 : vector<16x1xi32> to vector<16xi32>
        %gather3A_1177 = tpu.dynamic_gather %max3A_1167[%gather3A_1176] in [0] : vector<16xf32>, vector<16xi32> -> vector<16xf32>
        %max3A_1178 = arith.maximumf %max3A_1167, %gather3A_1177 : vector<16xf32>
        %max3A_1179 = arith.maximumf %max3A_1178, %gather3A_1077 : vector<16xf32>
        %gather3A_1180 = arith.constant 20480 : i32
        %gather3A_1181 = tpu.memref_slice %arg6[%gather3A_1180] : memref<40960xf32, #tpu.memory_space<vmem>> -> memref<10240xf32, #tpu.memory_space<vmem>>
        %gather3A_1182 = tpu.vector_load_idx %gather3A_1181[%and3A_737] : memref<10240xf32, #tpu.memory_space<vmem>>[vector<16xi32>], vector<16xf32>,
        %lt3A_1183 = arith.constant 0 : i32
        %lt3A_1184 = vector.broadcast %lt3A_1183 : i32 to vector<16xi32>
        %lt3A_1185 = arith.cmpi slt, %select_n3A_1022, %lt3A_1184 : vector<16xi32>
        %add3A_1186 = arith.constant 16 : i32
        %add3A_1187 = vector.broadcast %add3A_1186 : i32 to vector<16xi32>
        %add3A_1188 = arith.addi %select_n3A_1022, %add3A_1187 : vector<16xi32>
        %select_n3A_1189 = arith.select %lt3A_1185, %add3A_1188, %select_n3A_1022 : vector<16xi1>, vector<16xi32>
        %broadcast_in_dim3A_1190 = vector.shape_cast %select_n3A_1189 : vector<16xi32> to vector<16x1xi32>
        %gather3A_1191 = vector.shape_cast %broadcast_in_dim3A_1190 : vector<16x1xi32> to vector<16xi32>
        %gather3A_1192 = tpu.dynamic_gather %gather3A_1182[%gather3A_1191] in [0] : vector<16xf32>, vector<16xi32> -> vector<16xf32>
        %max3A_1193 = arith.maximumf %gather3A_1182, %gather3A_1192 : vector<16xf32>
        %lt3A_1194 = arith.constant 0 : i32
        %lt3A_1195 = vector.broadcast %lt3A_1194 : i32 to vector<16xi32>
        %lt3A_1196 = arith.cmpi slt, %select_n3A_1034, %lt3A_1195 : vector<16xi32>
        %add3A_1197 = arith.constant 16 : i32
        %add3A_1198 = vector.broadcast %add3A_1197 : i32 to vector<16xi32>
        %add3A_1199 = arith.addi %select_n3A_1034, %add3A_1198 : vector<16xi32>
        %select_n3A_1200 = arith.select %lt3A_1196, %add3A_1199, %select_n3A_1034 : vector<16xi1>, vector<16xi32>
        %broadcast_in_dim3A_1201 = vector.shape_cast %select_n3A_1200 : vector<16xi32> to vector<16x1xi32>
        %gather3A_1202 = vector.shape_cast %broadcast_in_dim3A_1201 : vector<16x1xi32> to vector<16xi32>
        %gather3A_1203 = tpu.dynamic_gather %max3A_1193[%gather3A_1202] in [0] : vector<16xf32>, vector<16xi32> -> vector<16xf32>
        %max3A_1204 = arith.maximumf %max3A_1193, %gather3A_1203 : vector<16xf32>
        %lt3A_1205 = arith.constant 0 : i32
        %lt3A_1206 = vector.broadcast %lt3A_1205 : i32 to vector<16xi32>
        %lt3A_1207 = arith.cmpi slt, %select_n3A_1046, %lt3A_1206 : vector<16xi32>
        %add3A_1208 = arith.constant 16 : i32
        %add3A_1209 = vector.broadcast %add3A_1208 : i32 to vector<16xi32>
        %add3A_1210 = arith.addi %select_n3A_1046, %add3A_1209 : vector<16xi32>
        %select_n3A_1211 = arith.select %lt3A_1207, %add3A_1210, %select_n3A_1046 : vector<16xi1>, vector<16xi32>
        %broadcast_in_dim3A_1212 = vector.shape_cast %select_n3A_1211 : vector<16xi32> to vector<16x1xi32>
        %gather3A_1213 = vector.shape_cast %broadcast_in_dim3A_1212 : vector<16x1xi32> to vector<16xi32>
        %gather3A_1214 = tpu.dynamic_gather %max3A_1204[%gather3A_1213] in [0] : vector<16xf32>, vector<16xi32> -> vector<16xf32>
        %max3A_1215 = arith.maximumf %max3A_1204, %gather3A_1214 : vector<16xf32>
        %lt3A_1216 = arith.constant 0 : i32
        %lt3A_1217 = vector.broadcast %lt3A_1216 : i32 to vector<16xi32>
        %lt3A_1218 = arith.cmpi slt, %select_n3A_1058, %lt3A_1217 : vector<16xi32>
        %add3A_1219 = arith.constant 16 : i32
        %add3A_1220 = vector.broadcast %add3A_1219 : i32 to vector<16xi32>
        %add3A_1221 = arith.addi %select_n3A_1058, %add3A_1220 : vector<16xi32>
        %select_n3A_1222 = arith.select %lt3A_1218, %add3A_1221, %select_n3A_1058 : vector<16xi1>, vector<16xi32>
        %broadcast_in_dim3A_1223 = vector.shape_cast %select_n3A_1222 : vector<16xi32> to vector<16x1xi32>
        %gather3A_1224 = vector.shape_cast %broadcast_in_dim3A_1223 : vector<16x1xi32> to vector<16xi32>
        %gather3A_1225 = tpu.dynamic_gather %max3A_1215[%gather3A_1224] in [0] : vector<16xf32>, vector<16xi32> -> vector<16xf32>
        %max3A_1226 = arith.maximumf %max3A_1215, %gather3A_1225 : vector<16xf32>
        %max3A_1227 = arith.maximumf %max3A_1226, %gather3A_1080 : vector<16xf32>
        %gather3A_1228 = arith.constant 30720 : i32
        %gather3A_1229 = tpu.memref_slice %arg6[%gather3A_1228] : memref<40960xf32, #tpu.memory_space<vmem>> -> memref<10240xf32, #tpu.memory_space<vmem>>
        %gather3A_1230 = tpu.vector_load_idx %gather3A_1229[%and3A_737] : memref<10240xf32, #tpu.memory_space<vmem>>[vector<16xi32>], vector<16xf32>,
        %lt3A_1231 = arith.constant 0 : i32
        %lt3A_1232 = vector.broadcast %lt3A_1231 : i32 to vector<16xi32>
        %lt3A_1233 = arith.cmpi slt, %select_n3A_1022, %lt3A_1232 : vector<16xi32>
        %add3A_1234 = arith.constant 16 : i32
        %add3A_1235 = vector.broadcast %add3A_1234 : i32 to vector<16xi32>
        %add3A_1236 = arith.addi %select_n3A_1022, %add3A_1235 : vector<16xi32>
        %select_n3A_1237 = arith.select %lt3A_1233, %add3A_1236, %select_n3A_1022 : vector<16xi1>, vector<16xi32>
        %broadcast_in_dim3A_1238 = vector.shape_cast %select_n3A_1237 : vector<16xi32> to vector<16x1xi32>
        %gather3A_1239 = vector.shape_cast %broadcast_in_dim3A_1238 : vector<16x1xi32> to vector<16xi32>
        %gather3A_1240 = tpu.dynamic_gather %gather3A_1230[%gather3A_1239] in [0] : vector<16xf32>, vector<16xi32> -> vector<16xf32>
        %max3A_1241 = arith.maximumf %gather3A_1230, %gather3A_1240 : vector<16xf32>
        %lt3A_1242 = arith.constant 0 : i32
        %lt3A_1243 = vector.broadcast %lt3A_1242 : i32 to vector<16xi32>
        %lt3A_1244 = arith.cmpi slt, %select_n3A_1034, %lt3A_1243 : vector<16xi32>
        %add3A_1245 = arith.constant 16 : i32
        %add3A_1246 = vector.broadcast %add3A_1245 : i32 to vector<16xi32>
        %add3A_1247 = arith.addi %select_n3A_1034, %add3A_1246 : vector<16xi32>
        %select_n3A_1248 = arith.select %lt3A_1244, %add3A_1247, %select_n3A_1034 : vector<16xi1>, vector<16xi32>
        %broadcast_in_dim3A_1249 = vector.shape_cast %select_n3A_1248 : vector<16xi32> to vector<16x1xi32>
        %gather3A_1250 = vector.shape_cast %broadcast_in_dim3A_1249 : vector<16x1xi32> to vector<16xi32>
        %gather3A_1251 = tpu.dynamic_gather %max3A_1241[%gather3A_1250] in [0] : vector<16xf32>, vector<16xi32> -> vector<16xf32>
        %max3A_1252 = arith.maximumf %max3A_1241, %gather3A_1251 : vector<16xf32>
        %lt3A_1253 = arith.constant 0 : i32
        %lt3A_1254 = vector.broadcast %lt3A_1253 : i32 to vector<16xi32>
        %lt3A_1255 = arith.cmpi slt, %select_n3A_1046, %lt3A_1254 : vector<16xi32>
        %add3A_1256 = arith.constant 16 : i32
        %add3A_1257 = vector.broadcast %add3A_1256 : i32 to vector<16xi32>
        %add3A_1258 = arith.addi %select_n3A_1046, %add3A_1257 : vector<16xi32>
        %select_n3A_1259 = arith.select %lt3A_1255, %add3A_1258, %select_n3A_1046 : vector<16xi1>, vector<16xi32>
        %broadcast_in_dim3A_1260 = vector.shape_cast %select_n3A_1259 : vector<16xi32> to vector<16x1xi32>
        %gather3A_1261 = vector.shape_cast %broadcast_in_dim3A_1260 : vector<16x1xi32> to vector<16xi32>
        %gather3A_1262 = tpu.dynamic_gather %max3A_1252[%gather3A_1261] in [0] : vector<16xf32>, vector<16xi32> -> vector<16xf32>
        %max3A_1263 = arith.maximumf %max3A_1252, %gather3A_1262 : vector<16xf32>
        %lt3A_1264 = arith.constant 0 : i32
        %lt3A_1265 = vector.broadcast %lt3A_1264 : i32 to vector<16xi32>
        %lt3A_1266 = arith.cmpi slt, %select_n3A_1058, %lt3A_1265 : vector<16xi32>
        %add3A_1267 = arith.constant 16 : i32
        %add3A_1268 = vector.broadcast %add3A_1267 : i32 to vector<16xi32>
        %add3A_1269 = arith.addi %select_n3A_1058, %add3A_1268 : vector<16xi32>
        %select_n3A_1270 = arith.select %lt3A_1266, %add3A_1269, %select_n3A_1058 : vector<16xi1>, vector<16xi32>
        %broadcast_in_dim3A_1271 = vector.shape_cast %select_n3A_1270 : vector<16xi32> to vector<16x1xi32>
        %gather3A_1272 = vector.shape_cast %broadcast_in_dim3A_1271 : vector<16x1xi32> to vector<16xi32>
        %gather3A_1273 = tpu.dynamic_gather %max3A_1263[%gather3A_1272] in [0] : vector<16xf32>, vector<16xi32> -> vector<16xf32>
        %max3A_1274 = arith.maximumf %max3A_1263, %gather3A_1273 : vector<16xf32>
        %max3A_1275 = arith.maximumf %max3A_1274, %gather3A_1083 : vector<16xf32>
        %scatter3A_1276 = arith.constant 0 : i32
        %scatter3A_1277 = tpu.memref_slice %arg5[%scatter3A_1276] : memref<40976xf32, #tpu.memory_space<vmem>> -> memref<10240xf32, #tpu.memory_space<vmem>>
        tpu.vector_store_idx %scatter3A_1277[%select_n3A_1071], %max3A_1131 : memref<10240xf32, #tpu.memory_space<vmem>>[vector<16xi32>], vector<16xf32>,
        %scatter3A_1278 = arith.constant 10240 : i32
        %scatter3A_1279 = tpu.memref_slice %arg5[%scatter3A_1278] : memref<40976xf32, #tpu.memory_space<vmem>> -> memref<10240xf32, #tpu.memory_space<vmem>>
        tpu.vector_store_idx %scatter3A_1279[%select_n3A_1071], %max3A_1179 : memref<10240xf32, #tpu.memory_space<vmem>>[vector<16xi32>], vector<16xf32>,
        %scatter3A_1280 = arith.constant 20480 : i32
        %scatter3A_1281 = tpu.memref_slice %arg5[%scatter3A_1280] : memref<40976xf32, #tpu.memory_space<vmem>> -> memref<10240xf32, #tpu.memory_space<vmem>>
        tpu.vector_store_idx %scatter3A_1281[%select_n3A_1071], %max3A_1227 : memref<10240xf32, #tpu.memory_space<vmem>>[vector<16xi32>], vector<16xf32>,
        %scatter3A_1282 = arith.constant 30720 : i32
        %scatter3A_1283 = tpu.memref_slice %arg5[%scatter3A_1282] : memref<40976xf32, #tpu.memory_space<vmem>> -> memref<10240xf32, #tpu.memory_space<vmem>>
        tpu.vector_store_idx %scatter3A_1283[%select_n3A_1071], %max3A_1275 : memref<10240xf32, #tpu.memory_space<vmem>>[vector<16xi32>], vector<16xf32>,
        %scan3A_1284 = arith.constant 0 : i32
        scf.yield %scan3A_1284 : i32
      }
      %scan3A_124 = arith.constant 125 : i32
      %scan3A_125 = arith.constant 0 : i32
      scf.yield %scan3A_125 : i32
    }
    %scan3A_62 = arith.constant 20 : i32
    %mul3A_63 = arith.constant 4 : i32
    %mul3A_64 = arith.muli %add3A, %mul3A_63 : i32
    %mul3A_65 = arith.constant 10240 : i32
    %mul3A_66 = arith.muli %mul3A_64, %mul3A_65 : i32
    "tpu.region"() ({
      %run_scoped3A = tpu.sem_alloc : memref<!tpu.dma_semaphore, #tpu.memory_space<semaphore_mem>>
      %dma_start3A_67 = arith.constant 0 : i32
      %dma_start3A_68 = tpu.memref_slice %arg5[%dma_start3A_67] : memref<40976xf32, #tpu.memory_space<vmem>> -> memref<40960xf32, #tpu.memory_space<vmem>>
      %dma_start3A_69 = tpu.memref_slice %arg4[%mul3A_66] : memref<1310720xf32, #tpu.memory_space<hbm>> -> memref<40960xf32, #tpu.memory_space<hbm>>
      %dma_start3A_70 = tpu.memref_slice %arg4[%mul3A_66] : memref<1310720xf32, #tpu.memory_space<hbm>> -> memref<40960xf32, #tpu.memory_space<hbm>>
      %dma_start3A_71 = arith.constant 0 : i32
      %dma_start3A_72 = tpu.memref_slice %arg5[%dma_start3A_71] : memref<40976xf32, #tpu.memory_space<vmem>> -> memref<40960xf32, #tpu.memory_space<vmem>>
      tpu.enqueue_dma source(%dma_start3A_72 : memref<40960xf32, #tpu.memory_space<vmem>>) target(%dma_start3A_70 : memref<40960xf32, #tpu.memory_space<hbm>>) target_semaphore(%run_scoped3A : memref<!tpu.dma_semaphore, #tpu.memory_space<semaphore_mem>>)
      %dma_wait3A_73 = arith.constant 0 : i32
      %dma_wait3A_74 = tpu.memref_slice %arg5[%dma_wait3A_73] : memref<40976xf32, #tpu.memory_space<vmem>> -> memref<40960xf32, #tpu.memory_space<vmem>>
      %dma_wait3A_75 = tpu.memref_slice %arg4[%mul3A_66] : memref<1310720xf32, #tpu.memory_space<hbm>> -> memref<40960xf32, #tpu.memory_space<hbm>>
      %dma_wait3A_76 = tpu.memref_slice %arg4[%mul3A_66] : memref<1310720xf32, #tpu.memory_space<hbm>> -> memref<40960xf32, #tpu.memory_space<hbm>>
      %dma_wait3A_77 = arith.constant 0 : i32
      %dma_wait3A_78 = tpu.memref_slice %arg5[%dma_wait3A_77] : memref<40976xf32, #tpu.memory_space<vmem>> -> memref<40960xf32, #tpu.memory_space<vmem>>
      tpu.wait_dma2 semaphore(%run_scoped3A : memref<!tpu.dma_semaphore, #tpu.memory_space<semaphore_mem>>) src(%dma_wait3A_78 : memref<40960xf32, #tpu.memory_space<vmem>>) dst(%dma_wait3A_76 : memref<40960xf32, #tpu.memory_space<hbm>>)
      tpu.yield
    }) : () -> ()
    return
  }
}

module attributes {stable_mosaic.version = 14 : i64} {
  func.func @_tc_body(%arg0: i32, %arg1: memref<1024x128xf32, #tpu.memory_space<vmem>>, %arg2: memref<128x1024xf32, #tpu.memory_space<vmem>>, %arg3: memref<128x1024xf32, #tpu.memory_space<vmem>>, %arg4: memref<128x256xf32, #tpu.memory_space<vmem>>, %arg5: memref<1x128xf32, #tpu.memory_space<vmem>>, %arg6: memref<1024x128xf32, #tpu.memory_space<vmem>>) attributes {dimension_semantics = [#tpu.dimension_semantics<arbitrary>], iteration_bounds = array<i64: 10>, scalar_prefetch = 0 : i64, scratch_operands = 0 : i64, tpu.core_type = #tpu.core_type<tc>, window_params = [{transform_indices = @transform_0, window_bounds = array<i64: 1024, 128>}, {transform_indices = @transform_1, window_bounds = array<i64: 128, 1024>}, {transform_indices = @transform_2, window_bounds = array<i64: 128, 1024>}, {pipeline_mode = #tpu.pipeline_mode<synchronous>, transform_indices = @transform_3, window_bounds = array<i64: 128, 256>}, {pipeline_mode = #tpu.pipeline_mode<synchronous>, transform_indices = @transform_4, window_bounds = array<i64: 1, 128>}, {transform_indices = @transform_5, window_bounds = array<i64: 1024, 128>}]} {
    %get3A = arith.constant 0 : index
    %get3A_0 = arith.constant 0 : index
    %get3A_1 = vector.load %arg1[%get3A, %get3A_0] : memref<1024x128xf32, #tpu.memory_space<vmem>>, vector<1024x128xf32>
    %get3A_2 = arith.constant 0 : index
    %get3A_3 = arith.constant 0 : index
    %get3A_4 = vector.load %arg2[%get3A_2, %get3A_3] : memref<128x1024xf32, #tpu.memory_space<vmem>>, vector<128x1024xf32>
    %get3A_5 = arith.constant 0 : index
    %get3A_6 = arith.constant 0 : index
    %get3A_7 = vector.load %arg3[%get3A_5, %get3A_6] : memref<128x1024xf32, #tpu.memory_space<vmem>>, vector<128x1024xf32>
    %gt3A = arith.constant 0xFF800000 : f32
    %gt3A_8 = vector.broadcast %gt3A : f32 to vector<128x1024xf32>
    %gt3A_9 = arith.cmpf ogt, %get3A_7, %gt3A_8 : vector<128x1024xf32>
    %sub3A = arith.subf %get3A_7, %get3A_4 : vector<128x1024xf32>
    %jit3A = arith.constant 0.000000e+00 : f32
    %broadcast_in_dim3A = vector.broadcast %jit3A : f32 to vector<128x1024xf32>
    %select_n3A = arith.select %gt3A_9, %sub3A, %broadcast_in_dim3A : vector<128x1024xi1>, vector<128x1024xf32>
    %get3A_10 = arith.constant 0 : index
    %get3A_11 = arith.constant 0 : index
    %get3A_12 = vector.load %arg4[%get3A_10, %get3A_11] : memref<128x256xf32, #tpu.memory_space<vmem>>, vector<128x128xf32>
    %get3A_13 = arith.constant 0 : index
    %get3A_14 = arith.constant 128 : index
    %get3A_15 = vector.load %arg4[%get3A_13, %get3A_14] : memref<128x256xf32, #tpu.memory_space<vmem>>, vector<128x128xf32>
    %dot_general3A = arith.constant dense<0.000000e+00> : vector<1024x128xf32>
    %dot_general3A_16 = tpu.matmul %get3A_1, %get3A_12, %dot_general3A {dimension_numbers = #tpu.dot_dimension_numbers<[1], [1], [0], [0], [0, 0, 1, 0], [], []>, transpose_lhs_hint = false} : vector<1024x128xf32>, vector<128x128xf32>, vector<1024x128xf32> -> vector<1024x128xf32>
    %dot_general3A_17 = arith.constant dense<0.000000e+00> : vector<1024x128xf32>
    %dot_general3A_18 = tpu.matmul %select_n3A, %get3A_15, %dot_general3A_17 {dimension_numbers = #tpu.dot_dimension_numbers<[0], [1], [1], [0], [0, 1, 1, 0], [], []>, transpose_lhs_hint = false} : vector<128x1024xf32>, vector<128x128xf32>, vector<1024x128xf32> -> vector<1024x128xf32>
    %add3A = arith.addf %dot_general3A_16, %dot_general3A_18 : vector<1024x128xf32>
    %get3A_19 = arith.constant 0 : index
    %get3A_20 = arith.constant 0 : index
    %get3A_21 = vector.load %arg5[%get3A_19, %get3A_20] : memref<1x128xf32, #tpu.memory_space<vmem>>, vector<1x128xf32>
    %add3A_22 = vector.broadcast %get3A_21 : vector<1x128xf32> to vector<1024x128xf32>
    %add3A_23 = arith.addf %add3A, %add3A_22 : vector<1024x128xf32>
    %swap3A = arith.constant 0 : index
    %swap3A_24 = arith.constant 0 : index
    %swap3A_25 = vector.load %arg6[%swap3A, %swap3A_24] : memref<1024x128xf32, #tpu.memory_space<vmem>>, vector<1024x128xf32>
    tpu.vector_store %arg6[%swap3A, %swap3A_24], %add3A_23 {strides = array<i32>} : memref<1024x128xf32, #tpu.memory_space<vmem>>, vector<1024x128xf32>,
    return
  }
  func.func @transform_0(%arg0: i32) -> (i32, i32) {
    %c0_i32 = arith.constant 0 : i32
    %c0_i32_0 = arith.constant 0 : i32
    return %arg0, %c0_i32 : i32, i32
  }
  func.func @transform_1(%arg0: i32) -> (i32, i32) {
    %c0_i32 = arith.constant 0 : i32
    %c0_i32_0 = arith.constant 0 : i32
    return %c0_i32, %arg0 : i32, i32
  }
  func.func @transform_2(%arg0: i32) -> (i32, i32) {
    %c0_i32 = arith.constant 0 : i32
    %c0_i32_0 = arith.constant 0 : i32
    return %c0_i32, %arg0 : i32, i32
  }
  func.func @transform_3(%arg0: i32) -> (i32, i32) {
    %c0_i32 = arith.constant 0 : i32
    %c0_i32_0 = arith.constant 0 : i32
    %c0_i32_1 = arith.constant 0 : i32
    return %c0_i32, %c0_i32_0 : i32, i32
  }
  func.func @transform_4(%arg0: i32) -> (i32, i32) {
    %c0_i32 = arith.constant 0 : i32
    %c0_i32_0 = arith.constant 0 : i32
    %c0_i32_1 = arith.constant 0 : i32
    return %c0_i32, %c0_i32_0 : i32, i32
  }
  func.func @transform_5(%arg0: i32) -> (i32, i32) {
    %c0_i32 = arith.constant 0 : i32
    %c0_i32_0 = arith.constant 0 : i32
    return %arg0, %c0_i32 : i32, i32
  }
}

</mosaic_0001>

<sc_bundles>
// kernel: kernel.4.cloned.1.call-start
scs
__scs_entry_jumppad:
0x0: {  	(pc) =	sbr.rel $0x88, $3  }
0x1: {  	(tag) =	ssettag $0x0;
	lr =	simm.s32 $0x1  }
0x2: {  	[smem:$0x3F9D] =	sst lr;
	_ =	strace $0xD0000000  }
0x3: {  	_ = 	snop  }
0x4: {  	_ = 	snop  }
0x5: {  	_ = 	snop  }
0x6: {  	_ = 	snop  }
0x7: {  	_ = 	snop  }
__scs_overlays_trampoline_lowered:
0x8: {  	[smem:$0x3FAC] =	sst s0  }
0x9: {  	[smem:$0x3FAD] =	sst s1  }
0xa: {  	[smem:$0x3FAE] =	sst s2  }
0xb: {  	[smem:$0x3FAF] =	sst s3  }
0xc: {  	[smem:$0x3FB0] =	sst s4  }
0xd: {  	[smem:$0x3FB1] =	sst s5  }
0xe: {  	[smem:$0x3FB2] =	sst s6  }
0xf: {  	[smem:$0x3FB3] =	sst s7  }
0x10: {  	[smem:$0x3FB4] =	sst s8  }
0x11: {  	[smem:$0x3FB5] =	sst s9;
	s0 =	simm.s32 @!p0 $0x0  }
0x12: {  	s1 =	sld [smem:$0x3F9B];
	s0 =	simm.s32 @p0 $0x1  }
0x13: {  	[smem:$0x3FB6] =	sst s0;
	s0 =	simm.s32 @!p1 $0x0  }
0x14: {  	s2 =	sld [smem:$0x3F9A];
	s0 =	simm.s32 @p1 $0x1  }
0x15: {  	[smem:$0x3FB7] =	sst s0;
	s0 =	simm.s32 @!p2 $0x0  }
0x16: {  	s3 =	sld [smem:$0x3FDB];
	s0 =	simm.s32 @p2 $0x1  }
0x17: {  	s4 =	simm.s32 $0x1BF5;
	[smem:$0x3FB9] =	sst s0  }
0x18: {  	s0 =	sld [smem:$0x3F9C];
	_ =	swait.ge [sflag:s4], $0x0  }
0x19: {  	s7 =	sld [smem:$0x3F9D]  }
0x1a: {  	s8 =	sadd.s32 $0xFFFFE003, lr  }
0x1b: {  	s9 =	sadd.s32 $0xFFFFFEF7, lr;
	s5 =	simm.s32 $0xFFFFFFFF;
	p2 =	slt.u32 s8, $0xFFFFF086  }
0x1c: {  	p1 =	slt.u32 s9, $0xF7A;
	s5 =	simm.s32 @!p2 $0x0  }
0x1d: {  	s5 =	simm.s32 @p1 $0x1;
	p0 =	seq.s32 s7, s2  }
0x1e: {  	s7 =	smul.u32 @!p0 $0xF7A, s2;
	p2 =	seq.s32 @!p0 s5, $0x0  }
0x1f: {  	s9 =	smul.u32 $0xF7A, s1;
	s8 =	simm.s32 @!p0 $0x1BF5;
	p2 =	por !p2, p0  }
0x20: {  	[sflag:s8] =	ssyncset.s32 @!p0 $0xFFFFF086;
	s6 =	sadd.s32 @!p0 s3, s7;
	s7 =	simm.s32 @!p0 $0x108  }
0x21: {  	s3 =	sadd.s32 s3, s9;
	s6 =	sadd.s32 @!p0 $0x88, s6;
	s7 =	simm.s32 @p2 $0x1082  }
0x22: {  	[simem:s7], [sflag:s8] =	dma.local @!p0 [hbm:s6], $0xF7A  }
0x23: {  	s9 =	sor.u32 $0xD0000000, s2;
	s6 =	simm.s32 $0x108;
	_ =	swait.ge @!p0 [sflag:s8], $0x0  }
0x24: {  	s3 =	sadd.s32 $0x88, s3;
	s6 =	simm.s32 @!p1 $0x1082;
	[sflag:s4] =	ssyncset.s32 $0xFFFFF086  }
0x25: {  	[simem:s6], [sflag:s4] =	dma.local [hbm:s3], $0xF7A  }
0x26: {  	[smem:$0x3F9D] =	sst s1;
	(tag) =	ssettag s2;
	_ =	strace s9  }
0x27: {  	s1 =	sld [smem:$0x3FAD]  }
0x28: {  	s2 =	sld [smem:$0x3FAE]  }
0x29: {  	s4 =	sld [smem:$0x3FB0]  }
0x2a: {  	p0 =	seq.s32 s5, $0x0;
	s5 =	sld [smem:$0x3FB1]  }
0x2b: {  	s6 =	sld [smem:$0x3FB2]  }
0x2c: {  	s7 =	sld [smem:$0x3FB3]  }
0x2d: {  	s3 =	simm.s32 $0x108;
	s8 =	sld [smem:$0x3FB4]  }
0x2e: {  	s3 =	simm.s32 @!p0 $0x1082;
	s9 =	sld [smem:$0x3FB5]  }
0x2f: {  	lr =	sadd.s32 s0, s3;
	s0 =	sld [smem:$0x3FAC]  }
0x30: {  	s3 =	sld [smem:$0x3FAF]  }
0x31: {  	[smem:$0x3FB8] =	sst s10  }
0x32: {  	s10 =	sld [smem:$0x3FB6];
	_ =	sdelay $0x3  }
0x33: {  	p0 =	seq.s32 s10, $0x1;
	s10 =	sld [smem:$0x3FB8];
	_ =	sdelay $0x3  }
0x34: {  	[smem:$0x3FB8] =	sst s10  }
0x35: {  	s10 =	sld [smem:$0x3FB7];
	_ =	sdelay $0x3  }
0x36: {  	p1 =	seq.s32 s10, $0x1;
	s10 =	sld [smem:$0x3FB8];
	_ =	sdelay $0x3  }
0x37: {  	[smem:$0x3FB8] =	sst s10  }
0x38: {  	s10 =	sld [smem:$0x3FB9]  }
0x39: {  	_ = 	snop;
	(pc) =	sbr.ind lr, $3  }
0x3a: {  	_ = 	snop  }
0x3b: {  	_ = 	snop  }
0x3c: {  	p2 =	seq.s32 s10, $0x1;
	s10 =	sld [smem:$0x3FB8]  }
0x3d: {  	_ =	shalt  }
0x3e: {  	_ =	shalt  }
0x3f: {  	_ =	shalt  }
0x40: {  	_ =	shalt  }
0x41: {  	_ =	shalt  }
0x42: {  	_ =	shalt  }
0x43: {  	_ =	shalt  }
0x44: {  	_ =	shalt  }
0x45: {  	_ =	shalt  }
0x46: {  	_ =	shalt  }
0x47: {  	_ =	shalt  }
0x48: {  	_ =	shalt  }
0x49: {  	_ =	shalt  }
0x4a: {  	_ =	shalt  }
0x4b: {  	_ =	shalt  }
0x4c: {  	_ =	shalt  }
0x4d: {  	_ =	shalt  }
0x4e: {  	_ =	shalt  }
0x4f: {  	_ =	shalt  }
0x50: {  	_ =	shalt  }
0x51: {  	_ =	shalt  }
0x52: {  	_ =	shalt  }
0x53: {  	_ =	shalt  }
0x54: {  	_ =	shalt  }
0x55: {  	_ =	shalt  }
0x56: {  	_ =	shalt  }
0x57: {  	_ =	shalt  }
0x58: {  	_ =	shalt  }
0x59: {  	_ =	shalt  }
0x5a: {  	_ =	shalt  }
0x5b: {  	_ =	shalt  }
0x5c: {  	_ =	shalt  }
0x5d: {  	_ =	shalt  }
0x5e: {  	_ =	shalt  }
0x5f: {  	_ =	shalt  }
0x60: {  	_ =	shalt  }
0x61: {  	_ =	shalt  }
0x62: {  	_ =	shalt  }
0x63: {  	_ =	shalt  }
0x64: {  	_ =	shalt  }
0x65: {  	_ =	shalt  }
0x66: {  	_ =	shalt  }
0x67: {  	_ =	shalt  }
0x68: {  	_ =	shalt  }
0x69: {  	_ =	shalt  }
0x6a: {  	_ =	shalt  }
0x6b: {  	_ =	shalt  }
0x6c: {  	_ =	shalt  }
0x6d: {  	_ =	shalt  }
0x6e: {  	_ =	shalt  }
0x6f: {  	_ =	shalt  }
0x70: {  	_ =	shalt  }
0x71: {  	_ =	shalt  }
0x72: {  	_ =	shalt  }
0x73: {  	_ =	shalt  }
0x74: {  	_ =	shalt  }
0x75: {  	_ =	shalt  }
0x76: {  	_ =	shalt  }
0x77: {  	_ =	shalt  }
0x78: {  	_ =	shalt  }
0x79: {  	_ =	shalt  }
0x7a: {  	_ =	shalt  }
0x7b: {  	_ =	shalt  }
0x7c: {  	_ =	shalt  }
0x7d: {  	_ =	shalt  }
0x7e: {  	_ =	shalt  }
0x7f: {  	_ =	shalt  }
0x80: {  	_ =	shalt  }
0x81: {  	_ =	shalt  }
0x82: {  	_ =	shalt  }
0x83: {  	_ =	shalt  }
0x84: {  	_ =	shalt  }
0x85: {  	_ =	shalt  }
0x86: {  	_ =	shalt  }
0x87: {  	_ =	shalt  }
.Lfunc_end0:
.L_simem_size_0:
called_computation_lowered:
.L_overlay_start_0:
0x88: {  	s2 =	sld [smem:$0x3FD9]  }
0x89: {  	s3 =	sld [smem:$0x3FFE];
	_ =	sdelay $0x1  }
0x8a: {  	s1 =	srdreg.scid  }
0x8b: {  	s0 =	sand.u32 $0x1, s1  }
0x8c: {  	s17 =	sshll.u32 s0, $0xA;
	s2 =	sadd.s32 s3, s2  }
0x8d: {  	s2 =	sadd.s32 s2, s17  }
0x8e: {  	[smem:$0x3FC4] =	sst s2  }
0x8f: {  	_ = 	snop  }
0x90: {  	s2 =	sld [smem:$0x3FD0];
	(tm) =	ssettm $0x1  }
0x91: {  	s18 =	sld [smem:$0x3FFB];
	_ =	sdelay $0x3  }
0x92: {  	_ =	strace s18  }
0x93: {  	s3 =	sld [smem:$0x3FFC];
	_ =	sdelay $0x3  }
0x94: {  	_ =	strace s3  }
0x95: {  	s3 =	sld [smem:$0x3FFD];
	_ =	sdelay $0x3  }
0x96: {  	_ =	strace s3  }
0x97: {  	_ =	strace $0x8FFFFFFF  }
0x98: {  	s19 =	sld [smem:$0x3FDB];
	_ =	sdelay $0x1  }
0x99: {  	s4 =	simm.s32 $_scs_section_size  }
0x9a: {  	s5 =	simm.s32 $_size__tile_overlayer_lowered;
	s6 =	simm.s32 $_tile_overlayer_lowered  }
0x9b: {  	s22 =	simm.s32 $0x1BFF;
	s21 =	sshll.u32 s6, $0x1;
	s3 =	sadd.s32 s4, s19  }
0x9c: {  	s7 =	simm.s32 $0x0;
	s20 =	sshll.u32 s5, $0x1;
	s5 =	sadd.s32 s21, s3  }
0x9d: {  	[timem:s7], [sflag:s22] =	dma.local [hbm:s5], s20  }
0x9e: {  	_ =	swait.ge [sflag:s22], s20  }
0x9f: {  	s4 =	ssub.s32 $0x0, s20;
	[sflag:s22] =	ssyncset.done $0x0  }
0xa0: {  	[sflag:s22] =	ssyncadd.s32 s4;
	_ =	sdelay $0x1  }
0xa1: {  	s23 =	simm.s32 $0x1B8B  }
0xa2: {  	_ =	swait.ge [sflag:s23], $0x1  }
0xa3: {  	[sflag:s23] =	ssyncset.done $0x0  }
0xa4: {  	s25 =	simm.s32 $0x1B8E;
	s24 =	sld [smem:$0x3FFE];
	[sflag:s23] =	ssyncadd.s32 $0xFFFFFFFF  }
0xa5: {  	s26 =	simm.s32 $execute0_lowered;
	[smem:$0x3FD2] =	sst s25  }
0xa6: {  	s5 =	sshll.u32 s26, $0x1;
	_ =	strace $0x80000046;
	[dreg:$0x1] =	wrdreg $0xFFFFFFFF  }
0xa7: {  	s28 =	simm.s32 $_size_execute0_lowered;
	s3 =	sadd.s32 s3, s5;
	[dreg:$0x0] =	wrdreg $0x0  }
0xa8: {  	s5 =	sshll.u32 s28, $0x1;
	[dreg:$0x2] =	wrdreg s3  }
0xa9: {  	[dreg:$0x3] =	wrdreg s5  }
0xaa: {  	[dreg:$0x4] =	wrdreg $0xC0  }
0xab: {  	_ =	task [dreg:s7], $0x5FFFF  }
0xac: {  	[dreg:$0x1] =	wrdreg $0xFFFFFFFF  }
0xad: {  	[dreg:$0x0] =	wrdreg $0x60  }
0xae: {  	[dreg:$0x2] =	wrdreg s24  }
0xaf: {  	[dreg:$0x3] =	wrdreg s2  }
0xb0: {  	[dreg:$0x4] =	wrdreg $0x9  }
0xb1: {  	_ =	task.clear_ibuf [dreg:s7], $0x5FFFF;
	_ =	strace $0x90000046  }
0xb2: {  	s29 =	simm.s32 $0x9;
	_ =	strace $0x80000048  }
0xb3: {  	_ =	swait.ge [sflag:s29], $0x1  }
0xb4: {  	[sflag:s29] =	ssyncadd.s32 $0xFFFFFFFF  }
0xb5: {  	_ =	strace $0x90000048  }
0xb6: {  	_ =	sfence  }
0xb7: {  	s30 =	sld [smem:$0x0];
	_ =	sdelay $0x2  }
0xb8: {  	s31 =	sshll.u32 s1, $0xD;
	s1 =	sshrl.u32 s1, $0x2  }
0xb9: {  	s3 =	sand.u32 $0x4000, s31;
	s1 =	sadd.s32 s1, s30  }
0xba: {  	s0 =	sor.u32 s3, s0;
	s1 =	sshll.u32 s1, $0x11  }
0xbb: {  	s0 =	sor.u32 s1, s0  }
0xbc: {  	s0 =	sadd.s32 $0x8F2B, s0  }
0xbd: {  	[sflag:s0] =	ssyncadd.remote.s32 $0x1  }
0xbe: {  	_ =	sfence.sel $0xFFFF  }
0xbf: {  	[dreg:$0x0] =	wrdreg $0xFFFFFFFF;
	(pc) =	sbr.abs _section_cstart, $3  }
0xc0: {  	[dreg:$0x1] =	wrdreg $0xFFFFFFFF  }
0xc1: {  	_ =	task.clear_ibuf [dreg:s7], $0x2FFFF;
	_ =	strace $0x9FFFFFFF  }
0xc2: {  	(tm) =	ssettm $0x7FFFFFFF  }
0xc3: {  	_ =	shalt  }
tec
execute0_lowered:
.L_overlay_start_1:
0x0: {  	(tag) =	ssettag $0x1  }
0x1: {  	v0 =	vimm.s32 $0xEDCBA987;
	v1 =	vimm.s32 $0x65432100  }
0x2: {  	v2 =	vimm.s32 $0xE40000;
	v5 =	vimm.s32 $0x32100000;
	v0 =	vunpack.c.l.s4.s8 v0  }
0x3: {  	v6 =	vimm.s32 $0xFFEDCBA9;
	v7 =	vimm.s32 $0x87654321;
	v1 =	vunpack.c.l.s4.s8 v1  }
0x4: {  	s5 =	rddreg [dreg:$0x0];
	s1 =	srdreg.scid;
	v8 =	vimm.s32 $0x7060504;
	v2 =	vunpack.c.l.s2.s4 v2;
	v0 =	vunpack.c.0.s8.s32 v0  }
0x5: {  	s0 =	stileid.u32;
	s2 =	rddreg [dreg:$0x1];
	s4 =	simm.s32 $0x0;
	v6 =	vunpack.c.l.s4.s8 v6;
	v7 =	vunpack.c.l.s4.s8 v7;
	v1 =	vunpack.c.0.s8.s32 v1  }
0x6: {  	s12 =	simm.s32 $0x1;
	s13 =	simm.s32 $0x16000;
	s14 =	simm.s32 $0x2;
	v5 =	vunpack.c.l.s4.s8 v5;
	v2 =	vunpack.c.l.s4.s8 v2;
	v0 =	vand.u32 $0xF, v0  }
0x7: {  	s15 =	simm.s32 $0x2800;
	s16 =	simm.s32 $0x5000;
	s17 =	simm.s32 $0x7800;
	v6 =	vunpack.c.0.s8.s32 v6;
	v0 =	vcombine.low v1, v0;
	v1 =	vimm.s32 $0x54321000  }
0x8: {  	s18 =	simm.s32 $0xC880;
	s6 =	sand.u32 $0x1, s1;
	s3 =	sshll.u32 s0, $0x1;
	v7 =	vunpack.c.0.s8.s32 v7;
	v3 =	vunpack.c.l.s4.s8 v1;
	v1 =	vimm.s32 $0xDCBA9876  }
0x9: {  	s19 =	simm.s32 $0xF080;
	s20 =	simm.s32 $0x11880;
	s3 =	sor.u32 s6, s3;
	v2 =	vunpack.c.0.s8.s32 v2;
	v4 =	vunpack.c.l.s4.s8 v1;
	v1 =	vimm.s32 $0xBA987654  }
0xa: {  	vm0 =	vcmask $0x3F30;
	s21 =	simm.s32 $0x3;
	s22 =	simm.s32 $0x0;
	s7 =	smul.u32 $0x1400, s3;
	v6 =	vcombine.low v7, v6;
	v9 =	vunpack.c.l.s4.s8 v1  }
0xb: {  	[smem:$0x7FF] =	sst s4;
	s6 =	ssub.s32 $0x2, s6;
	s9 =	smul.u32 $0x3E8, s3;
	v5 =	vunpack.c.0.s8.s32 v5;
	v2 =	vand.u32 $0x3, v2;
	v1 =	vunpack.c.0.s8.s32 v8  }
0xc: {  	s1 =	rddreg [dreg:$0x2];
	_ =	strace $0x80000047;
	s8 =	sshrl.u32 s6, $0x1;
	v6 =	vand.u32 $0xF, v6;
	v4 =	vunpack.c.0.s8.s32 v4;
	v8 =	vunpack.c.0.s8.s32 v9  }
0xd: {  	s11 =	ssub.s32 s6, s8;
	s10 =	sadd.s32 s7, s5;
	s6 =	sadd.s32 s2, s9;
	v3 =	vunpack.c.0.s8.s32 v3;
	v1 =	vsel vm0, v1, v2;
	v2 =	vimm.f32 $-Inf  }
0xe: {  	s7 =	sadd.s32 $0x2, s3;
	s9 =	smax.u32 s11, $0x1;
	s11 =	simm.s32 $0x14080;
	vm0 =	vmmov $0x7fff;
	v4 =	vand.u32 $0xF, v4;
	v7 =	vand.u32 $0xF, v8  }
0xf: {  	s5 =	sadd.s32 $0x1000, s10;
	s8 =	sadd.s32 $0x29000, s10;
	s10 =	simm.s32 $0xA080;
	v3 =	vcombine.low v3, v4;
	v4 =	vlaneseq.u32;
	v5 =	vcombine.low v5, v7  }
.LBB2_1:
0x10: {  	[tilespmem:s10], [sflag:$0x1] =	stream.linear.gather [hbm4b:s5+s4], $0xA000, $0x38;
	[tilespmem:$0x17F80] =	vst v63  }
0x11: {  	s23 =	simm.s32 $0x40;
	s24 =	simm.s32 $0x0  }
0x12: {  	[tilespmem:s11], [sflag:$0x2] =	stream.linear.gather [hbm4b:s6+s4], $0x1F40, $0x38;
	[tilespmem:$0x17F80] =	vst v63  }
.LBB2_2:
0x13: {  	p0 =	sne.s32 s23, $0x28000;
	[tilespmem:s24+$0x0] =	vst v2;
	s24 =	smov.u32 s23;
	s23 =	sadd.s32 $0x40, s23  }
.Ltmp0:
0x14: {  	(pc) =	sbr.rel @p0 .LBB2_2-.Ltmp0, $2  }
0x15: {  	_ =	sdelay $0x2  }
0x16: {  	s24 =	sshra.s32 s24, $0x2  }
0x17: {  	[tilespmem:s24+$0x0] =	vst v2  }
0x18: {  	_ =	swait.ge [sflag:s12], $0xA000  }
0x19: {  	[sflag:s12] =	ssyncset.done $0x0  }
0x1a: {  	s23 =	simm.s32 $0x0;
	s24 =	simm.s32 $0x0;
	[sflag:s12] =	ssyncadd.s32 $0xFFFF6000  }
.LBB2_4:
0x1b: {  	s25 =	sshll.u32 s24, $0x1  }
0x1c: {  	s26 =	sadd.s32 s25, s3  }
0x1d: {  	s28 =	sadd.s32 $0x1, s26;
	s26 =	sadd.s32 $0xFFFFFFD9, s26  }
0x1e: {  	s26 =	smin.u32 s26, s28  }
0x1f: {  	s26 =	smul.u32 $0x1F40, s26;
	_ =	sdelay $0x1  }
0x20: {  	s26 =	sshrl.u32 s26, $0x3  }
0x21: {  	s26 =	sadd.s32 s2, s26  }
0x22: {  	[tilespmem:s13], [sflag:$0x2] =	stream.linear.gather [hbm4b:s26+s23], $0x1F40, $0x38;
	[tilespmem:$0x17F80] =	vst v63  }
0x23: {  	_ =	swait.ge [sflag:s14], $0x1F40  }
0x24: {  	[sflag:s14] =	ssyncset.done $0x0  }
0x25: {  	s31 =	simm.s32 $0x0;
	[sflag:s14] =	ssyncadd.s32 $0xFFFFE0C0  }
0x26: {  	v7 =	vld [tilespmem:s31+$0x14080];
	_ =	sdelay $0x4  }
0x27: {  	(xrf1) =	vsort.ascd.msk.u32 $0xffff, v7, v7;
	_ =	sdelay $0xd  }
0x28: {  	v7, _, _ =	vpop (xrf1)  }
0x29: {  	v8 =	vand.u32 $0x3FFF, v7;
	_ =	sdelay $0x2  }
0x2a: {  	v9 =	vld [tilespmem:s31+$0x14090];
	_ =	sdelay $0x1  }
0x2b: {  	v10 =	vld.idx.msk [tilespmem:v8+s10+$0x0], $0xffff  }
0x2c: {  	v7 =	vshrl.u32 v7, $0xE;
	v13 =	vld.idx.msk [tilespmem:v8+s18+$0x0], $0xffff  }
0x2d: {  	v11 =	vperm.xlane v7, v0;
	v12 =	vperm.xlane v7, v3;
	v16 =	vld.idx.msk [tilespmem:v8+s19+$0x0], $0xffff  }
0x2e: {  	(xrf1) =	vsort.ascd.msk.u32 $0xffff, v9, v9;
	v14 =	vperm.xlane v7, v5;
	v15 =	vperm.xlane v7, v6;
	v8 =	vld.idx.msk [tilespmem:v8+s20+$0x0], $0xffff  }
0x2f: {  	vm1 =	veq.s32 v11, v7;
	vm2 =	veq.s32 v12, v7;
	v11 =	vperm.xlane v7, v1  }
0x30: {  	vm3 =	veq.s32 v14, v7;
	v9 =	vsel vm1, v0, v4;
	vm1 =	veq.s32 v15, v7  }
0x31: {  	v15 =	vsel vm2, v3, v4;
	vm4 =	veq.s32 v11, v7;
	v11 =	vperm.xlane v10, v9  }
0x32: {  	vm1 =	vmand vm1, vm0;
	v12 =	vsel vm4, v1, v4;
	v14 =	vperm.xlane v13, v9  }
0x33: {  	v10 =	vmax.f32 v10, v11;
	v11 =	vperm.xlane v16, v9;
	v9 =	vperm.xlane v8, v9  }
0x34: {  	v13 =	vmax.f32 v13, v14;
	v14 =	vsel vm3, v5, v4;
	v17 =	vperm.xlane v10, v15  }
0x35: {  	v18 =	vperm.xlane v13, v15;
	v11 =	vmax.f32 v16, v11;
	v8 =	vmax.f32 v8, v9  }
0x36: {  	v10 =	vmax.f32 v10, v17;
	v16 =	vperm.xlane v11, v15;
	v15 =	vperm.xlane v8, v15  }
0x37: {  	v13 =	vmax.f32 v13, v18;
	v18 =	vsel vm1, $0x2710, v7;
	v9 =	vperm.xlane v10, v14  }
0x38: {  	v17 =	vld.idx.msk [tilespmem:v7+s4+$0x0], $0xffff;
	v19 =	vperm.xlane v13, v14;
	v11 =	vmax.f32 v11, v16;
	v8 =	vmax.f32 v8, v15  }
0x39: {  	v16 =	vld.idx.msk [tilespmem:v7+s15+$0x0], $0xffff;
	v9 =	vmax.f32 v10, v9;
	v10 =	vperm.xlane v11, v14;
	v14 =	vperm.xlane v8, v14  }
0x3a: {  	v15 =	vld.idx.msk [tilespmem:v7+s16+$0x0], $0xffff;
	v13 =	vmax.f32 v13, v19;
	v20 =	vperm.xlane v9, v12  }
0x3b: {  	v7 =	vld.idx.msk [tilespmem:v7+s17+$0x0], $0xffff;
	v19 =	vperm.xlane v13, v12;
	v10 =	vmax.f32 v11, v10  }
0x3c: {  	v8 =	vmax.f32 v8, v14;
	v9 =	vmax.f32 v9, v20;
	v11 =	vperm.xlane v10, v12  }
0x3d: {  	v13 =	vmax.f32 v13, v19;
	v12 =	vperm.xlane v8, v12;
	v9 =	vmax.f32 v9, v17;
	v14, _, _ =	vpop (xrf1)  }
0x3e: {  	v13 =	vmax.f32 v13, v16;
	v10 =	vmax.f32 v10, v11;
	[tilespmem:v18+s4+$0x0] =	vst.idx.msk $0xffff, v9;
	v9 =	vand.u32 $0x3FFF, v14  }
0x3f: {  	v8 =	vmax.f32 v8, v12;
	v10 =	vmax.f32 v10, v15;
	[tilespmem:v18+s15+$0x0] =	vst.idx.msk $0xffff, v13  }
0x40: {  	v7 =	vmax.f32 v8, v7;
	[tilespmem:v18+s16+$0x0] =	vst.idx.msk $0xffff, v10  }
0x41: {  	[tilespmem:v18+s17+$0x0] =	vst.idx.msk $0xffff, v7  }
0x42: {  	v7 =	vld [tilespmem:s31+$0x140A0]  }
0x43: {  	v10 =	vshrl.u32 v14, $0xE;
	v8 =	vld.idx.msk [tilespmem:v9+s10+$0x0], $0xffff  }
0x44: {  	v12 =	vperm.xlane v10, v0;
	v11 =	vld.idx.msk [tilespmem:v9+s18+$0x0], $0xffff  }
0x45: {  	v13 =	vperm.xlane v10, v3;
	v16 =	vperm.xlane v10, v6;
	v14 =	vld.idx.msk [tilespmem:v9+s19+$0x0], $0xffff  }
0x46: {  	v15 =	vperm.xlane v10, v5;
	v9 =	vld.idx.msk [tilespmem:v9+s20+$0x0], $0xffff;
	vm1 =	veq.s32 v12, v10  }
0x47: {  	vm2 =	veq.s32 v13, v10;
	vm3 =	veq.s32 v16, v10;
	(xrf1) =	vsort.ascd.msk.u32 $0xffff, v7, v7  }
0x48: {  	v12 =	vperm.xlane v10, v1;
	vm3 =	vmand vm3, vm0;
	v7 =	vsel vm1, v0, v4  }
0x49: {  	vm1 =	veq.s32 v15, v10;
	v15 =	vsel vm2, v3, v4;
	v13 =	vperm.xlane v8, v7  }
0x4a: {  	v16 =	vsel vm1, v5, v4;
	v17 =	vperm.xlane v11, v7;
	vm1 =	veq.s32 v12, v10  }
0x4b: {  	v12 =	vperm.xlane v14, v7;
	v7 =	vperm.xlane v9, v7;
	v8 =	vmax.f32 v8, v13  }
0x4c: {  	v11 =	vmax.f32 v11, v17;
	v17 =	vsel vm1, v1, v4;
	v13 =	vperm.xlane v8, v15  }
0x4d: {  	v12 =	vmax.f32 v14, v12;
	v7 =	vmax.f32 v9, v7;
	v18 =	vperm.xlane v11, v15  }
0x4e: {  	v14 =	vperm.xlane v7, v15;
	v8 =	vmax.f32 v8, v13;
	v13 =	vperm.xlane v12, v15  }
0x4f: {  	v11 =	vmax.f32 v11, v18;
	v18 =	vsel vm3, $0x2710, v10;
	v9 =	vperm.xlane v8, v16  }
0x50: {  	v15 =	vld.idx.msk [tilespmem:v10+s4+$0x0], $0xffff;
	v7 =	vmax.f32 v7, v14;
	v19 =	vperm.xlane v11, v16;
	v12 =	vmax.f32 v12, v13  }
0x51: {  	v13 =	vld.idx.msk [tilespmem:v10+s15+$0x0], $0xffff;
	v8 =	vmax.f32 v8, v9;
	v9 =	vperm.xlane v12, v16;
	v16 =	vperm.xlane v7, v16  }
0x52: {  	v14 =	vld.idx.msk [tilespmem:v10+s16+$0x0], $0xffff;
	v11 =	vmax.f32 v11, v19;
	v61 =	vperm.xlane v8, v17  }
0x53: {  	v10 =	vld.idx.msk [tilespmem:v10+s17+$0x0], $0xffff;
	v19 =	vperm.xlane v11, v17;
	v9 =	vmax.f32 v12, v9  }
0x54: {  	v7 =	vmax.f32 v7, v16;
	v8 =	vmax.f32 v8, v61;
	v12 =	vperm.xlane v9, v17  }
0x55: {  	v11 =	vmax.f32 v11, v19;
	v8 =	vmax.f32 v8, v15;
	v15 =	vperm.xlane v7, v17;
	v16, _, _ =	vpop (xrf1)  }
0x56: {  	v11 =	vmax.f32 v11, v13;
	v9 =	vmax.f32 v9, v12;
	[tilespmem:v18+s4+$0x0] =	vst.idx.msk $0xffff, v8;
	v8 =	vand.u32 $0x3FFF, v16  }
0x57: {  	v9 =	vmax.f32 v9, v14;
	v7 =	vmax.f32 v7, v15;
	[tilespmem:v18+s15+$0x0] =	vst.idx.msk $0xffff, v11  }
0x58: {  	v7 =	vmax.f32 v7, v10;
	[tilespmem:v18+s16+$0x0] =	vst.idx.msk $0xffff, v9  }
0x59: {  	[tilespmem:v18+s17+$0x0] =	vst.idx.msk $0xffff, v7  }
0x5a: {  	v7 =	vld [tilespmem:s31+$0x140B0]  }
0x5b: {  	v9 =	vshrl.u32 v16, $0xE;
	v10 =	vld.idx.msk [tilespmem:v8+s10+$0x0], $0xffff  }
0x5c: {  	v11 =	vperm.xlane v9, v0  }
0x5d: {  	v13 =	vld.idx.msk [tilespmem:v8+s18+$0x0], $0xffff  }
0x5e: {  	v12 =	vperm.xlane v9, v3;
	vm1 =	veq.s32 v11, v9;
	v11 =	vperm.xlane v9, v1;
	v14 =	vld.idx.msk [tilespmem:v8+s19+$0x0], $0xffff  }
0x5f: {  	v15 =	vperm.xlane v9, v6;
	v8 =	vld.idx.msk [tilespmem:v8+s20+$0x0], $0xffff;
	v16 =	vsel vm1, v0, v4;
	(xrf1) =	vsort.ascd.msk.u32 $0xffff, v7, v7  }
0x60: {  	vm1 =	veq.s32 v12, v9;
	vm2 =	veq.s32 v11, v9;
	v11 =	vperm.xlane v10, v16  }
0x61: {  	vm14 =	veq.s32 v15, v9;
	v15 =	vsel vm1, v3, v4;
	v7 =	vperm.xlane v9, v5  }
0x62: {  	vm1 =	vmand vm14, vm0;
	v12 =	vperm.xlane v13, v16;
	v10 =	vmax.f32 v10, v11  }
0x63: {  	vm3 =	veq.s32 v7, v9;
	v7 =	vsel vm2, v1, v4;
	v17 =	vperm.xlane v10, v15  }
0x64: {  	v11 =	vperm.xlane v14, v16;
	v12 =	vmax.f32 v13, v12;
	v13 =	vperm.xlane v8, v16  }
0x65: {  	v16 =	vsel vm3, v5, v4;
	v18 =	vperm.xlane v12, v15;
	v10 =	vmax.f32 v10, v17  }
0x66: {  	v11 =	vmax.f32 v14, v11;
	v8 =	vmax.f32 v8, v13;
	v13 =	vperm.xlane v10, v16  }
0x67: {  	v14 =	vperm.xlane v11, v15;
	v12 =	vmax.f32 v12, v18;
	v15 =	vperm.xlane v8, v15  }
0x68: {  	v18 =	vsel vm1, $0x2710, v9;
	v19 =	vperm.xlane v12, v16;
	v10 =	vmax.f32 v10, v13  }
0x69: {  	v17 =	vld.idx.msk [tilespmem:v9+s4+$0x0], $0xffff;
	v11 =	vmax.f32 v11, v14;
	v8 =	vmax.f32 v8, v15;
	v15 =	vperm.xlane v10, v7  }
0x6a: {  	v13 =	vld.idx.msk [tilespmem:v9+s15+$0x0], $0xffff;
	v14 =	vperm.xlane v11, v16;
	v12 =	vmax.f32 v12, v19;
	v16 =	vperm.xlane v8, v16  }
0x6b: {  	v62 =	vld.idx.msk [tilespmem:v9+s16+$0x0], $0xffff;
	v19 =	vperm.xlane v12, v7  }
0x6c: {  	v9 =	vld.idx.msk [tilespmem:v9+s17+$0x0], $0xffff;
	v11 =	vmax.f32 v11, v14;
	v8 =	vmax.f32 v8, v16  }
0x6d: {  	v10 =	vmax.f32 v10, v15;
	v14 =	vperm.xlane v11, v7;
	v12 =	vmax.f32 v12, v19;
	v15, _, _ =	vpop (xrf1)  }
0x6e: {  	v7 =	vperm.xlane v8, v7;
	v10 =	vmax.f32 v10, v17;
	v16 =	vand.u32 $0x3FFF, v15  }
0x6f: {  	v12 =	vmax.f32 v12, v13;
	v11 =	vmax.f32 v11, v14;
	[tilespmem:v18+s4+$0x0] =	vst.idx.msk $0xffff, v10  }
0x70: {  	v7 =	vmax.f32 v8, v7;
	v10 =	vmax.f32 v11, v62;
	[tilespmem:v18+s15+$0x0] =	vst.idx.msk $0xffff, v12  }
0x71: {  	v7 =	vmax.f32 v7, v9;
	[tilespmem:v18+s16+$0x0] =	vst.idx.msk $0xffff, v10  }
0x72: {  	[tilespmem:v18+s17+$0x0] =	vst.idx.msk $0xffff, v7  }
0x73: {  	v10 =	vshrl.u32 v15, $0xE;
	v7 =	vld.idx.msk [tilespmem:v16+s10+$0x0], $0xffff  }
0x74: {  	v8 =	vperm.xlane v10, v0  }
0x75: {  	v11 =	vperm.xlane v10, v3;
	v9 =	vld.idx.msk [tilespmem:v16+s19+$0x0], $0xffff  }
0x76: {  	v13 =	vperm.xlane v10, v5;
	v14 =	vperm.xlane v10, v6;
	vm1 =	veq.s32 v8, v10;
	v12 =	vld.idx.msk [tilespmem:v16+s18+$0x0], $0xffff  }
0x77: {  	v15 =	vperm.xlane v10, v1;
	vm2 =	veq.s32 v11, v10;
	v8 =	vld.idx.msk [tilespmem:v16+s20+$0x0], $0xffff;
	v11 =	vsel vm1, v0, v4  }
0x78: {  	vm1 =	veq.s32 v13, v10;
	v13 =	vperm.xlane v7, v11  }
0x79: {  	vm3 =	veq.s32 v14, v10;
	vm15 =	veq.s32 v15, v10  }
0x7a: {  	v15 =	vsel vm2, v3, v4;
	v14 =	vperm.xlane v9, v11;
	v7 =	vmax.f32 v7, v13  }
0x7b: {  	vm3 =	vmand vm3, vm0;
	v13 =	vperm.xlane v12, v11;
	v16 =	vperm.xlane v7, v15  }
0x7c: {  	v9 =	vmax.f32 v9, v14;
	v11 =	vperm.xlane v8, v11;
	v14 =	vsel vm1, v5, v4  }
0x7d: {  	v12 =	vmax.f32 v12, v13;
	v13 =	vperm.xlane v9, v15;
	v7 =	vmax.f32 v7, v16  }
0x7e: {  	v8 =	vmax.f32 v8, v11;
	v16 =	vperm.xlane v12, v15;
	v11 =	vperm.xlane v7, v14  }
0x7f: {  	v18 =	vsel vm15, v1, v4;
	v9 =	vmax.f32 v9, v13;
	v13 =	vperm.xlane v8, v15  }
0x80: {  	v17 =	vld.idx.msk [tilespmem:v10+s4+$0x0], $0xffff;
	v12 =	vmax.f32 v12, v16;
	v15 =	vperm.xlane v9, v14;
	v16 =	vmax.f32 v7, v11  }
0x81: {  	v11 =	vperm.xlane v12, v14;
	v13 =	vmax.f32 v8, v13;
	v7 =	vsel vm3, $0x2710, v10  }
0x82: {  	v19 =	vperm.xlane v16, v18;
	v63 =	vmax.f32 v9, v15;
	v14 =	vperm.xlane v13, v14;
	v9 =	vld.idx.msk [tilespmem:v10+s15+$0x0], $0xffff  }
0x83: {  	v8 =	vld.idx.msk [tilespmem:v10+s16+$0x0], $0xffff;
	v11 =	vmax.f32 v12, v11;
	v21 =	vperm.xlane v63, v18  }
0x84: {  	v10 =	vld.idx.msk [tilespmem:v10+s17+$0x0], $0xffff;
	v16 =	vmax.f32 v16, v19;
	v15 =	vperm.xlane v11, v18;
	v12 =	vmax.f32 v13, v14  }
0x85: {  	s26 =	simm.s32 $0x100;
	v14 =	vmax.f32 v16, v17;
	v13 =	vmax.f32 v63, v21;
	v16 =	vperm.xlane v12, v18  }
.LBB2_5:
0x86: {  	p0 =	sne.s32 s26, $0x7C00;
	v11 =	vmax.f32 v11, v15;
	s28 =	smov.u32 s26;
	s26 =	sadd.s32 $0x100, s26  }
0x87: {  	v9 =	vmax.f32 v11, v9;
	v11 =	vmax.f32 v12, v16;
	[tilespmem:v7+s4+$0x0] =	vst.idx.msk $0xffff, v14  }
0x88: {  	v8 =	vmax.f32 v13, v8;
	s28 =	sshra.s32 s28, $0x2;
	[tilespmem:v7+s15+$0x0] =	vst.idx.msk $0xffff, v9  }
0x89: {  	v9 =	vmax.f32 v11, v10;
	[tilespmem:v7+s16+$0x0] =	vst.idx.msk $0xffff, v8  }
0x8a: {  	[tilespmem:v7+s17+$0x0] =	vst.idx.msk $0xffff, v9  }
0x8b: {  	v7 =	vld [tilespmem:s28+$0x14080];
	_ =	sdelay $0x4  }
0x8c: {  	(xrf1) =	vsort.ascd.msk.u32 $0xffff, v7, v7;
	_ =	sdelay $0xd  }
0x8d: {  	v7, _, _ =	vpop (xrf1)  }
0x8e: {  	v8 =	vshrl.u32 v7, $0xE;
	v7 =	vand.u32 $0x3FFF, v7  }
0x8f: {  	v9 =	vperm.xlane v8, v0;
	v10 =	vperm.xlane v8, v3  }
0x90: {  	v11 =	vperm.xlane v8, v5;
	v12 =	vperm.xlane v8, v6  }
0x91: {  	vm2 =	veq.s32 v9, v8;
	vm3 =	veq.s32 v10, v8;
	v9 =	vperm.xlane v8, v1  }
0x92: {  	vm4 =	veq.s32 v11, v8;
	vm1 =	veq.s32 v12, v8;
	v10 =	vld [tilespmem:s28+$0x14090]  }
0x93: {  	vm1 =	vmand vm1, vm0;
	vm5 =	veq.s32 v9, v8;
	v9 =	vld.idx.msk [tilespmem:v7+s10+$0x0], $0xffff  }
0x94: {  	v11 =	vld.idx.msk [tilespmem:v7+s18+$0x0], $0xffff  }
0x95: {  	v12 =	vld.idx.msk [tilespmem:v7+s19+$0x0], $0xffff  }
0x96: {  	v7 =	vld.idx.msk [tilespmem:v7+s20+$0x0], $0xffff  }
0x97: {  	(xrf1) =	vsort.ascd.msk.u32 $0xffff, v10, v10  }
0x98: {  	v10 =	vsel vm2, v0, v4  }
0x99: {  	v13 =	vperm.xlane v9, v10  }
0x9a: {  	v14 =	vsel vm5, v1, v4;
	v15 =	vperm.xlane v11, v10  }
0x9b: {  	v16 =	vsel vm3, v3, v4;
	v9 =	vmax.f32 v9, v13;
	v13 =	vperm.xlane v12, v10  }
0x9c: {  	v17 =	vperm.xlane v9, v16;
	v11 =	vmax.f32 v11, v15;
	v10 =	vperm.xlane v7, v10  }
0x9d: {  	v15 =	vsel vm4, v5, v4;
	v18 =	vperm.xlane v11, v16;
	v12 =	vmax.f32 v12, v13  }
0x9e: {  	v9 =	vmax.f32 v9, v17;
	v13 =	vperm.xlane v12, v16;
	v7 =	vmax.f32 v7, v10  }
0x9f: {  	v17 =	vperm.xlane v9, v15;
	v11 =	vmax.f32 v11, v18;
	v16 =	vperm.xlane v7, v16;
	v10 =	vld.idx.msk [tilespmem:v8+s4+$0x0], $0xffff  }
0xa0: {  	v18 =	vsel vm1, $0x2710, v8;
	v20 =	vperm.xlane v11, v15;
	v12 =	vmax.f32 v12, v13;
	v19 =	vld.idx.msk [tilespmem:v8+s15+$0x0], $0xffff  }
0xa1: {  	v9 =	vmax.f32 v9, v17;
	v17 =	vperm.xlane v12, v15;
	v7 =	vmax.f32 v7, v16;
	v13 =	vld.idx.msk [tilespmem:v8+s16+$0x0], $0xffff  }
0xa2: {  	v16 =	vperm.xlane v9, v14;
	v11 =	vmax.f32 v11, v20;
	v15 =	vperm.xlane v7, v15;
	v8 =	vld.idx.msk [tilespmem:v8+s17+$0x0], $0xffff  }
0xa3: {  	v20 =	vperm.xlane v11, v14;
	v12 =	vmax.f32 v12, v17  }
0xa4: {  	v9 =	vmax.f32 v9, v16;
	v16 =	vperm.xlane v12, v14;
	v7 =	vmax.f32 v7, v15  }
0xa5: {  	v9 =	vmax.f32 v9, v10;
	v10 =	vmax.f32 v11, v20;
	v11 =	vperm.xlane v7, v14;
	v14, _, _ =	vpop (xrf1)  }
0xa6: {  	v10 =	vmax.f32 v10, v19;
	v12 =	vmax.f32 v12, v16;
	[tilespmem:v18+s4+$0x0] =	vst.idx.msk $0xffff, v9;
	v9 =	vand.u32 $0x3FFF, v14  }
0xa7: {  	v12 =	vmax.f32 v12, v13;
	v7 =	vmax.f32 v7, v11;
	[tilespmem:v18+s15+$0x0] =	vst.idx.msk $0xffff, v10  }
0xa8: {  	v7 =	vmax.f32 v7, v8;
	[tilespmem:v18+s16+$0x0] =	vst.idx.msk $0xffff, v12  }
0xa9: {  	[tilespmem:v18+s17+$0x0] =	vst.idx.msk $0xffff, v7  }
0xaa: {  	v7 =	vld [tilespmem:s28+$0x140A0]  }
0xab: {  	v8 =	vld.idx.msk [tilespmem:v9+s10+$0x0], $0xffff  }
0xac: {  	v10 =	vshrl.u32 v14, $0xE;
	v11 =	vld.idx.msk [tilespmem:v9+s18+$0x0], $0xffff  }
0xad: {  	v12 =	vperm.xlane v10, v0;
	v13 =	vperm.xlane v10, v3;
	v14 =	vld.idx.msk [tilespmem:v9+s19+$0x0], $0xffff  }
0xae: {  	v15 =	vperm.xlane v10, v5;
	v16 =	vperm.xlane v10, v6;
	v9 =	vld.idx.msk [tilespmem:v9+s20+$0x0], $0xffff  }
0xaf: {  	vm1 =	veq.s32 v12, v10;
	vm2 =	veq.s32 v13, v10;
	(xrf1) =	vsort.ascd.msk.u32 $0xffff, v7, v7  }
0xb0: {  	vm3 =	veq.s32 v16, v10;
	v7 =	vsel vm1, v0, v4;
	vm1 =	veq.s32 v15, v10  }
0xb1: {  	v12 =	vperm.xlane v10, v1;
	vm3 =	vmand vm3, vm0;
	v13 =	vperm.xlane v8, v7  }
0xb2: {  	v15 =	vsel vm2, v3, v4;
	v16 =	vsel vm1, v5, v4;
	v17 =	vperm.xlane v11, v7  }
0xb3: {  	vm1 =	veq.s32 v12, v10;
	v8 =	vmax.f32 v8, v13;
	v12 =	vperm.xlane v14, v7  }
0xb4: {  	v13 =	vperm.xlane v8, v15;
	v11 =	vmax.f32 v11, v17;
	v7 =	vperm.xlane v9, v7  }
0xb5: {  	v17 =	vsel vm1, v1, v4;
	v18 =	vperm.xlane v11, v15;
	v12 =	vmax.f32 v14, v12  }
0xb6: {  	v8 =	vmax.f32 v8, v13;
	v13 =	vperm.xlane v12, v15;
	v7 =	vmax.f32 v9, v7  }
0xb7: {  	v14 =	vperm.xlane v8, v16;
	v11 =	vmax.f32 v11, v18;
	v15 =	vperm.xlane v7, v15;
	v9 =	vld.idx.msk [tilespmem:v10+s4+$0x0], $0xffff  }
0xb8: {  	v18 =	vsel vm3, $0x2710, v10;
	v20 =	vperm.xlane v11, v16;
	v12 =	vmax.f32 v12, v13;
	v19 =	vld.idx.msk [tilespmem:v10+s15+$0x0], $0xffff  }
0xb9: {  	v8 =	vmax.f32 v8, v14;
	v14 =	vperm.xlane v12, v16;
	v7 =	vmax.f32 v7, v15;
	v13 =	vld.idx.msk [tilespmem:v10+s16+$0x0], $0xffff  }
0xba: {  	v21 =	vperm.xlane v8, v17;
	v11 =	vmax.f32 v11, v20;
	v16 =	vperm.xlane v7, v16;
	v10 =	vld.idx.msk [tilespmem:v10+s17+$0x0], $0xffff  }
0xbb: {  	v20 =	vperm.xlane v11, v17;
	v12 =	vmax.f32 v12, v14  }
0xbc: {  	v8 =	vmax.f32 v8, v21;
	v14 =	vperm.xlane v12, v17;
	v7 =	vmax.f32 v7, v16  }
0xbd: {  	v8 =	vmax.f32 v8, v9;
	v9 =	vmax.f32 v11, v20;
	v11 =	vperm.xlane v7, v17;
	v15, _, _ =	vpop (xrf1)  }
0xbe: {  	v9 =	vmax.f32 v9, v19;
	v12 =	vmax.f32 v12, v14;
	[tilespmem:v18+s4+$0x0] =	vst.idx.msk $0xffff, v8;
	v8 =	vand.u32 $0x3FFF, v15  }
0xbf: {  	v14 =	vshrl.u32 v15, $0xE;
	v12 =	vmax.f32 v12, v13;
	v7 =	vmax.f32 v7, v11;
	[tilespmem:v18+s15+$0x0] =	vst.idx.msk $0xffff, v9  }
0xc0: {  	v7 =	vmax.f32 v7, v10;
	v9 =	vperm.xlane v14, v0;
	[tilespmem:v18+s16+$0x0] =	vst.idx.msk $0xffff, v12  }
0xc1: {  	v10 =	vperm.xlane v14, v5;
	[tilespmem:v18+s17+$0x0] =	vst.idx.msk $0xffff, v7;
	v7 =	vperm.xlane v14, v3  }
0xc2: {  	v12 =	vperm.xlane v14, v6;
	vm1 =	veq.s32 v9, v14;
	v9 =	vperm.xlane v14, v1;
	v11 =	vld [tilespmem:s28+$0x140B0]  }
0xc3: {  	vm3 =	veq.s32 v10, v14;
	vm2 =	veq.s32 v7, v14;
	v7 =	vld.idx.msk [tilespmem:v8+s10+$0x0], $0xffff  }
0xc4: {  	vm5 =	veq.s32 v12, v14;
	vm4 =	veq.s32 v9, v14;
	v9 =	vld.idx.msk [tilespmem:v8+s18+$0x0], $0xffff  }
0xc5: {  	v10 =	vld.idx.msk [tilespmem:v8+s19+$0x0], $0xffff  }
0xc6: {  	v8 =	vld.idx.msk [tilespmem:v8+s20+$0x0], $0xffff  }
0xc7: {  	(xrf1) =	vsort.ascd.msk.u32 $0xffff, v11, v11  }
0xc8: {  	v11 =	vsel vm1, v0, v4  }
0xc9: {  	v12 =	vperm.xlane v7, v11  }
0xca: {  	v13 =	vsel vm4, v1, v4;
	vm1 =	vmand vm5, vm0;
	v15 =	vperm.xlane v9, v11  }
0xcb: {  	v16 =	vsel vm2, v3, v4;
	v7 =	vmax.f32 v7, v12;
	v12 =	vperm.xlane v10, v11  }
0xcc: {  	v17 =	vperm.xlane v7, v16;
	v9 =	vmax.f32 v9, v15;
	v11 =	vperm.xlane v8, v11  }
0xcd: {  	v15 =	vsel vm3, v5, v4;
	v18 =	vperm.xlane v9, v16;
	v10 =	vmax.f32 v10, v12  }
0xce: {  	v7 =	vmax.f32 v7, v17;
	v12 =	vperm.xlane v10, v16;
	v8 =	vmax.f32 v8, v11  }
0xcf: {  	v17 =	vperm.xlane v7, v15;
	v9 =	vmax.f32 v9, v18;
	v16 =	vperm.xlane v8, v16;
	v11 =	vld.idx.msk [tilespmem:v14+s4+$0x0], $0xffff  }
0xd0: {  	v18 =	vsel vm1, $0x2710, v14;
	v20 =	vperm.xlane v9, v15;
	v10 =	vmax.f32 v10, v12;
	v19 =	vld.idx.msk [tilespmem:v14+s15+$0x0], $0xffff  }
0xd1: {  	v7 =	vmax.f32 v7, v17;
	v17 =	vperm.xlane v10, v15;
	v8 =	vmax.f32 v8, v16;
	v12 =	vld.idx.msk [tilespmem:v14+s16+$0x0], $0xffff  }
0xd2: {  	v16 =	vperm.xlane v7, v13;
	v9 =	vmax.f32 v9, v20;
	v15 =	vperm.xlane v8, v15;
	v14 =	vld.idx.msk [tilespmem:v14+s17+$0x0], $0xffff  }
0xd3: {  	v20 =	vperm.xlane v9, v13;
	v10 =	vmax.f32 v10, v17  }
0xd4: {  	v7 =	vmax.f32 v7, v16;
	v16 =	vperm.xlane v10, v13;
	v8 =	vmax.f32 v8, v15  }
0xd5: {  	v7 =	vmax.f32 v7, v11;
	v9 =	vmax.f32 v9, v20;
	v11 =	vperm.xlane v8, v13;
	v13, _, _ =	vpop (xrf1)  }
0xd6: {  	v9 =	vmax.f32 v9, v19;
	v10 =	vmax.f32 v10, v16;
	[tilespmem:v18+s4+$0x0] =	vst.idx.msk $0xffff, v7;
	v7 =	vand.u32 $0x3FFF, v13  }
0xd7: {  	v13 =	vshrl.u32 v13, $0xE;
	v10 =	vmax.f32 v10, v12;
	v8 =	vmax.f32 v8, v11;
	[tilespmem:v18+s15+$0x0] =	vst.idx.msk $0xffff, v9  }
0xd8: {  	v8 =	vmax.f32 v8, v14;
	v9 =	vperm.xlane v13, v5;
	[tilespmem:v18+s16+$0x0] =	vst.idx.msk $0xffff, v10  }
0xd9: {  	v10 =	vperm.xlane v13, v3;
	[tilespmem:v18+s17+$0x0] =	vst.idx.msk $0xffff, v8;
	v8 =	vperm.xlane v13, v0  }
0xda: {  	v11 =	vperm.xlane v13, v1;
	v12 =	vperm.xlane v13, v6  }
0xdb: {  	vm4 =	veq.s32 v9, v13;
	vm3 =	veq.s32 v10, v13;
	vm2 =	veq.s32 v8, v13;
	v14 =	vld.idx.msk [tilespmem:v7+s10+$0x0], $0xffff  }
0xdc: {  	vm1 =	veq.s32 v11, v13;
	vm5 =	veq.s32 v12, v13;
	v11 =	vld.idx.msk [tilespmem:v7+s19+$0x0], $0xffff  }
0xdd: {  	vm5 =	vmand vm5, vm0;
	v12 =	vld.idx.msk [tilespmem:v7+s18+$0x0], $0xffff  }
0xde: {  	v15 =	vld.idx.msk [tilespmem:v7+s20+$0x0], $0xffff  }
0xdf: {  	v16 =	vld.idx.msk [tilespmem:v13+s4+$0x0], $0xffff  }
0xe0: {  	v17 =	vsel vm2, v0, v4;
	v9 =	vld.idx.msk [tilespmem:v13+s15+$0x0], $0xffff  }
0xe1: {  	v18 =	vperm.xlane v14, v17;
	v8 =	vld.idx.msk [tilespmem:v13+s16+$0x0], $0xffff  }
0xe2: {  	v7 =	vsel vm5, $0x2710, v13;
	v10 =	vld.idx.msk [tilespmem:v13+s17+$0x0], $0xffff;
	v13 =	vperm.xlane v11, v17  }
0xe3: {  	v19 =	vsel vm3, v3, v4;
	v14 =	vmax.f32 v14, v18;
	v18 =	vperm.xlane v12, v17  }
0xe4: {  	v20 =	vperm.xlane v14, v19;
	v11 =	vmax.f32 v11, v13;
	v13 =	vperm.xlane v15, v17  }
0xe5: {  	v17 =	vsel vm4, v5, v4;
	v12 =	vmax.f32 v12, v18;
	v18 =	vperm.xlane v11, v19  }
0xe6: {  	v14 =	vmax.f32 v14, v20;
	v20 =	vperm.xlane v12, v19;
	v13 =	vmax.f32 v15, v13  }
0xe7: {  	v15 =	vperm.xlane v14, v17;
	v11 =	vmax.f32 v11, v18;
	v18 =	vperm.xlane v13, v19  }
0xe8: {  	v19 =	vsel vm1, v1, v4;
	v12 =	vmax.f32 v12, v20;
	v20 =	vperm.xlane v11, v17  }
.Ltmp1:
0xe9: {  	v14 =	vmax.f32 v14, v15;
	v15 =	vperm.xlane v12, v17;
	v13 =	vmax.f32 v13, v18;
	(pc) =	sbr.rel @p0 .LBB2_5-.Ltmp1, $4  }
0xea: {  	v18 =	vperm.xlane v14, v19;
	v20 =	vmax.f32 v11, v20;
	v17 =	vperm.xlane v13, v17  }
0xeb: {  	v11 =	vmax.f32 v12, v15;
	v21 =	vperm.xlane v20, v19  }
0xec: {  	v14 =	vmax.f32 v14, v18;
	v15 =	vperm.xlane v11, v19;
	v12 =	vmax.f32 v13, v17  }
0xed: {  	v14 =	vmax.f32 v14, v16;
	v13 =	vmax.f32 v20, v21;
	v16 =	vperm.xlane v12, v19  }
0xee: {  	p0 =	seq.s32 s24, $0x13  }
0xef: {  	s25 =	sadd.s32 @!p0 s25, s7  }
0xf0: {  	s26 =	sadd.s32 @!p0 $0xFFFFFFD8, s25  }
0xf1: {  	v11 =	vmax.f32 v11, v15;
	s25 =	smin.u32 @!p0 s26, s25  }
0xf2: {  	[tilespmem:v7+s4+$0x0] =	vst.idx.msk $0xffff, v14;
	v9 =	vmax.f32 v11, v9;
	s25 =	smul.u32 @!p0 $0x1F40, s25  }
0xf3: {  	v8 =	vmax.f32 v13, v8;
	v11 =	vmax.f32 v12, v16;
	[tilespmem:v7+s15+$0x0] =	vst.idx.msk $0xffff, v9  }
0xf4: {  	v9 =	vmax.f32 v11, v10;
	[tilespmem:v7+s16+$0x0] =	vst.idx.msk $0xffff, v8;
	s25 =	sshrl.u32 @!p0 s25, $0x3  }
0xf5: {  	s28 =	simm.s32 @!p0 $0x14080;
	s26 =	simm.s32 @!p0 $0x0;
	[tilespmem:v7+s17+$0x0] =	vst.idx.msk $0xffff, v9;
	s25 =	sadd.s32 @!p0 s2, s25  }
0xf6: {  	[tilespmem:s28], [sflag:$0x2] =	stream.linear.gather @!p0 [hbm4b:s25+s26], $0x1F40, $0x38;
	[tilespmem:$0x17F80] =	vst v63  }
0xf7: {  	_ =	swait.ge [sflag:s14], $0x1F40  }
0xf8: {  	[sflag:s14] =	ssyncset.done $0x0  }
0xf9: {  	s31 =	simm.s32 $0x0;
	[sflag:s14] =	ssyncadd.s32 $0xFFFFE0C0  }
0xfa: {  	v7 =	vld [tilespmem:s31+$0x16000];
	_ =	sdelay $0x4  }
0xfb: {  	(xrf1) =	vsort.ascd.msk.u32 $0xffff, v7, v7;
	_ =	sdelay $0xd  }
0xfc: {  	v7, _, _ =	vpop (xrf1)  }
0xfd: {  	v8 =	vand.u32 $0x3FFF, v7;
	_ =	sdelay $0x2  }
0xfe: {  	v9 =	vld [tilespmem:s31+$0x16010];
	_ =	sdelay $0x1  }
0xff: {  	v10 =	vld.idx.msk [tilespmem:v8+s10+$0x0], $0xffff  }
0x100: {  	v7 =	vshrl.u32 v7, $0xE;
	v13 =	vld.idx.msk [tilespmem:v8+s18+$0x0], $0xffff  }
0x101: {  	v11 =	vperm.xlane v7, v0;
	v12 =	vperm.xlane v7, v3;
	v16 =	vld.idx.msk [tilespmem:v8+s19+$0x0], $0xffff  }
0x102: {  	(xrf1) =	vsort.ascd.msk.u32 $0xffff, v9, v9;
	v14 =	vperm.xlane v7, v5;
	v15 =	vperm.xlane v7, v6;
	v8 =	vld.idx.msk [tilespmem:v8+s20+$0x0], $0xffff  }
0x103: {  	vm1 =	veq.s32 v11, v7;
	vm2 =	veq.s32 v12, v7;
	v11 =	vperm.xlane v7, v1  }
0x104: {  	vm3 =	veq.s32 v14, v7;
	v9 =	vsel vm1, v0, v4;
	vm1 =	veq.s32 v15, v7  }
0x105: {  	v15 =	vsel vm2, v3, v4;
	vm4 =	veq.s32 v11, v7;
	v11 =	vperm.xlane v10, v9  }
0x106: {  	vm1 =	vmand vm1, vm0;
	v12 =	vsel vm4, v1, v4;
	v14 =	vperm.xlane v13, v9  }
0x107: {  	v10 =	vmax.f32 v10, v11;
	v11 =	vperm.xlane v16, v9;
	v9 =	vperm.xlane v8, v9  }
0x108: {  	v13 =	vmax.f32 v13, v14;
	v14 =	vsel vm3, v5, v4;
	v17 =	vperm.xlane v10, v15  }
0x109: {  	v18 =	vperm.xlane v13, v15;
	v11 =	vmax.f32 v16, v11;
	v8 =	vmax.f32 v8, v9  }
0x10a: {  	v10 =	vmax.f32 v10, v17;
	v16 =	vperm.xlane v11, v15;
	v15 =	vperm.xlane v8, v15  }
0x10b: {  	v13 =	vmax.f32 v13, v18;
	v18 =	vsel vm1, $0x2710, v7;
	v9 =	vperm.xlane v10, v14  }
0x10c: {  	v17 =	vld.idx.msk [tilespmem:v7+s4+$0x0], $0xffff;
	v19 =	vperm.xlane v13, v14;
	v11 =	vmax.f32 v11, v16;
	v8 =	vmax.f32 v8, v15  }
0x10d: {  	v16 =	vld.idx.msk [tilespmem:v7+s15+$0x0], $0xffff;
	v9 =	vmax.f32 v10, v9;
	v10 =	vperm.xlane v11, v14;
	v14 =	vperm.xlane v8, v14  }
0x10e: {  	v15 =	vld.idx.msk [tilespmem:v7+s16+$0x0], $0xffff;
	v13 =	vmax.f32 v13, v19;
	v20 =	vperm.xlane v9, v12  }
0x10f: {  	v7 =	vld.idx.msk [tilespmem:v7+s17+$0x0], $0xffff;
	v19 =	vperm.xlane v13, v12;
	v10 =	vmax.f32 v11, v10  }
0x110: {  	v8 =	vmax.f32 v8, v14;
	v9 =	vmax.f32 v9, v20;
	v11 =	vperm.xlane v10, v12  }
0x111: {  	v13 =	vmax.f32 v13, v19;
	v12 =	vperm.xlane v8, v12;
	v9 =	vmax.f32 v9, v17;
	v14, _, _ =	vpop (xrf1)  }
0x112: {  	v13 =	vmax.f32 v13, v16;
	v10 =	vmax.f32 v10, v11;
	[tilespmem:v18+s4+$0x0] =	vst.idx.msk $0xffff, v9;
	v9 =	vand.u32 $0x3FFF, v14  }
0x113: {  	v8 =	vmax.f32 v8, v12;
	v10 =	vmax.f32 v10, v15;
	[tilespmem:v18+s15+$0x0] =	vst.idx.msk $0xffff, v13  }
0x114: {  	v7 =	vmax.f32 v8, v7;
	[tilespmem:v18+s16+$0x0] =	vst.idx.msk $0xffff, v10  }
0x115: {  	[tilespmem:v18+s17+$0x0] =	vst.idx.msk $0xffff, v7  }
0x116: {  	v7 =	vld [tilespmem:s31+$0x16020]  }
0x117: {  	v10 =	vshrl.u32 v14, $0xE;
	v8 =	vld.idx.msk [tilespmem:v9+s10+$0x0], $0xffff  }
0x118: {  	v12 =	vperm.xlane v10, v0;
	v11 =	vld.idx.msk [tilespmem:v9+s18+$0x0], $0xffff  }
0x119: {  	v13 =	vperm.xlane v10, v3;
	v16 =	vperm.xlane v10, v6;
	v14 =	vld.idx.msk [tilespmem:v9+s19+$0x0], $0xffff  }
0x11a: {  	v15 =	vperm.xlane v10, v5;
	v9 =	vld.idx.msk [tilespmem:v9+s20+$0x0], $0xffff;
	vm1 =	veq.s32 v12, v10  }
0x11b: {  	vm2 =	veq.s32 v13, v10;
	vm3 =	veq.s32 v16, v10;
	(xrf1) =	vsort.ascd.msk.u32 $0xffff, v7, v7  }
0x11c: {  	v12 =	vperm.xlane v10, v1;
	vm3 =	vmand vm3, vm0;
	v7 =	vsel vm1, v0, v4  }
0x11d: {  	vm1 =	veq.s32 v15, v10;
	v15 =	vsel vm2, v3, v4;
	v13 =	vperm.xlane v8, v7  }
0x11e: {  	v16 =	vsel vm1, v5, v4;
	v17 =	vperm.xlane v11, v7;
	vm1 =	veq.s32 v12, v10  }
0x11f: {  	v12 =	vperm.xlane v14, v7;
	v7 =	vperm.xlane v9, v7;
	v8 =	vmax.f32 v8, v13  }
0x120: {  	v11 =	vmax.f32 v11, v17;
	v17 =	vsel vm1, v1, v4;
	v13 =	vperm.xlane v8, v15  }
0x121: {  	v12 =	vmax.f32 v14, v12;
	v7 =	vmax.f32 v9, v7;
	v18 =	vperm.xlane v11, v15  }
0x122: {  	v14 =	vperm.xlane v7, v15;
	v8 =	vmax.f32 v8, v13;
	v13 =	vperm.xlane v12, v15  }
0x123: {  	v11 =	vmax.f32 v11, v18;
	v18 =	vsel vm3, $0x2710, v10;
	v9 =	vperm.xlane v8, v16  }
0x124: {  	v15 =	vld.idx.msk [tilespmem:v10+s4+$0x0], $0xffff;
	v7 =	vmax.f32 v7, v14;
	v19 =	vperm.xlane v11, v16;
	v12 =	vmax.f32 v12, v13  }
0x125: {  	v13 =	vld.idx.msk [tilespmem:v10+s15+$0x0], $0xffff;
	v8 =	vmax.f32 v8, v9;
	v9 =	vperm.xlane v12, v16;
	v16 =	vperm.xlane v7, v16  }
0x126: {  	v14 =	vld.idx.msk [tilespmem:v10+s16+$0x0], $0xffff;
	v11 =	vmax.f32 v11, v19;
	v61 =	vperm.xlane v8, v17  }
0x127: {  	v10 =	vld.idx.msk [tilespmem:v10+s17+$0x0], $0xffff;
	v19 =	vperm.xlane v11, v17;
	v9 =	vmax.f32 v12, v9  }
0x128: {  	v7 =	vmax.f32 v7, v16;
	v8 =	vmax.f32 v8, v61;
	v12 =	vperm.xlane v9, v17  }
0x129: {  	v11 =	vmax.f32 v11, v19;
	v8 =	vmax.f32 v8, v15;
	v15 =	vperm.xlane v7, v17;
	v16, _, _ =	vpop (xrf1)  }
0x12a: {  	v11 =	vmax.f32 v11, v13;
	v9 =	vmax.f32 v9, v12;
	[tilespmem:v18+s4+$0x0] =	vst.idx.msk $0xffff, v8;
	v8 =	vand.u32 $0x3FFF, v16  }
0x12b: {  	v9 =	vmax.f32 v9, v14;
	v7 =	vmax.f32 v7, v15;
	[tilespmem:v18+s15+$0x0] =	vst.idx.msk $0xffff, v11  }
0x12c: {  	v7 =	vmax.f32 v7, v10;
	[tilespmem:v18+s16+$0x0] =	vst.idx.msk $0xffff, v9  }
0x12d: {  	[tilespmem:v18+s17+$0x0] =	vst.idx.msk $0xffff, v7  }
0x12e: {  	v7 =	vld [tilespmem:s31+$0x16030]  }
0x12f: {  	v9 =	vshrl.u32 v16, $0xE;
	v10 =	vld.idx.msk [tilespmem:v8+s10+$0x0], $0xffff  }
0x130: {  	v11 =	vperm.xlane v9, v0  }
0x131: {  	v13 =	vld.idx.msk [tilespmem:v8+s18+$0x0], $0xffff  }
0x132: {  	v12 =	vperm.xlane v9, v3;
	vm1 =	veq.s32 v11, v9;
	v11 =	vperm.xlane v9, v1;
	v14 =	vld.idx.msk [tilespmem:v8+s19+$0x0], $0xffff  }
0x133: {  	v15 =	vperm.xlane v9, v6;
	v8 =	vld.idx.msk [tilespmem:v8+s20+$0x0], $0xffff;
	v16 =	vsel vm1, v0, v4;
	(xrf1) =	vsort.ascd.msk.u32 $0xffff, v7, v7  }
0x134: {  	vm1 =	veq.s32 v12, v9;
	vm2 =	veq.s32 v11, v9;
	v11 =	vperm.xlane v10, v16  }
0x135: {  	vm14 =	veq.s32 v15, v9;
	v15 =	vsel vm1, v3, v4;
	v7 =	vperm.xlane v9, v5  }
0x136: {  	vm1 =	vmand vm14, vm0;
	v12 =	vperm.xlane v13, v16;
	v10 =	vmax.f32 v10, v11  }
0x137: {  	vm3 =	veq.s32 v7, v9;
	v7 =	vsel vm2, v1, v4;
	v17 =	vperm.xlane v10, v15  }
0x138: {  	v11 =	vperm.xlane v14, v16;
	v12 =	vmax.f32 v13, v12;
	v13 =	vperm.xlane v8, v16  }
0x139: {  	v16 =	vsel vm3, v5, v4;
	v18 =	vperm.xlane v12, v15;
	v10 =	vmax.f32 v10, v17  }
0x13a: {  	v11 =	vmax.f32 v14, v11;
	v8 =	vmax.f32 v8, v13;
	v13 =	vperm.xlane v10, v16  }
0x13b: {  	v14 =	vperm.xlane v11, v15;
	v12 =	vmax.f32 v12, v18;
	v15 =	vperm.xlane v8, v15  }
0x13c: {  	v18 =	vsel vm1, $0x2710, v9;
	v19 =	vperm.xlane v12, v16;
	v10 =	vmax.f32 v10, v13  }
0x13d: {  	v17 =	vld.idx.msk [tilespmem:v9+s4+$0x0], $0xffff;
	v11 =	vmax.f32 v11, v14;
	v8 =	vmax.f32 v8, v15;
	v15 =	vperm.xlane v10, v7  }
0x13e: {  	v13 =	vld.idx.msk [tilespmem:v9+s15+$0x0], $0xffff;
	v14 =	vperm.xlane v11, v16;
	v12 =	vmax.f32 v12, v19;
	v16 =	vperm.xlane v8, v16  }
0x13f: {  	v62 =	vld.idx.msk [tilespmem:v9+s16+$0x0], $0xffff;
	v19 =	vperm.xlane v12, v7  }
0x140: {  	v9 =	vld.idx.msk [tilespmem:v9+s17+$0x0], $0xffff;
	v11 =	vmax.f32 v11, v14;
	v8 =	vmax.f32 v8, v16  }
0x141: {  	v10 =	vmax.f32 v10, v15;
	v14 =	vperm.xlane v11, v7;
	v12 =	vmax.f32 v12, v19;
	v15, _, _ =	vpop (xrf1)  }
0x142: {  	v7 =	vperm.xlane v8, v7;
	v10 =	vmax.f32 v10, v17;
	v16 =	vand.u32 $0x3FFF, v15  }
0x143: {  	v12 =	vmax.f32 v12, v13;
	v11 =	vmax.f32 v11, v14;
	[tilespmem:v18+s4+$0x0] =	vst.idx.msk $0xffff, v10  }
0x144: {  	v7 =	vmax.f32 v8, v7;
	v10 =	vmax.f32 v11, v62;
	[tilespmem:v18+s15+$0x0] =	vst.idx.msk $0xffff, v12  }
0x145: {  	v7 =	vmax.f32 v7, v9;
	[tilespmem:v18+s16+$0x0] =	vst.idx.msk $0xffff, v10  }
0x146: {  	[tilespmem:v18+s17+$0x0] =	vst.idx.msk $0xffff, v7  }
0x147: {  	v10 =	vshrl.u32 v15, $0xE;
	v7 =	vld.idx.msk [tilespmem:v16+s10+$0x0], $0xffff  }
0x148: {  	v8 =	vperm.xlane v10, v0  }
0x149: {  	v11 =	vperm.xlane v10, v3;
	v9 =	vld.idx.msk [tilespmem:v16+s19+$0x0], $0xffff  }
0x14a: {  	v13 =	vperm.xlane v10, v5;
	v14 =	vperm.xlane v10, v6;
	vm1 =	veq.s32 v8, v10;
	v12 =	vld.idx.msk [tilespmem:v16+s18+$0x0], $0xffff  }
0x14b: {  	v15 =	vperm.xlane v10, v1;
	vm2 =	veq.s32 v11, v10;
	v8 =	vld.idx.msk [tilespmem:v16+s20+$0x0], $0xffff;
	v11 =	vsel vm1, v0, v4  }
0x14c: {  	vm1 =	veq.s32 v13, v10;
	v13 =	vperm.xlane v7, v11  }
0x14d: {  	vm3 =	veq.s32 v14, v10;
	vm15 =	veq.s32 v15, v10  }
0x14e: {  	v15 =	vsel vm2, v3, v4;
	v14 =	vperm.xlane v9, v11;
	v7 =	vmax.f32 v7, v13  }
0x14f: {  	vm3 =	vmand vm3, vm0;
	v13 =	vperm.xlane v12, v11;
	v16 =	vperm.xlane v7, v15  }
0x150: {  	v9 =	vmax.f32 v9, v14;
	v11 =	vperm.xlane v8, v11;
	v14 =	vsel vm1, v5, v4  }
0x151: {  	v12 =	vmax.f32 v12, v13;
	v13 =	vperm.xlane v9, v15;
	v7 =	vmax.f32 v7, v16  }
0x152: {  	v8 =	vmax.f32 v8, v11;
	v16 =	vperm.xlane v12, v15;
	v11 =	vperm.xlane v7, v14  }
0x153: {  	v18 =	vsel vm15, v1, v4;
	v9 =	vmax.f32 v9, v13;
	v13 =	vperm.xlane v8, v15  }
0x154: {  	v17 =	vld.idx.msk [tilespmem:v10+s4+$0x0], $0xffff;
	v12 =	vmax.f32 v12, v16;
	v15 =	vperm.xlane v9, v14;
	v16 =	vmax.f32 v7, v11  }
0x155: {  	v11 =	vperm.xlane v12, v14;
	v13 =	vmax.f32 v8, v13;
	v7 =	vsel vm3, $0x2710, v10  }
0x156: {  	v19 =	vperm.xlane v16, v18;
	v63 =	vmax.f32 v9, v15;
	v14 =	vperm.xlane v13, v14;
	v9 =	vld.idx.msk [tilespmem:v10+s15+$0x0], $0xffff  }
0x157: {  	v8 =	vld.idx.msk [tilespmem:v10+s16+$0x0], $0xffff;
	v11 =	vmax.f32 v12, v11;
	v21 =	vperm.xlane v63, v18  }
0x158: {  	v10 =	vld.idx.msk [tilespmem:v10+s17+$0x0], $0xffff;
	v16 =	vmax.f32 v16, v19;
	v15 =	vperm.xlane v11, v18;
	v12 =	vmax.f32 v13, v14  }
0x159: {  	s25 =	simm.s32 $0x100;
	v14 =	vmax.f32 v16, v17;
	v13 =	vmax.f32 v63, v21;
	v16 =	vperm.xlane v12, v18  }
.LBB2_7:
0x15a: {  	p0 =	sne.s32 s25, $0x7C00;
	v11 =	vmax.f32 v11, v15;
	s26 =	smov.u32 s25;
	s25 =	sadd.s32 $0x100, s25  }
0x15b: {  	v9 =	vmax.f32 v11, v9;
	v11 =	vmax.f32 v12, v16;
	[tilespmem:v7+s4+$0x0] =	vst.idx.msk $0xffff, v14  }
0x15c: {  	v8 =	vmax.f32 v13, v8;
	s26 =	sshra.s32 s26, $0x2;
	[tilespmem:v7+s15+$0x0] =	vst.idx.msk $0xffff, v9  }
0x15d: {  	v9 =	vmax.f32 v11, v10;
	[tilespmem:v7+s16+$0x0] =	vst.idx.msk $0xffff, v8  }
0x15e: {  	[tilespmem:v7+s17+$0x0] =	vst.idx.msk $0xffff, v9  }
0x15f: {  	v7 =	vld [tilespmem:s26+$0x16000];
	_ =	sdelay $0x4  }
0x160: {  	(xrf1) =	vsort.ascd.msk.u32 $0xffff, v7, v7;
	_ =	sdelay $0xd  }
0x161: {  	v7, _, _ =	vpop (xrf1)  }
0x162: {  	v8 =	vshrl.u32 v7, $0xE;
	v7 =	vand.u32 $0x3FFF, v7  }
0x163: {  	v9 =	vperm.xlane v8, v0;
	v10 =	vperm.xlane v8, v3  }
0x164: {  	v11 =	vperm.xlane v8, v5;
	v12 =	vperm.xlane v8, v6  }
0x165: {  	vm2 =	veq.s32 v9, v8;
	vm3 =	veq.s32 v10, v8;
	v9 =	vperm.xlane v8, v1  }
0x166: {  	vm4 =	veq.s32 v11, v8;
	vm1 =	veq.s32 v12, v8;
	v10 =	vld [tilespmem:s26+$0x16010]  }
0x167: {  	vm1 =	vmand vm1, vm0;
	vm5 =	veq.s32 v9, v8;
	v9 =	vld.idx.msk [tilespmem:v7+s10+$0x0], $0xffff  }
0x168: {  	v11 =	vld.idx.msk [tilespmem:v7+s18+$0x0], $0xffff  }
0x169: {  	v12 =	vld.idx.msk [tilespmem:v7+s19+$0x0], $0xffff  }
0x16a: {  	v7 =	vld.idx.msk [tilespmem:v7+s20+$0x0], $0xffff  }
0x16b: {  	(xrf1) =	vsort.ascd.msk.u32 $0xffff, v10, v10  }
0x16c: {  	v10 =	vsel vm2, v0, v4  }
0x16d: {  	v13 =	vperm.xlane v9, v10  }
0x16e: {  	v14 =	vsel vm5, v1, v4;
	v15 =	vperm.xlane v11, v10  }
0x16f: {  	v16 =	vsel vm3, v3, v4;
	v9 =	vmax.f32 v9, v13;
	v13 =	vperm.xlane v12, v10  }
0x170: {  	v17 =	vperm.xlane v9, v16;
	v11 =	vmax.f32 v11, v15;
	v10 =	vperm.xlane v7, v10  }
0x171: {  	v15 =	vsel vm4, v5, v4;
	v18 =	vperm.xlane v11, v16;
	v12 =	vmax.f32 v12, v13  }
0x172: {  	v9 =	vmax.f32 v9, v17;
	v13 =	vperm.xlane v12, v16;
	v7 =	vmax.f32 v7, v10  }
0x173: {  	v17 =	vperm.xlane v9, v15;
	v11 =	vmax.f32 v11, v18;
	v16 =	vperm.xlane v7, v16;
	v10 =	vld.idx.msk [tilespmem:v8+s4+$0x0], $0xffff  }
0x174: {  	v18 =	vsel vm1, $0x2710, v8;
	v20 =	vperm.xlane v11, v15;
	v12 =	vmax.f32 v12, v13;
	v19 =	vld.idx.msk [tilespmem:v8+s15+$0x0], $0xffff  }
0x175: {  	v9 =	vmax.f32 v9, v17;
	v17 =	vperm.xlane v12, v15;
	v7 =	vmax.f32 v7, v16;
	v13 =	vld.idx.msk [tilespmem:v8+s16+$0x0], $0xffff  }
0x176: {  	v16 =	vperm.xlane v9, v14;
	v11 =	vmax.f32 v11, v20;
	v15 =	vperm.xlane v7, v15;
	v8 =	vld.idx.msk [tilespmem:v8+s17+$0x0], $0xffff  }
0x177: {  	v20 =	vperm.xlane v11, v14;
	v12 =	vmax.f32 v12, v17  }
0x178: {  	v9 =	vmax.f32 v9, v16;
	v16 =	vperm.xlane v12, v14;
	v7 =	vmax.f32 v7, v15  }
0x179: {  	v9 =	vmax.f32 v9, v10;
	v10 =	vmax.f32 v11, v20;
	v11 =	vperm.xlane v7, v14;
	v14, _, _ =	vpop (xrf1)  }
0x17a: {  	v10 =	vmax.f32 v10, v19;
	v12 =	vmax.f32 v12, v16;
	[tilespmem:v18+s4+$0x0] =	vst.idx.msk $0xffff, v9;
	v9 =	vand.u32 $0x3FFF, v14  }
0x17b: {  	v12 =	vmax.f32 v12, v13;
	v7 =	vmax.f32 v7, v11;
	[tilespmem:v18+s15+$0x0] =	vst.idx.msk $0xffff, v10  }
0x17c: {  	v7 =	vmax.f32 v7, v8;
	[tilespmem:v18+s16+$0x0] =	vst.idx.msk $0xffff, v12  }
0x17d: {  	[tilespmem:v18+s17+$0x0] =	vst.idx.msk $0xffff, v7  }
0x17e: {  	v7 =	vld [tilespmem:s26+$0x16020]  }
0x17f: {  	v8 =	vld.idx.msk [tilespmem:v9+s10+$0x0], $0xffff  }
0x180: {  	v10 =	vshrl.u32 v14, $0xE;
	v11 =	vld.idx.msk [tilespmem:v9+s18+$0x0], $0xffff  }
0x181: {  	v12 =	vperm.xlane v10, v0;
	v13 =	vperm.xlane v10, v3;
	v14 =	vld.idx.msk [tilespmem:v9+s19+$0x0], $0xffff  }
0x182: {  	v15 =	vperm.xlane v10, v5;
	v16 =	vperm.xlane v10, v6;
	v9 =	vld.idx.msk [tilespmem:v9+s20+$0x0], $0xffff  }
0x183: {  	vm1 =	veq.s32 v12, v10;
	vm2 =	veq.s32 v13, v10;
	(xrf1) =	vsort.ascd.msk.u32 $0xffff, v7, v7  }
0x184: {  	vm3 =	veq.s32 v16, v10;
	v7 =	vsel vm1, v0, v4;
	vm1 =	veq.s32 v15, v10  }
0x185: {  	v12 =	vperm.xlane v10, v1;
	vm3 =	vmand vm3, vm0;
	v13 =	vperm.xlane v8, v7  }
0x186: {  	v15 =	vsel vm2, v3, v4;
	v16 =	vsel vm1, v5, v4;
	v17 =	vperm.xlane v11, v7  }
0x187: {  	vm1 =	veq.s32 v12, v10;
	v8 =	vmax.f32 v8, v13;
	v12 =	vperm.xlane v14, v7  }
0x188: {  	v13 =	vperm.xlane v8, v15;
	v11 =	vmax.f32 v11, v17;
	v7 =	vperm.xlane v9, v7  }
0x189: {  	v17 =	vsel vm1, v1, v4;
	v18 =	vperm.xlane v11, v15;
	v12 =	vmax.f32 v14, v12  }
0x18a: {  	v8 =	vmax.f32 v8, v13;
	v13 =	vperm.xlane v12, v15;
	v7 =	vmax.f32 v9, v7  }
0x18b: {  	v14 =	vperm.xlane v8, v16;
	v11 =	vmax.f32 v11, v18;
	v15 =	vperm.xlane v7, v15;
	v9 =	vld.idx.msk [tilespmem:v10+s4+$0x0], $0xffff  }
0x18c: {  	v18 =	vsel vm3, $0x2710, v10;
	v20 =	vperm.xlane v11, v16;
	v12 =	vmax.f32 v12, v13;
	v19 =	vld.idx.msk [tilespmem:v10+s15+$0x0], $0xffff  }
0x18d: {  	v8 =	vmax.f32 v8, v14;
	v14 =	vperm.xlane v12, v16;
	v7 =	vmax.f32 v7, v15;
	v13 =	vld.idx.msk [tilespmem:v10+s16+$0x0], $0xffff  }
0x18e: {  	v21 =	vperm.xlane v8, v17;
	v11 =	vmax.f32 v11, v20;
	v16 =	vperm.xlane v7, v16;
	v10 =	vld.idx.msk [tilespmem:v10+s17+$0x0], $0xffff  }
0x18f: {  	v20 =	vperm.xlane v11, v17;
	v12 =	vmax.f32 v12, v14  }
0x190: {  	v8 =	vmax.f32 v8, v21;
	v14 =	vperm.xlane v12, v17;
	v7 =	vmax.f32 v7, v16  }
0x191: {  	v8 =	vmax.f32 v8, v9;
	v9 =	vmax.f32 v11, v20;
	v11 =	vperm.xlane v7, v17;
	v15, _, _ =	vpop (xrf1)  }
0x192: {  	v9 =	vmax.f32 v9, v19;
	v12 =	vmax.f32 v12, v14;
	[tilespmem:v18+s4+$0x0] =	vst.idx.msk $0xffff, v8;
	v8 =	vand.u32 $0x3FFF, v15  }
0x193: {  	v14 =	vshrl.u32 v15, $0xE;
	v12 =	vmax.f32 v12, v13;
	v7 =	vmax.f32 v7, v11;
	[tilespmem:v18+s15+$0x0] =	vst.idx.msk $0xffff, v9  }
0x194: {  	v7 =	vmax.f32 v7, v10;
	v9 =	vperm.xlane v14, v0;
	[tilespmem:v18+s16+$0x0] =	vst.idx.msk $0xffff, v12  }
0x195: {  	v10 =	vperm.xlane v14, v5;
	[tilespmem:v18+s17+$0x0] =	vst.idx.msk $0xffff, v7;
	v7 =	vperm.xlane v14, v3  }
0x196: {  	v12 =	vperm.xlane v14, v6;
	vm1 =	veq.s32 v9, v14;
	v9 =	vperm.xlane v14, v1;
	v11 =	vld [tilespmem:s26+$0x16030]  }
0x197: {  	vm3 =	veq.s32 v10, v14;
	vm2 =	veq.s32 v7, v14;
	v7 =	vld.idx.msk [tilespmem:v8+s10+$0x0], $0xffff  }
0x198: {  	vm5 =	veq.s32 v12, v14;
	vm4 =	veq.s32 v9, v14;
	v9 =	vld.idx.msk [tilespmem:v8+s18+$0x0], $0xffff  }
0x199: {  	v10 =	vld.idx.msk [tilespmem:v8+s19+$0x0], $0xffff  }
0x19a: {  	v8 =	vld.idx.msk [tilespmem:v8+s20+$0x0], $0xffff  }
0x19b: {  	(xrf1) =	vsort.ascd.msk.u32 $0xffff, v11, v11  }
0x19c: {  	v11 =	vsel vm1, v0, v4  }
0x19d: {  	v12 =	vperm.xlane v7, v11  }
0x19e: {  	v13 =	vsel vm4, v1, v4;
	vm1 =	vmand vm5, vm0;
	v15 =	vperm.xlane v9, v11  }
0x19f: {  	v16 =	vsel vm2, v3, v4;
	v7 =	vmax.f32 v7, v12;
	v12 =	vperm.xlane v10, v11  }
0x1a0: {  	v17 =	vperm.xlane v7, v16;
	v9 =	vmax.f32 v9, v15;
	v11 =	vperm.xlane v8, v11  }
0x1a1: {  	v15 =	vsel vm3, v5, v4;
	v18 =	vperm.xlane v9, v16;
	v10 =	vmax.f32 v10, v12  }
0x1a2: {  	v7 =	vmax.f32 v7, v17;
	v12 =	vperm.xlane v10, v16;
	v8 =	vmax.f32 v8, v11  }
0x1a3: {  	v17 =	vperm.xlane v7, v15;
	v9 =	vmax.f32 v9, v18;
	v16 =	vperm.xlane v8, v16;
	v11 =	vld.idx.msk [tilespmem:v14+s4+$0x0], $0xffff  }
0x1a4: {  	v18 =	vsel vm1, $0x2710, v14;
	v20 =	vperm.xlane v9, v15;
	v10 =	vmax.f32 v10, v12;
	v19 =	vld.idx.msk [tilespmem:v14+s15+$0x0], $0xffff  }
0x1a5: {  	v7 =	vmax.f32 v7, v17;
	v17 =	vperm.xlane v10, v15;
	v8 =	vmax.f32 v8, v16;
	v12 =	vld.idx.msk [tilespmem:v14+s16+$0x0], $0xffff  }
0x1a6: {  	v16 =	vperm.xlane v7, v13;
	v9 =	vmax.f32 v9, v20;
	v15 =	vperm.xlane v8, v15;
	v14 =	vld.idx.msk [tilespmem:v14+s17+$0x0], $0xffff  }
0x1a7: {  	v20 =	vperm.xlane v9, v13;
	v10 =	vmax.f32 v10, v17  }
0x1a8: {  	v7 =	vmax.f32 v7, v16;
	v16 =	vperm.xlane v10, v13;
	v8 =	vmax.f32 v8, v15  }
0x1a9: {  	v7 =	vmax.f32 v7, v11;
	v9 =	vmax.f32 v9, v20;
	v11 =	vperm.xlane v8, v13;
	v13, _, _ =	vpop (xrf1)  }
0x1aa: {  	v9 =	vmax.f32 v9, v19;
	v10 =	vmax.f32 v10, v16;
	[tilespmem:v18+s4+$0x0] =	vst.idx.msk $0xffff, v7;
	v7 =	vand.u32 $0x3FFF, v13  }
0x1ab: {  	v13 =	vshrl.u32 v13, $0xE;
	v10 =	vmax.f32 v10, v12;
	v8 =	vmax.f32 v8, v11;
	[tilespmem:v18+s15+$0x0] =	vst.idx.msk $0xffff, v9  }
0x1ac: {  	v8 =	vmax.f32 v8, v14;
	v9 =	vperm.xlane v13, v5;
	[tilespmem:v18+s16+$0x0] =	vst.idx.msk $0xffff, v10  }
0x1ad: {  	v10 =	vperm.xlane v13, v3;
	[tilespmem:v18+s17+$0x0] =	vst.idx.msk $0xffff, v8;
	v8 =	vperm.xlane v13, v0  }
0x1ae: {  	v11 =	vperm.xlane v13, v1;
	v12 =	vperm.xlane v13, v6  }
0x1af: {  	vm4 =	veq.s32 v9, v13;
	vm3 =	veq.s32 v10, v13;
	vm2 =	veq.s32 v8, v13;
	v14 =	vld.idx.msk [tilespmem:v7+s10+$0x0], $0xffff  }
0x1b0: {  	vm1 =	veq.s32 v11, v13;
	vm5 =	veq.s32 v12, v13;
	v11 =	vld.idx.msk [tilespmem:v7+s19+$0x0], $0xffff  }
0x1b1: {  	vm5 =	vmand vm5, vm0;
	v12 =	vld.idx.msk [tilespmem:v7+s18+$0x0], $0xffff  }
0x1b2: {  	v15 =	vld.idx.msk [tilespmem:v7+s20+$0x0], $0xffff  }
0x1b3: {  	v16 =	vld.idx.msk [tilespmem:v13+s4+$0x0], $0xffff  }
0x1b4: {  	v17 =	vsel vm2, v0, v4;
	v9 =	vld.idx.msk [tilespmem:v13+s15+$0x0], $0xffff  }
0x1b5: {  	v18 =	vperm.xlane v14, v17;
	v8 =	vld.idx.msk [tilespmem:v13+s16+$0x0], $0xffff  }
0x1b6: {  	v7 =	vsel vm5, $0x2710, v13;
	v10 =	vld.idx.msk [tilespmem:v13+s17+$0x0], $0xffff;
	v13 =	vperm.xlane v11, v17  }
0x1b7: {  	v19 =	vsel vm3, v3, v4;
	v14 =	vmax.f32 v14, v18;
	v18 =	vperm.xlane v12, v17  }
0x1b8: {  	v20 =	vperm.xlane v14, v19;
	v11 =	vmax.f32 v11, v13;
	v13 =	vperm.xlane v15, v17  }
0x1b9: {  	v17 =	vsel vm4, v5, v4;
	v12 =	vmax.f32 v12, v18;
	v18 =	vperm.xlane v11, v19  }
0x1ba: {  	v14 =	vmax.f32 v14, v20;
	v20 =	vperm.xlane v12, v19;
	v13 =	vmax.f32 v15, v13  }
0x1bb: {  	v15 =	vperm.xlane v14, v17;
	v11 =	vmax.f32 v11, v18;
	v18 =	vperm.xlane v13, v19  }
0x1bc: {  	v19 =	vsel vm1, v1, v4;
	v12 =	vmax.f32 v12, v20;
	v20 =	vperm.xlane v11, v17  }
.Ltmp2:
0x1bd: {  	v14 =	vmax.f32 v14, v15;
	v15 =	vperm.xlane v12, v17;
	v13 =	vmax.f32 v13, v18;
	(pc) =	sbr.rel @p0 .LBB2_7-.Ltmp2, $4  }
0x1be: {  	v18 =	vperm.xlane v14, v19;
	v20 =	vmax.f32 v11, v20;
	v17 =	vperm.xlane v13, v17  }
0x1bf: {  	v11 =	vmax.f32 v12, v15;
	v21 =	vperm.xlane v20, v19  }
0x1c0: {  	v14 =	vmax.f32 v14, v18;
	v15 =	vperm.xlane v11, v19;
	v12 =	vmax.f32 v13, v17  }
0x1c1: {  	v14 =	vmax.f32 v14, v16;
	v13 =	vmax.f32 v20, v21;
	v16 =	vperm.xlane v12, v19  }
0x1c2: {  	_ = 	snop  }
0x1c3: {  	s24 =	sadd.s32 $0x1, s24  }
0x1c4: {  	p0 =	sne.s32 s24, $0x14  }
.Ltmp3:
0x1c5: {  	v11 =	vmax.f32 v11, v15;
	(pc) =	sbr.rel @p0 .LBB2_4-.Ltmp3, $4  }
0x1c6: {  	[tilespmem:v7+s4+$0x0] =	vst.idx.msk $0xffff, v14;
	v9 =	vmax.f32 v11, v9  }
0x1c7: {  	v8 =	vmax.f32 v13, v8;
	v62 =	vmax.f32 v12, v16;
	[tilespmem:v7+s15+$0x0] =	vst.idx.msk $0xffff, v9  }
0x1c8: {  	v63 =	vmax.f32 v62, v10;
	[tilespmem:v7+s16+$0x0] =	vst.idx.msk $0xffff, v8  }
0x1c9: {  	[tilespmem:v7+s17+$0x0] =	vst.idx.msk $0xffff, v63  }
0x1ca: {  	s22 =	sadd.s32 $0x1, s22  }
0x1cb: {  	p0 =	sne.s32 s22, s9  }
.Ltmp4:
0x1cc: {  	_ = 	snop;
	(pc) =	sbr.rel @p0 .LBB2_1-.Ltmp4, $4  }
0x1cd: {  	[hbm4b:s8+s4] =	stream.linear.scatter [tilespmem:s4], [sflag:$0x3], $0xA000, $0x38;
	[tilespmem:$0x17F80] =	vst v63  }
0x1ce: {  	_ =	swait.ge [sflag:s21], $0xA000  }
0x1cf: {  	[sflag:s21] =	ssyncset.done $0x0  }
0x1d0: {  	[sflag:s21] =	ssyncadd.s32 $0xFFFF6000  }
0x1d1: {  	_ =	sfence.sel $0x180000  }
0x1d2: {  	[bflag:$0x0] =	sbarrier.arrive $0xFFFF  }
0x1d3: {  	p0 =	sne.s32 s0, $0x0;
	_ =	strace $0x90000047  }
0x1d4: {  	s0 =	sadd.s32 @!p0 $0x100000, s1;
	[bflag:$0x2] =	sbarrier.arrive $0xFFFF  }
0x1d5: {  	[sflag:s0] =	ssyncadd.tile.s32 @!p0 $0x1;
	_ =	shalt  }
.Lfunc_end2:
_tile_overlayer_lowered:
.L_overlay_start_2:
0x1d6: {  	(tag) =	ssettag $0x2  }
0x1d7: {  	s0 =	rddreg [dreg:$0x0];
	s2 =	stileid.u32  }
0x1d8: {  	s1 =	rddreg [dreg:$0x1];
	p0 =	sne.s32 s2, $0x0  }
0x1d9: {  	s3 =	rddreg [dreg:$0x2];
	[bflag:$0x3] =	sbarrier.arrive $0xFFFF;
	s2 =	simm.s32 @!p0 $0x1C03  }
0x1da: {  	[timem:s3], [sflag:s2] =	dma.local @!p0 [hbm:s0], s1  }
0x1db: {  	s0 =	simm.s32 @!p0 $0x3  }
0x1dc: {  	_ =	swait.ge @!p0 [sflag:s0], s1  }
0x1dd: {  	s1 =	ssub.s32 @!p0 $0x0, s1;
	[sflag:s0] =	ssyncset.done @!p0 $0x0  }
0x1de: {  	[sflag:s0] =	ssyncadd.s32 @!p0 s1  }
0x1df: {  	[bflag:$0x3] =	sbarrier.arrive $0xFFFF  }
0x1e0: {  	_ =	shalt  }

</sc_bundles>
